<compile_context>
chip_gen: v7x
topology: tpu7x:2x2x1
jax: 0.10.2.dev20260603
libtpu: 0.0.44.dev20260713+nightly
codegen_flags: <defaults>
</compile_context>

<pallas_src>
import functools

import jax
import jax.numpy as jnp
from jax import lax
from jax.experimental import pallas as pl
from jax.experimental.pallas import tpu as pltpu
from jax.experimental.pallas import tpu_sc as plsc

_LEFT = 32
_TILE = 256
_WIN = 384
_CHUNK_S = 1024
_CHUNK_R = _CHUNK_S + _TILE


def _sc_gather(M, C, idx_pad, base):
    V, D = M.shape
    info = plsc.get_sparse_core_info()
    nc, ns = info.num_cores, info.num_subcores
    nw = nc * ns
    b_per_w = _CHUNK_R // nw
    ch = 8
    depth = 6
    lag = 3
    mesh = plsc.VectorSubcoreMesh(core_axis_name="c", subcore_axis_name="s")

    @functools.partial(
        pl.kernel,
        mesh=mesh,
        out_type=[
            jax.ShapeDtypeStruct((_CHUNK_R, D), jnp.float32),
            jax.ShapeDtypeStruct((_CHUNK_R, D), jnp.float32),
        ],
        scratch_types=[
            pltpu.VMEM((b_per_w,), jnp.int32),
            pltpu.VMEM((depth, ch, D), jnp.float32),
        ]
        + [pltpu.SemaphoreType.DMA] * (2 * depth),
    )
    def gather_kernel(m_hbm, c_hbm, idx_hbm, outm_hbm, outc_hbm,
                      idx_v, rows_v, *sems):
        g_sems = sems[:depth]
        w_sems = sems[depth:]
        c = lax.axis_index("c")
        s = lax.axis_index("s")
        wid = s * nc + c
        wbase = wid * b_per_w
        pltpu.sync_copy(idx_hbm.at[pl.ds(base + wbase, b_per_w)], idx_v)

        jobs = []
        for u in range(b_per_w // ch):
            jobs.append((m_hbm, outm_hbm, u * ch))
            jobs.append((c_hbm, outc_hbm, u * ch))
        g_cp = [None] * len(jobs)
        w_cp = [None] * len(jobs)

        def writeback(j):
            src, dst, off = jobs[j]
            slot = j % depth
            g_cp[j].wait()
            w_cp[j] = pltpu.async_copy(
                rows_v.at[slot], dst.at[pl.ds(wbase + off, ch)], w_sems[slot])

        for j, (src, dst, off) in enumerate(jobs):
            slot = j % depth
            if j >= depth:
                w_cp[j - depth].wait()
            g_cp[j] = pltpu.async_copy(
                src.at[idx_v.at[pl.ds(off, ch)]], rows_v.at[slot], g_sems[slot])
            if j >= lag:
                writeback(j - lag)
        for j in range(max(len(jobs) - lag, 0), len(jobs)):
            writeback(j)
        for j in range(max(len(jobs) - depth, 0), len(jobs)):
            w_cp[j].wait()

    return gather_kernel(M, C, idx_pad)


def _attn_body(*refs):
    if len(refs) == 11:
        e_ref, m0_ref, m1_ref, m2_ref, c0_ref, c1_ref, c2_ref, out_ref, p_ref \
            = refs[2:]
    else:
        e_ref, m0_ref, m1_ref, m2_ref, c0_ref, c1_ref, c2_ref, out_ref, p_ref \
            = refs
    E = e_ref[0]
    Wm = jnp.concatenate([m0_ref[...], m1_ref[...], m2_ref[...]], axis=0)
    A = lax.dot_general(E, Wm, (((1,), (1,)), ((), ())),
                        preferred_element_type=jnp.float32)
    t_i = lax.broadcasted_iota(jnp.int32, (_TILE, _WIN), 0)
    c_i = lax.broadcasted_iota(jnp.int32, (_TILE, _WIN), 1)
    delta = c_i - t_i
    band = (delta >= 0) & (delta < _LEFT)
    Am = jnp.where(band, A, -1e30)
    m = jnp.max(Am, axis=1, keepdims=True)
    ex = jnp.exp(Am - m)
    denom = jnp.sum(ex, axis=1, keepdims=True)
    pn = ex / denom
    Wc = jnp.concatenate([c0_ref[...], c1_ref[...], c2_ref[...]], axis=0)
    comp = lax.dot_general(pn, Wc, (((1,), (0,)), ((), ())),
                           preferred_element_type=jnp.float32)
    D = E.shape[1]
    out_ref[0, :, :D] = comp
    out_ref[0, :, D:] = E
    x = pn
    for b in range(8):
        k = 1 << b
        rolled = jnp.concatenate([x[:, k:], x[:, :k]], axis=1)
        bit = (lax.broadcasted_iota(jnp.int32, (_TILE, _WIN), 0) >> b) & 1
        x = jnp.where(bit == 1, rolled, x)
    p_ref[0] = x[:, :_LEFT].T


def _attn_tc(enc, Mrows, Crows, out_prev, p_prev, tile_off):
    B, S, D = enc.shape
    ntiles = _CHUNK_S // _TILE
    data_specs = [
        pl.BlockSpec((1, _TILE, D), lambda i: (0, i + tile_off, 0)),
        pl.BlockSpec((128, D), lambda i: (2 * i, 0)),
        pl.BlockSpec((128, D), lambda i: (2 * i + 1, 0)),
        pl.BlockSpec((128, D), lambda i: (2 * i + 2, 0)),
        pl.BlockSpec((128, D), lambda i: (2 * i, 0)),
        pl.BlockSpec((128, D), lambda i: (2 * i + 1, 0)),
        pl.BlockSpec((128, D), lambda i: (2 * i + 2, 0)),
    ]
    data_args = (enc, Mrows, Mrows, Mrows, Crows, Crows, Crows)
    if out_prev is None:
        in_specs, args, aliases = data_specs, data_args, {}
    else:
        in_specs = [pl.BlockSpec(memory_space=pl.ANY),
                    pl.BlockSpec(memory_space=pl.ANY)] + data_specs
        args = (out_prev, p_prev) + data_args
        aliases = {0: 0, 1: 1}
    out, p = pl.pallas_call(
        _attn_body,
        grid=(ntiles,),
        in_specs=in_specs,
        out_specs=[
            pl.BlockSpec((1, _TILE, 2 * D), lambda i: (0, i + tile_off, 0)),
            pl.BlockSpec((1, _LEFT, _TILE), lambda i: (0, 0, i + tile_off)),
        ],
        out_shape=[
            jax.ShapeDtypeStruct((1, S, 2 * D), jnp.float32),
            jax.ShapeDtypeStruct((1, _LEFT, S), jnp.float32),
        ],
        input_output_aliases=aliases,
    )(*args)
    return out, p


def kernel(symbols, encodings, M, C):
    B, S = symbols.shape
    D = encodings.shape[-1]
    sym = symbols[0].astype(jnp.int32)
    n_pad = ((S + _LEFT - 1) // _TILE + 1) * _TILE
    idx_pad = lax.pad(sym, sym[0], [(_LEFT - 1, n_pad - S - (_LEFT - 1), 0)])
    n_chunks = S // _CHUNK_S
    rows = [_sc_gather(M, C, idx_pad, k * _CHUNK_S) for k in range(n_chunks)]
    out = jnp.zeros((1, S, 2 * D), jnp.float32)
    p = jnp.zeros((1, _LEFT, S), jnp.float32)
    for k, (Mr, Cr) in enumerate(rows):
        out, p = _attn_tc(encodings, Mr, Cr, out, p,
                          k * (_CHUNK_S // _TILE))
    return out, jnp.transpose(p, (0, 2, 1))

# --- scband reference (transcript-rebuilt; emitter-appended) ---
"""Pipeline reference for scband-attention-cell-25606595019318 (READ-ONLY COPY).

The authoritative reference and input builder live on the scoring server;
editing this copy changes nothing except your own understanding.
"""

import jax, jax.numpy as jnp
import numpy as np

LEFT = 32


def make_history(X, h):
    # X: int[B, S]. Returns contexts[B, S, h] where contexts[b, t, j] = X[b, t - h + 1 + j],
    # positions before the sequence start are padded with X[b, 0] (pad = symbols[:, :1]).
    B, S = X.shape
    pad = X[:, :1]
    cols = []
    for j in range(h):
        offset = h - 1 - j
        if offset > 0:
            shifted = jnp.concatenate([jnp.repeat(pad, offset, axis=1), X[:, : S - offset]], axis=1)
        else:
            shifted = X
        cols.append(shifted)
    return jnp.stack(cols, axis=-1)


def setup_inputs(seed: int = 0) -> dict:
    key = jax.random.key(seed)
    k1, k2, k3, k4 = jax.random.split(key, 4)
    B, S, D, V = 1, 2048, 768, 32000
    symbols = jax.random.randint(k1, (B, S), 0, V)
    encodings = jax.random.normal(k2, (B, S, D), dtype=jnp.float32)
    # learned attention embedding tables (uniform init, as in keras 'uniform')
    M = jax.random.uniform(k3, (V, D), minval=-0.05, maxval=0.05, dtype=jnp.float32)
    C = jax.random.uniform(k4, (V, D), minval=-0.05, maxval=0.05, dtype=jnp.float32)
    return {"symbols": symbols, "encodings": encodings, "M": M, "C": C}


def reference(symbols, encodings, M, C):
    # contexts: sliding history window of previous `left` symbols per position
    contexts = make_history(symbols, LEFT)          # [B, S, left] int
    Mg = jnp.take(M, contexts, axis=0)              # gather -> [B, S, left, D]
    Cg = jnp.take(C, contexts, axis=0)              # gather -> [B, S, left, D]
    # distributed_dot_softmax(M, encodings): per-position dot + softmax over window
    scores = jnp.einsum('bsld,bsd->bsl', Mg, encodings)
    p = jax.nn.softmax(scores, axis=-1)             # [B, S, left]
    # distributed_transposed_dot(C, p): attention-weighted sum of window embeddings
    compressed_context = jnp.einsum('bsl,bsld->bsd', p, Cg)  # [B, S, D]
    # merge == 'concatenate'
    output = jnp.concatenate([compressed_context, encodings], axis=-1)  # [B, S, 2D]
    return output, p

if __name__ == "__main__":
    import jax
    _d = setup_inputs()
    print(jax.jit(kernel)(*tuple(_d.values())))

</pallas_src>

<mosaic_0001>
#map = affine_map<(d0, d1) -> (0, 0)>
#map1 = affine_map<(d0, d1) -> (0)>
module attributes {stable_mosaic.version = 14 : i64} {
  func.func @gather_kernel(%arg0: i32, %arg1: i32, %arg2: memref<32000x768xf32, #tpu.memory_space<hbm>>, %arg3: memref<32000x768xf32, #tpu.memory_space<hbm>>, %arg4: memref<2304xi32, #tpu.memory_space<hbm>>, %arg5: memref<1280x768xf32, #tpu.memory_space<hbm>>, %arg6: memref<1280x768xf32, #tpu.memory_space<hbm>>, %arg7: memref<40xi32, #tpu.memory_space<vmem>>, %arg8: memref<6x8x768xf32, #tpu.memory_space<vmem>>, %arg9: memref<!tpu.dma_semaphore, #tpu.memory_space<semaphore_mem>>, %arg10: memref<!tpu.dma_semaphore, #tpu.memory_space<semaphore_mem>>, %arg11: memref<!tpu.dma_semaphore, #tpu.memory_space<semaphore_mem>>, %arg12: memref<!tpu.dma_semaphore, #tpu.memory_space<semaphore_mem>>, %arg13: memref<!tpu.dma_semaphore, #tpu.memory_space<semaphore_mem>>, %arg14: memref<!tpu.dma_semaphore, #tpu.memory_space<semaphore_mem>>, %arg15: memref<!tpu.dma_semaphore, #tpu.memory_space<semaphore_mem>>, %arg16: memref<!tpu.dma_semaphore, #tpu.memory_space<semaphore_mem>>, %arg17: memref<!tpu.dma_semaphore, #tpu.memory_space<semaphore_mem>>, %arg18: memref<!tpu.dma_semaphore, #tpu.memory_space<semaphore_mem>>, %arg19: memref<!tpu.dma_semaphore, #tpu.memory_space<semaphore_mem>>, %arg20: memref<!tpu.dma_semaphore, #tpu.memory_space<semaphore_mem>>) attributes {dimension_semantics = [#tpu.dimension_semantics<core_parallel>, #tpu.dimension_semantics<subcore_parallel>], iteration_bounds = array<i64: 2, 16>, scalar_prefetch = 0 : i64, scratch_operands = 14 : i64, tpu.core_type = #tpu.core_type<sc_vector_subcore>, window_params = [{transform_indices = #map}, {transform_indices = #map}, {transform_indices = #map1}, {transform_indices = #map}, {transform_indices = #map}]} {
    %mul3A = arith.constant 2 : i32
    %mul3A_0 = arith.muli %arg1, %mul3A : i32
    %add3A = arith.addi %mul3A_0, %arg0 : i32
    %mul3A_1 = arith.constant 40 : i32
    %mul3A_2 = arith.muli %add3A, %mul3A_1 : i32
    %add3A_3 = arith.constant 0 : i32
    %add3A_4 = arith.addi %add3A_3, %mul3A_2 : i32
    "tpu.region"() ({
      %run_scoped3A = tpu.sem_alloc : memref<!tpu.dma_semaphore, #tpu.memory_space<semaphore_mem>>
      %dma_start3A_483 = tpu.memref_slice %arg4[%add3A_4] : memref<2304xi32, #tpu.memory_space<hbm>> -> memref<40xi32, #tpu.memory_space<hbm>>
      %dma_start3A_484 = tpu.memref_slice %arg4[%add3A_4] : memref<2304xi32, #tpu.memory_space<hbm>> -> memref<40xi32, #tpu.memory_space<hbm>>
      tpu.enqueue_dma source(%dma_start3A_484 : memref<40xi32, #tpu.memory_space<hbm>>) target(%arg7 : memref<40xi32, #tpu.memory_space<vmem>>) target_semaphore(%run_scoped3A : memref<!tpu.dma_semaphore, #tpu.memory_space<semaphore_mem>>)
      %dma_wait3A_485 = tpu.memref_slice %arg4[%add3A_4] : memref<2304xi32, #tpu.memory_space<hbm>> -> memref<40xi32, #tpu.memory_space<hbm>>
      %dma_wait3A_486 = tpu.memref_slice %arg4[%add3A_4] : memref<2304xi32, #tpu.memory_space<hbm>> -> memref<40xi32, #tpu.memory_space<hbm>>
      tpu.wait_dma2 semaphore(%run_scoped3A : memref<!tpu.dma_semaphore, #tpu.memory_space<semaphore_mem>>) src(%dma_wait3A_486 : memref<40xi32, #tpu.memory_space<hbm>>) dst(%arg7 : memref<40xi32, #tpu.memory_space<vmem>>)
      tpu.yield
    }) : () -> ()
    %dma_start3A = arith.constant 0 : i32
    %dma_start3A_5 = arith.constant 0 : i32
    %dma_start3A_6 = arith.constant 0 : i32
    %dma_start3A_7 = tpu.memref_slice %arg8[%dma_start3A, %dma_start3A_5, %dma_start3A_6] : memref<6x8x768xf32, #tpu.memory_space<vmem>> -> memref<1x8x768xf32, #tpu.memory_space<vmem>>
    %dma_start3A_8 = tpu.memref_squeeze %dma_start3A_7 : memref<1x8x768xf32, #tpu.memory_space<vmem>> -> memref<8x768xf32, #tpu.memory_space<vmem>>
    %dma_start3A_9 = arith.constant 0 : i32
    %dma_start3A_10 = tpu.memref_slice %arg7[%dma_start3A_9] : memref<40xi32, #tpu.memory_space<vmem>> -> memref<8xi32, #tpu.memory_space<vmem>>
    %dma_start3A_11 = arith.constant 0 : i32
    %dma_start3A_12 = arith.constant 0 : i32
    %dma_start3A_13 = tpu.memref_slice %arg2[%dma_start3A_11, %dma_start3A_12] : memref<32000x768xf32, #tpu.memory_space<hbm>> -> memref<32000x768xf32, #tpu.memory_space<hbm>>
    tpu.enqueue_indirect_dma source(%dma_start3A_13 : memref<32000x768xf32, #tpu.memory_space<hbm>>) target(%dma_start3A_8 : memref<8x768xf32, #tpu.memory_space<vmem>>) offsets(%dma_start3A_10 : memref<8xi32, #tpu.memory_space<vmem>>) semaphore(%arg9 : memref<!tpu.dma_semaphore, #tpu.memory_space<semaphore_mem>>)
    %dma_start3A_14 = arith.constant 1 : i32
    %dma_start3A_15 = arith.constant 0 : i32
    %dma_start3A_16 = arith.constant 0 : i32
    %dma_start3A_17 = tpu.memref_slice %arg8[%dma_start3A_14, %dma_start3A_15, %dma_start3A_16] : memref<6x8x768xf32, #tpu.memory_space<vmem>> -> memref<1x8x768xf32, #tpu.memory_space<vmem>>
    %dma_start3A_18 = tpu.memref_squeeze %dma_start3A_17 : memref<1x8x768xf32, #tpu.memory_space<vmem>> -> memref<8x768xf32, #tpu.memory_space<vmem>>
    %dma_start3A_19 = arith.constant 0 : i32
    %dma_start3A_20 = tpu.memref_slice %arg7[%dma_start3A_19] : memref<40xi32, #tpu.memory_space<vmem>> -> memref<8xi32, #tpu.memory_space<vmem>>
    %dma_start3A_21 = arith.constant 0 : i32
    %dma_start3A_22 = arith.constant 0 : i32
    %dma_start3A_23 = tpu.memref_slice %arg3[%dma_start3A_21, %dma_start3A_22] : memref<32000x768xf32, #tpu.memory_space<hbm>> -> memref<32000x768xf32, #tpu.memory_space<hbm>>
    tpu.enqueue_indirect_dma source(%dma_start3A_23 : memref<32000x768xf32, #tpu.memory_space<hbm>>) target(%dma_start3A_18 : memref<8x768xf32, #tpu.memory_space<vmem>>) offsets(%dma_start3A_20 : memref<8xi32, #tpu.memory_space<vmem>>) semaphore(%arg10 : memref<!tpu.dma_semaphore, #tpu.memory_space<semaphore_mem>>)
    %dma_start3A_24 = arith.constant 2 : i32
    %dma_start3A_25 = arith.constant 0 : i32
    %dma_start3A_26 = arith.constant 0 : i32
    %dma_start3A_27 = tpu.memref_slice %arg8[%dma_start3A_24, %dma_start3A_25, %dma_start3A_26] : memref<6x8x768xf32, #tpu.memory_space<vmem>> -> memref<1x8x768xf32, #tpu.memory_space<vmem>>
    %dma_start3A_28 = tpu.memref_squeeze %dma_start3A_27 : memref<1x8x768xf32, #tpu.memory_space<vmem>> -> memref<8x768xf32, #tpu.memory_space<vmem>>
    %dma_start3A_29 = arith.constant 8 : i32
    %dma_start3A_30 = tpu.memref_slice %arg7[%dma_start3A_29] : memref<40xi32, #tpu.memory_space<vmem>> -> memref<8xi32, #tpu.memory_space<vmem>>
    %dma_start3A_31 = arith.constant 0 : i32
    %dma_start3A_32 = arith.constant 0 : i32
    %dma_start3A_33 = tpu.memref_slice %arg2[%dma_start3A_31, %dma_start3A_32] : memref<32000x768xf32, #tpu.memory_space<hbm>> -> memref<32000x768xf32, #tpu.memory_space<hbm>>
    tpu.enqueue_indirect_dma source(%dma_start3A_33 : memref<32000x768xf32, #tpu.memory_space<hbm>>) target(%dma_start3A_28 : memref<8x768xf32, #tpu.memory_space<vmem>>) offsets(%dma_start3A_30 : memref<8xi32, #tpu.memory_space<vmem>>) semaphore(%arg11 : memref<!tpu.dma_semaphore, #tpu.memory_space<semaphore_mem>>)
    %dma_start3A_34 = arith.constant 3 : i32
    %dma_start3A_35 = arith.constant 0 : i32
    %dma_start3A_36 = arith.constant 0 : i32
    %dma_start3A_37 = tpu.memref_slice %arg8[%dma_start3A_34, %dma_start3A_35, %dma_start3A_36] : memref<6x8x768xf32, #tpu.memory_space<vmem>> -> memref<1x8x768xf32, #tpu.memory_space<vmem>>
    %dma_start3A_38 = tpu.memref_squeeze %dma_start3A_37 : memref<1x8x768xf32, #tpu.memory_space<vmem>> -> memref<8x768xf32, #tpu.memory_space<vmem>>
    %dma_start3A_39 = arith.constant 8 : i32
    %dma_start3A_40 = tpu.memref_slice %arg7[%dma_start3A_39] : memref<40xi32, #tpu.memory_space<vmem>> -> memref<8xi32, #tpu.memory_space<vmem>>
    %dma_start3A_41 = arith.constant 0 : i32
    %dma_start3A_42 = arith.constant 0 : i32
    %dma_start3A_43 = tpu.memref_slice %arg3[%dma_start3A_41, %dma_start3A_42] : memref<32000x768xf32, #tpu.memory_space<hbm>> -> memref<32000x768xf32, #tpu.memory_space<hbm>>
    tpu.enqueue_indirect_dma source(%dma_start3A_43 : memref<32000x768xf32, #tpu.memory_space<hbm>>) target(%dma_start3A_38 : memref<8x768xf32, #tpu.memory_space<vmem>>) offsets(%dma_start3A_40 : memref<8xi32, #tpu.memory_space<vmem>>) semaphore(%arg12 : memref<!tpu.dma_semaphore, #tpu.memory_space<semaphore_mem>>)
    %dma_wait3A = arith.constant 0 : i32
    %dma_wait3A_44 = arith.constant 0 : i32
    %dma_wait3A_45 = arith.constant 0 : i32
    %dma_wait3A_46 = tpu.memref_slice %arg8[%dma_wait3A, %dma_wait3A_44, %dma_wait3A_45] : memref<6x8x768xf32, #tpu.memory_space<vmem>> -> memref<1x8x768xf32, #tpu.memory_space<vmem>>
    %dma_wait3A_47 = tpu.memref_squeeze %dma_wait3A_46 : memref<1x8x768xf32, #tpu.memory_space<vmem>> -> memref<8x768xf32, #tpu.memory_space<vmem>>
    %dma_wait3A_48 = arith.constant 0 : i32
    %dma_wait3A_49 = tpu.memref_slice %arg7[%dma_wait3A_48] : memref<40xi32, #tpu.memory_space<vmem>> -> memref<8xi32, #tpu.memory_space<vmem>>
    %dma_wait3A_50 = arith.constant 0 : i32
    %dma_wait3A_51 = arith.constant 0 : i32
    %dma_wait3A_52 = tpu.memref_slice %arg2[%dma_wait3A_50, %dma_wait3A_51] : memref<32000x768xf32, #tpu.memory_space<hbm>> -> memref<32000x768xf32, #tpu.memory_space<hbm>>
    tpu.wait_indirect_dma semaphore(%arg9 : memref<!tpu.dma_semaphore, #tpu.memory_space<semaphore_mem>>) src(%dma_wait3A_52 : memref<32000x768xf32, #tpu.memory_space<hbm>>) dst(%dma_wait3A_47 : memref<8x768xf32, #tpu.memory_space<vmem>>)
    %add3A_53 = arith.constant 0 : i32
    %add3A_54 = arith.addi %mul3A_2, %add3A_53 : i32
    %dma_start3A_55 = arith.constant 0 : i32
    %dma_start3A_56 = arith.constant 0 : i32
    %dma_start3A_57 = arith.constant 0 : i32
    %dma_start3A_58 = tpu.memref_slice %arg8[%dma_start3A_55, %dma_start3A_56, %dma_start3A_57] : memref<6x8x768xf32, #tpu.memory_space<vmem>> -> memref<1x8x768xf32, #tpu.memory_space<vmem>>
    %dma_start3A_59 = tpu.memref_squeeze %dma_start3A_58 : memref<1x8x768xf32, #tpu.memory_space<vmem>> -> memref<8x768xf32, #tpu.memory_space<vmem>>
    %dma_start3A_60 = arith.constant 0 : i32
    %dma_start3A_61 = tpu.memref_slice %arg5[%add3A_54, %dma_start3A_60] : memref<1280x768xf32, #tpu.memory_space<hbm>> -> memref<8x768xf32, #tpu.memory_space<hbm>>
    %dma_start3A_62 = arith.constant 0 : i32
    %dma_start3A_63 = tpu.memref_slice %arg5[%add3A_54, %dma_start3A_62] : memref<1280x768xf32, #tpu.memory_space<hbm>> -> memref<8x768xf32, #tpu.memory_space<hbm>>
    %dma_start3A_64 = arith.constant 0 : i32
    %dma_start3A_65 = arith.constant 0 : i32
    %dma_start3A_66 = tpu.memref_slice %arg8[%dma_start3A_55, %dma_start3A_64, %dma_start3A_65] : memref<6x8x768xf32, #tpu.memory_space<vmem>> -> memref<1x8x768xf32, #tpu.memory_space<vmem>>
    %dma_start3A_67 = tpu.memref_squeeze %dma_start3A_66 : memref<1x8x768xf32, #tpu.memory_space<vmem>> -> memref<8x768xf32, #tpu.memory_space<vmem>>
    tpu.enqueue_dma source(%dma_start3A_67 : memref<8x768xf32, #tpu.memory_space<vmem>>) target(%dma_start3A_63 : memref<8x768xf32, #tpu.memory_space<hbm>>) target_semaphore(%arg15 : memref<!tpu.dma_semaphore, #tpu.memory_space<semaphore_mem>>)
    %dma_start3A_68 = arith.constant 4 : i32
    %dma_start3A_69 = arith.constant 0 : i32
    %dma_start3A_70 = arith.constant 0 : i32
    %dma_start3A_71 = tpu.memref_slice %arg8[%dma_start3A_68, %dma_start3A_69, %dma_start3A_70] : memref<6x8x768xf32, #tpu.memory_space<vmem>> -> memref<1x8x768xf32, #tpu.memory_space<vmem>>
    %dma_start3A_72 = tpu.memref_squeeze %dma_start3A_71 : memref<1x8x768xf32, #tpu.memory_space<vmem>> -> memref<8x768xf32, #tpu.memory_space<vmem>>
    %dma_start3A_73 = arith.constant 16 : i32
    %dma_start3A_74 = tpu.memref_slice %arg7[%dma_start3A_73] : memref<40xi32, #tpu.memory_space<vmem>> -> memref<8xi32, #tpu.memory_space<vmem>>
    %dma_start3A_75 = arith.constant 0 : i32
    %dma_start3A_76 = arith.constant 0 : i32
    %dma_start3A_77 = tpu.memref_slice %arg2[%dma_start3A_75, %dma_start3A_76] : memref<32000x768xf32, #tpu.memory_space<hbm>> -> memref<32000x768xf32, #tpu.memory_space<hbm>>
    tpu.enqueue_indirect_dma source(%dma_start3A_77 : memref<32000x768xf32, #tpu.memory_space<hbm>>) target(%dma_start3A_72 : memref<8x768xf32, #tpu.memory_space<vmem>>) offsets(%dma_start3A_74 : memref<8xi32, #tpu.memory_space<vmem>>) semaphore(%arg13 : memref<!tpu.dma_semaphore, #tpu.memory_space<semaphore_mem>>)
    %dma_wait3A_78 = arith.constant 1 : i32
    %dma_wait3A_79 = arith.constant 0 : i32
    %dma_wait3A_80 = arith.constant 0 : i32
    %dma_wait3A_81 = tpu.memref_slice %arg8[%dma_wait3A_78, %dma_wait3A_79, %dma_wait3A_80] : memref<6x8x768xf32, #tpu.memory_space<vmem>> -> memref<1x8x768xf32, #tpu.memory_space<vmem>>
    %dma_wait3A_82 = tpu.memref_squeeze %dma_wait3A_81 : memref<1x8x768xf32, #tpu.memory_space<vmem>> -> memref<8x768xf32, #tpu.memory_space<vmem>>
    %dma_wait3A_83 = arith.constant 0 : i32
    %dma_wait3A_84 = tpu.memref_slice %arg7[%dma_wait3A_83] : memref<40xi32, #tpu.memory_space<vmem>> -> memref<8xi32, #tpu.memory_space<vmem>>
    %dma_wait3A_85 = arith.constant 0 : i32
    %dma_wait3A_86 = arith.constant 0 : i32
    %dma_wait3A_87 = tpu.memref_slice %arg3[%dma_wait3A_85, %dma_wait3A_86] : memref<32000x768xf32, #tpu.memory_space<hbm>> -> memref<32000x768xf32, #tpu.memory_space<hbm>>
    tpu.wait_indirect_dma semaphore(%arg10 : memref<!tpu.dma_semaphore, #tpu.memory_space<semaphore_mem>>) src(%dma_wait3A_87 : memref<32000x768xf32, #tpu.memory_space<hbm>>) dst(%dma_wait3A_82 : memref<8x768xf32, #tpu.memory_space<vmem>>)
    %add3A_88 = arith.constant 0 : i32
    %add3A_89 = arith.addi %mul3A_2, %add3A_88 : i32
    %dma_start3A_90 = arith.constant 1 : i32
    %dma_start3A_91 = arith.constant 0 : i32
    %dma_start3A_92 = arith.constant 0 : i32
    %dma_start3A_93 = tpu.memref_slice %arg8[%dma_start3A_90, %dma_start3A_91, %dma_start3A_92] : memref<6x8x768xf32, #tpu.memory_space<vmem>> -> memref<1x8x768xf32, #tpu.memory_space<vmem>>
    %dma_start3A_94 = tpu.memref_squeeze %dma_start3A_93 : memref<1x8x768xf32, #tpu.memory_space<vmem>> -> memref<8x768xf32, #tpu.memory_space<vmem>>
    %dma_start3A_95 = arith.constant 0 : i32
    %dma_start3A_96 = tpu.memref_slice %arg6[%add3A_89, %dma_start3A_95] : memref<1280x768xf32, #tpu.memory_space<hbm>> -> memref<8x768xf32, #tpu.memory_space<hbm>>
    %dma_start3A_97 = arith.constant 0 : i32
    %dma_start3A_98 = tpu.memref_slice %arg6[%add3A_89, %dma_start3A_97] : memref<1280x768xf32, #tpu.memory_space<hbm>> -> memref<8x768xf32, #tpu.memory_space<hbm>>
    %dma_start3A_99 = arith.constant 0 : i32
    %dma_start3A_100 = arith.constant 0 : i32
    %dma_start3A_101 = tpu.memref_slice %arg8[%dma_start3A_90, %dma_start3A_99, %dma_start3A_100] : memref<6x8x768xf32, #tpu.memory_space<vmem>> -> memref<1x8x768xf32, #tpu.memory_space<vmem>>
    %dma_start3A_102 = tpu.memref_squeeze %dma_start3A_101 : memref<1x8x768xf32, #tpu.memory_space<vmem>> -> memref<8x768xf32, #tpu.memory_space<vmem>>
    tpu.enqueue_dma source(%dma_start3A_102 : memref<8x768xf32, #tpu.memory_space<vmem>>) target(%dma_start3A_98 : memref<8x768xf32, #tpu.memory_space<hbm>>) target_semaphore(%arg16 : memref<!tpu.dma_semaphore, #tpu.memory_space<semaphore_mem>>)
    %dma_start3A_103 = arith.constant 5 : i32
    %dma_start3A_104 = arith.constant 0 : i32
    %dma_start3A_105 = arith.constant 0 : i32
    %dma_start3A_106 = tpu.memref_slice %arg8[%dma_start3A_103, %dma_start3A_104, %dma_start3A_105] : memref<6x8x768xf32, #tpu.memory_space<vmem>> -> memref<1x8x768xf32, #tpu.memory_space<vmem>>
    %dma_start3A_107 = tpu.memref_squeeze %dma_start3A_106 : memref<1x8x768xf32, #tpu.memory_space<vmem>> -> memref<8x768xf32, #tpu.memory_space<vmem>>
    %dma_start3A_108 = arith.constant 16 : i32
    %dma_start3A_109 = tpu.memref_slice %arg7[%dma_start3A_108] : memref<40xi32, #tpu.memory_space<vmem>> -> memref<8xi32, #tpu.memory_space<vmem>>
    %dma_start3A_110 = arith.constant 0 : i32
    %dma_start3A_111 = arith.constant 0 : i32
    %dma_start3A_112 = tpu.memref_slice %arg3[%dma_start3A_110, %dma_start3A_111] : memref<32000x768xf32, #tpu.memory_space<hbm>> -> memref<32000x768xf32, #tpu.memory_space<hbm>>
    tpu.enqueue_indirect_dma source(%dma_start3A_112 : memref<32000x768xf32, #tpu.memory_space<hbm>>) target(%dma_start3A_107 : memref<8x768xf32, #tpu.memory_space<vmem>>) offsets(%dma_start3A_109 : memref<8xi32, #tpu.memory_space<vmem>>) semaphore(%arg14 : memref<!tpu.dma_semaphore, #tpu.memory_space<semaphore_mem>>)
    %dma_wait3A_113 = arith.constant 2 : i32
    %dma_wait3A_114 = arith.constant 0 : i32
    %dma_wait3A_115 = arith.constant 0 : i32
    %dma_wait3A_116 = tpu.memref_slice %arg8[%dma_wait3A_113, %dma_wait3A_114, %dma_wait3A_115] : memref<6x8x768xf32, #tpu.memory_space<vmem>> -> memref<1x8x768xf32, #tpu.memory_space<vmem>>
    %dma_wait3A_117 = tpu.memref_squeeze %dma_wait3A_116 : memref<1x8x768xf32, #tpu.memory_space<vmem>> -> memref<8x768xf32, #tpu.memory_space<vmem>>
    %dma_wait3A_118 = arith.constant 8 : i32
    %dma_wait3A_119 = tpu.memref_slice %arg7[%dma_wait3A_118] : memref<40xi32, #tpu.memory_space<vmem>> -> memref<8xi32, #tpu.memory_space<vmem>>
    %dma_wait3A_120 = arith.constant 0 : i32
    %dma_wait3A_121 = arith.constant 0 : i32
    %dma_wait3A_122 = tpu.memref_slice %arg2[%dma_wait3A_120, %dma_wait3A_121] : memref<32000x768xf32, #tpu.memory_space<hbm>> -> memref<32000x768xf32, #tpu.memory_space<hbm>>
    tpu.wait_indirect_dma semaphore(%arg11 : memref<!tpu.dma_semaphore, #tpu.memory_space<semaphore_mem>>) src(%dma_wait3A_122 : memref<32000x768xf32, #tpu.memory_space<hbm>>) dst(%dma_wait3A_117 : memref<8x768xf32, #tpu.memory_space<vmem>>)
    %add3A_123 = arith.constant 8 : i32
    %add3A_124 = arith.addi %mul3A_2, %add3A_123 : i32
    %dma_start3A_125 = arith.constant 2 : i32
    %dma_start3A_126 = arith.constant 0 : i32
    %dma_start3A_127 = arith.constant 0 : i32
    %dma_start3A_128 = tpu.memref_slice %arg8[%dma_start3A_125, %dma_start3A_126, %dma_start3A_127] : memref<6x8x768xf32, #tpu.memory_space<vmem>> -> memref<1x8x768xf32, #tpu.memory_space<vmem>>
    %dma_start3A_129 = tpu.memref_squeeze %dma_start3A_128 : memref<1x8x768xf32, #tpu.memory_space<vmem>> -> memref<8x768xf32, #tpu.memory_space<vmem>>
    %dma_start3A_130 = arith.constant 0 : i32
    %dma_start3A_131 = tpu.memref_slice %arg5[%add3A_124, %dma_start3A_130] : memref<1280x768xf32, #tpu.memory_space<hbm>> -> memref<8x768xf32, #tpu.memory_space<hbm>>
    %dma_start3A_132 = arith.constant 0 : i32
    %dma_start3A_133 = tpu.memref_slice %arg5[%add3A_124, %dma_start3A_132] : memref<1280x768xf32, #tpu.memory_space<hbm>> -> memref<8x768xf32, #tpu.memory_space<hbm>>
    %dma_start3A_134 = arith.constant 0 : i32
    %dma_start3A_135 = arith.constant 0 : i32
    %dma_start3A_136 = tpu.memref_slice %arg8[%dma_start3A_125, %dma_start3A_134, %dma_start3A_135] : memref<6x8x768xf32, #tpu.memory_space<vmem>> -> memref<1x8x768xf32, #tpu.memory_space<vmem>>
    %dma_start3A_137 = tpu.memref_squeeze %dma_start3A_136 : memref<1x8x768xf32, #tpu.memory_space<vmem>> -> memref<8x768xf32, #tpu.memory_space<vmem>>
    tpu.enqueue_dma source(%dma_start3A_137 : memref<8x768xf32, #tpu.memory_space<vmem>>) target(%dma_start3A_133 : memref<8x768xf32, #tpu.memory_space<hbm>>) target_semaphore(%arg17 : memref<!tpu.dma_semaphore, #tpu.memory_space<semaphore_mem>>)
    %dma_wait3A_138 = arith.constant 0 : i32
    %dma_wait3A_139 = arith.constant 0 : i32
    %dma_wait3A_140 = arith.constant 0 : i32
    %dma_wait3A_141 = tpu.memref_slice %arg8[%dma_wait3A_138, %dma_wait3A_139, %dma_wait3A_140] : memref<6x8x768xf32, #tpu.memory_space<vmem>> -> memref<1x8x768xf32, #tpu.memory_space<vmem>>
    %dma_wait3A_142 = tpu.memref_squeeze %dma_wait3A_141 : memref<1x8x768xf32, #tpu.memory_space<vmem>> -> memref<8x768xf32, #tpu.memory_space<vmem>>
    %dma_wait3A_143 = arith.constant 0 : i32
    %dma_wait3A_144 = tpu.memref_slice %arg5[%add3A_54, %dma_wait3A_143] : memref<1280x768xf32, #tpu.memory_space<hbm>> -> memref<8x768xf32, #tpu.memory_space<hbm>>
    %dma_wait3A_145 = arith.constant 0 : i32
    %dma_wait3A_146 = tpu.memref_slice %arg5[%add3A_54, %dma_wait3A_145] : memref<1280x768xf32, #tpu.memory_space<hbm>> -> memref<8x768xf32, #tpu.memory_space<hbm>>
    %dma_wait3A_147 = arith.constant 0 : i32
    %dma_wait3A_148 = arith.constant 0 : i32
    %dma_wait3A_149 = tpu.memref_slice %arg8[%dma_wait3A_138, %dma_wait3A_147, %dma_wait3A_148] : memref<6x8x768xf32, #tpu.memory_space<vmem>> -> memref<1x8x768xf32, #tpu.memory_space<vmem>>
    %dma_wait3A_150 = tpu.memref_squeeze %dma_wait3A_149 : memref<1x8x768xf32, #tpu.memory_space<vmem>> -> memref<8x768xf32, #tpu.memory_space<vmem>>
    tpu.wait_dma2 semaphore(%arg15 : memref<!tpu.dma_semaphore, #tpu.memory_space<semaphore_mem>>) src(%dma_wait3A_150 : memref<8x768xf32, #tpu.memory_space<vmem>>) dst(%dma_wait3A_146 : memref<8x768xf32, #tpu.memory_space<hbm>>)
    %dma_start3A_151 = arith.constant 0 : i32
    %dma_start3A_152 = arith.constant 0 : i32
    %dma_start3A_153 = arith.constant 0 : i32
    %dma_start3A_154 = tpu.memref_slice %arg8[%dma_start3A_151, %dma_start3A_152, %dma_start3A_153] : memref<6x8x768xf32, #tpu.memory_space<vmem>> -> memref<1x8x768xf32, #tpu.memory_space<vmem>>
    %dma_start3A_155 = tpu.memref_squeeze %dma_start3A_154 : memref<1x8x768xf32, #tpu.memory_space<vmem>> -> memref<8x768xf32, #tpu.memory_space<vmem>>
    %dma_start3A_156 = arith.constant 24 : i32
    %dma_start3A_157 = tpu.memref_slice %arg7[%dma_start3A_156] : memref<40xi32, #tpu.memory_space<vmem>> -> memref<8xi32, #tpu.memory_space<vmem>>
    %dma_start3A_158 = arith.constant 0 : i32
    %dma_start3A_159 = arith.constant 0 : i32
    %dma_start3A_160 = tpu.memref_slice %arg2[%dma_start3A_158, %dma_start3A_159] : memref<32000x768xf32, #tpu.memory_space<hbm>> -> memref<32000x768xf32, #tpu.memory_space<hbm>>
    tpu.enqueue_indirect_dma source(%dma_start3A_160 : memref<32000x768xf32, #tpu.memory_space<hbm>>) target(%dma_start3A_155 : memref<8x768xf32, #tpu.memory_space<vmem>>) offsets(%dma_start3A_157 : memref<8xi32, #tpu.memory_space<vmem>>) semaphore(%arg9 : memref<!tpu.dma_semaphore, #tpu.memory_space<semaphore_mem>>)
    %dma_wait3A_161 = arith.constant 3 : i32
    %dma_wait3A_162 = arith.constant 0 : i32
    %dma_wait3A_163 = arith.constant 0 : i32
    %dma_wait3A_164 = tpu.memref_slice %arg8[%dma_wait3A_161, %dma_wait3A_162, %dma_wait3A_163] : memref<6x8x768xf32, #tpu.memory_space<vmem>> -> memref<1x8x768xf32, #tpu.memory_space<vmem>>
    %dma_wait3A_165 = tpu.memref_squeeze %dma_wait3A_164 : memref<1x8x768xf32, #tpu.memory_space<vmem>> -> memref<8x768xf32, #tpu.memory_space<vmem>>
    %dma_wait3A_166 = arith.constant 8 : i32
    %dma_wait3A_167 = tpu.memref_slice %arg7[%dma_wait3A_166] : memref<40xi32, #tpu.memory_space<vmem>> -> memref<8xi32, #tpu.memory_space<vmem>>
    %dma_wait3A_168 = arith.constant 0 : i32
    %dma_wait3A_169 = arith.constant 0 : i32
    %dma_wait3A_170 = tpu.memref_slice %arg3[%dma_wait3A_168, %dma_wait3A_169] : memref<32000x768xf32, #tpu.memory_space<hbm>> -> memref<32000x768xf32, #tpu.memory_space<hbm>>
    tpu.wait_indirect_dma semaphore(%arg12 : memref<!tpu.dma_semaphore, #tpu.memory_space<semaphore_mem>>) src(%dma_wait3A_170 : memref<32000x768xf32, #tpu.memory_space<hbm>>) dst(%dma_wait3A_165 : memref<8x768xf32, #tpu.memory_space<vmem>>)
    %add3A_171 = arith.constant 8 : i32
    %add3A_172 = arith.addi %mul3A_2, %add3A_171 : i32
    %dma_start3A_173 = arith.constant 3 : i32
    %dma_start3A_174 = arith.constant 0 : i32
    %dma_start3A_175 = arith.constant 0 : i32
    %dma_start3A_176 = tpu.memref_slice %arg8[%dma_start3A_173, %dma_start3A_174, %dma_start3A_175] : memref<6x8x768xf32, #tpu.memory_space<vmem>> -> memref<1x8x768xf32, #tpu.memory_space<vmem>>
    %dma_start3A_177 = tpu.memref_squeeze %dma_start3A_176 : memref<1x8x768xf32, #tpu.memory_space<vmem>> -> memref<8x768xf32, #tpu.memory_space<vmem>>
    %dma_start3A_178 = arith.constant 0 : i32
    %dma_start3A_179 = tpu.memref_slice %arg6[%add3A_172, %dma_start3A_178] : memref<1280x768xf32, #tpu.memory_space<hbm>> -> memref<8x768xf32, #tpu.memory_space<hbm>>
    %dma_start3A_180 = arith.constant 0 : i32
    %dma_start3A_181 = tpu.memref_slice %arg6[%add3A_172, %dma_start3A_180] : memref<1280x768xf32, #tpu.memory_space<hbm>> -> memref<8x768xf32, #tpu.memory_space<hbm>>
    %dma_start3A_182 = arith.constant 0 : i32
    %dma_start3A_183 = arith.constant 0 : i32
    %dma_start3A_184 = tpu.memref_slice %arg8[%dma_start3A_173, %dma_start3A_182, %dma_start3A_183] : memref<6x8x768xf32, #tpu.memory_space<vmem>> -> memref<1x8x768xf32, #tpu.memory_space<vmem>>
    %dma_start3A_185 = tpu.memref_squeeze %dma_start3A_184 : memref<1x8x768xf32, #tpu.memory_space<vmem>> -> memref<8x768xf32, #tpu.memory_space<vmem>>
    tpu.enqueue_dma source(%dma_start3A_185 : memref<8x768xf32, #tpu.memory_space<vmem>>) target(%dma_start3A_181 : memref<8x768xf32, #tpu.memory_space<hbm>>) target_semaphore(%arg18 : memref<!tpu.dma_semaphore, #tpu.memory_space<semaphore_mem>>)
    %dma_wait3A_186 = arith.constant 1 : i32
    %dma_wait3A_187 = arith.constant 0 : i32
    %dma_wait3A_188 = arith.constant 0 : i32
    %dma_wait3A_189 = tpu.memref_slice %arg8[%dma_wait3A_186, %dma_wait3A_187, %dma_wait3A_188] : memref<6x8x768xf32, #tpu.memory_space<vmem>> -> memref<1x8x768xf32, #tpu.memory_space<vmem>>
    %dma_wait3A_190 = tpu.memref_squeeze %dma_wait3A_189 : memref<1x8x768xf32, #tpu.memory_space<vmem>> -> memref<8x768xf32, #tpu.memory_space<vmem>>
    %dma_wait3A_191 = arith.constant 0 : i32
    %dma_wait3A_192 = tpu.memref_slice %arg6[%add3A_89, %dma_wait3A_191] : memref<1280x768xf32, #tpu.memory_space<hbm>> -> memref<8x768xf32, #tpu.memory_space<hbm>>
    %dma_wait3A_193 = arith.constant 0 : i32
    %dma_wait3A_194 = tpu.memref_slice %arg6[%add3A_89, %dma_wait3A_193] : memref<1280x768xf32, #tpu.memory_space<hbm>> -> memref<8x768xf32, #tpu.memory_space<hbm>>
    %dma_wait3A_195 = arith.constant 0 : i32
    %dma_wait3A_196 = arith.constant 0 : i32
    %dma_wait3A_197 = tpu.memref_slice %arg8[%dma_wait3A_186, %dma_wait3A_195, %dma_wait3A_196] : memref<6x8x768xf32, #tpu.memory_space<vmem>> -> memref<1x8x768xf32, #tpu.memory_space<vmem>>
    %dma_wait3A_198 = tpu.memref_squeeze %dma_wait3A_197 : memref<1x8x768xf32, #tpu.memory_space<vmem>> -> memref<8x768xf32, #tpu.memory_space<vmem>>
    tpu.wait_dma2 semaphore(%arg16 : memref<!tpu.dma_semaphore, #tpu.memory_space<semaphore_mem>>) src(%dma_wait3A_198 : memref<8x768xf32, #tpu.memory_space<vmem>>) dst(%dma_wait3A_194 : memref<8x768xf32, #tpu.memory_space<hbm>>)
    %dma_start3A_199 = arith.constant 1 : i32
    %dma_start3A_200 = arith.constant 0 : i32
    %dma_start3A_201 = arith.constant 0 : i32
    %dma_start3A_202 = tpu.memref_slice %arg8[%dma_start3A_199, %dma_start3A_200, %dma_start3A_201] : memref<6x8x768xf32, #tpu.memory_space<vmem>> -> memref<1x8x768xf32, #tpu.memory_space<vmem>>
    %dma_start3A_203 = tpu.memref_squeeze %dma_start3A_202 : memref<1x8x768xf32, #tpu.memory_space<vmem>> -> memref<8x768xf32, #tpu.memory_space<vmem>>
    %dma_start3A_204 = arith.constant 24 : i32
    %dma_start3A_205 = tpu.memref_slice %arg7[%dma_start3A_204] : memref<40xi32, #tpu.memory_space<vmem>> -> memref<8xi32, #tpu.memory_space<vmem>>
    %dma_start3A_206 = arith.constant 0 : i32
    %dma_start3A_207 = arith.constant 0 : i32
    %dma_start3A_208 = tpu.memref_slice %arg3[%dma_start3A_206, %dma_start3A_207] : memref<32000x768xf32, #tpu.memory_space<hbm>> -> memref<32000x768xf32, #tpu.memory_space<hbm>>
    tpu.enqueue_indirect_dma source(%dma_start3A_208 : memref<32000x768xf32, #tpu.memory_space<hbm>>) target(%dma_start3A_203 : memref<8x768xf32, #tpu.memory_space<vmem>>) offsets(%dma_start3A_205 : memref<8xi32, #tpu.memory_space<vmem>>) semaphore(%arg10 : memref<!tpu.dma_semaphore, #tpu.memory_space<semaphore_mem>>)
    %dma_wait3A_209 = arith.constant 4 : i32
    %dma_wait3A_210 = arith.constant 0 : i32
    %dma_wait3A_211 = arith.constant 0 : i32
    %dma_wait3A_212 = tpu.memref_slice %arg8[%dma_wait3A_209, %dma_wait3A_210, %dma_wait3A_211] : memref<6x8x768xf32, #tpu.memory_space<vmem>> -> memref<1x8x768xf32, #tpu.memory_space<vmem>>
    %dma_wait3A_213 = tpu.memref_squeeze %dma_wait3A_212 : memref<1x8x768xf32, #tpu.memory_space<vmem>> -> memref<8x768xf32, #tpu.memory_space<vmem>>
    %dma_wait3A_214 = arith.constant 16 : i32
    %dma_wait3A_215 = tpu.memref_slice %arg7[%dma_wait3A_214] : memref<40xi32, #tpu.memory_space<vmem>> -> memref<8xi32, #tpu.memory_space<vmem>>
    %dma_wait3A_216 = arith.constant 0 : i32
    %dma_wait3A_217 = arith.constant 0 : i32
    %dma_wait3A_218 = tpu.memref_slice %arg2[%dma_wait3A_216, %dma_wait3A_217] : memref<32000x768xf32, #tpu.memory_space<hbm>> -> memref<32000x768xf32, #tpu.memory_space<hbm>>
    tpu.wait_indirect_dma semaphore(%arg13 : memref<!tpu.dma_semaphore, #tpu.memory_space<semaphore_mem>>) src(%dma_wait3A_218 : memref<32000x768xf32, #tpu.memory_space<hbm>>) dst(%dma_wait3A_213 : memref<8x768xf32, #tpu.memory_space<vmem>>)
    %add3A_219 = arith.constant 16 : i32
    %add3A_220 = arith.addi %mul3A_2, %add3A_219 : i32
    %dma_start3A_221 = arith.constant 4 : i32
    %dma_start3A_222 = arith.constant 0 : i32
    %dma_start3A_223 = arith.constant 0 : i32
    %dma_start3A_224 = tpu.memref_slice %arg8[%dma_start3A_221, %dma_start3A_222, %dma_start3A_223] : memref<6x8x768xf32, #tpu.memory_space<vmem>> -> memref<1x8x768xf32, #tpu.memory_space<vmem>>
    %dma_start3A_225 = tpu.memref_squeeze %dma_start3A_224 : memref<1x8x768xf32, #tpu.memory_space<vmem>> -> memref<8x768xf32, #tpu.memory_space<vmem>>
    %dma_start3A_226 = arith.constant 0 : i32
    %dma_start3A_227 = tpu.memref_slice %arg5[%add3A_220, %dma_start3A_226] : memref<1280x768xf32, #tpu.memory_space<hbm>> -> memref<8x768xf32, #tpu.memory_space<hbm>>
    %dma_start3A_228 = arith.constant 0 : i32
    %dma_start3A_229 = tpu.memref_slice %arg5[%add3A_220, %dma_start3A_228] : memref<1280x768xf32, #tpu.memory_space<hbm>> -> memref<8x768xf32, #tpu.memory_space<hbm>>
    %dma_start3A_230 = arith.constant 0 : i32
    %dma_start3A_231 = arith.constant 0 : i32
    %dma_start3A_232 = tpu.memref_slice %arg8[%dma_start3A_221, %dma_start3A_230, %dma_start3A_231] : memref<6x8x768xf32, #tpu.memory_space<vmem>> -> memref<1x8x768xf32, #tpu.memory_space<vmem>>
    %dma_start3A_233 = tpu.memref_squeeze %dma_start3A_232 : memref<1x8x768xf32, #tpu.memory_space<vmem>> -> memref<8x768xf32, #tpu.memory_space<vmem>>
    tpu.enqueue_dma source(%dma_start3A_233 : memref<8x768xf32, #tpu.memory_space<vmem>>) target(%dma_start3A_229 : memref<8x768xf32, #tpu.memory_space<hbm>>) target_semaphore(%arg19 : memref<!tpu.dma_semaphore, #tpu.memory_space<semaphore_mem>>)
    %dma_wait3A_234 = arith.constant 2 : i32
    %dma_wait3A_235 = arith.constant 0 : i32
    %dma_wait3A_236 = arith.constant 0 : i32
    %dma_wait3A_237 = tpu.memref_slice %arg8[%dma_wait3A_234, %dma_wait3A_235, %dma_wait3A_236] : memref<6x8x768xf32, #tpu.memory_space<vmem>> -> memref<1x8x768xf32, #tpu.memory_space<vmem>>
    %dma_wait3A_238 = tpu.memref_squeeze %dma_wait3A_237 : memref<1x8x768xf32, #tpu.memory_space<vmem>> -> memref<8x768xf32, #tpu.memory_space<vmem>>
    %dma_wait3A_239 = arith.constant 0 : i32
    %dma_wait3A_240 = tpu.memref_slice %arg5[%add3A_124, %dma_wait3A_239] : memref<1280x768xf32, #tpu.memory_space<hbm>> -> memref<8x768xf32, #tpu.memory_space<hbm>>
    %dma_wait3A_241 = arith.constant 0 : i32
    %dma_wait3A_242 = tpu.memref_slice %arg5[%add3A_124, %dma_wait3A_241] : memref<1280x768xf32, #tpu.memory_space<hbm>> -> memref<8x768xf32, #tpu.memory_space<hbm>>
    %dma_wait3A_243 = arith.constant 0 : i32
    %dma_wait3A_244 = arith.constant 0 : i32
    %dma_wait3A_245 = tpu.memref_slice %arg8[%dma_wait3A_234, %dma_wait3A_243, %dma_wait3A_244] : memref<6x8x768xf32, #tpu.memory_space<vmem>> -> memref<1x8x768xf32, #tpu.memory_space<vmem>>
    %dma_wait3A_246 = tpu.memref_squeeze %dma_wait3A_245 : memref<1x8x768xf32, #tpu.memory_space<vmem>> -> memref<8x768xf32, #tpu.memory_space<vmem>>
    tpu.wait_dma2 semaphore(%arg17 : memref<!tpu.dma_semaphore, #tpu.memory_space<semaphore_mem>>) src(%dma_wait3A_246 : memref<8x768xf32, #tpu.memory_space<vmem>>) dst(%dma_wait3A_242 : memref<8x768xf32, #tpu.memory_space<hbm>>)
    %dma_start3A_247 = arith.constant 2 : i32
    %dma_start3A_248 = arith.constant 0 : i32
    %dma_start3A_249 = arith.constant 0 : i32
    %dma_start3A_250 = tpu.memref_slice %arg8[%dma_start3A_247, %dma_start3A_248, %dma_start3A_249] : memref<6x8x768xf32, #tpu.memory_space<vmem>> -> memref<1x8x768xf32, #tpu.memory_space<vmem>>
    %dma_start3A_251 = tpu.memref_squeeze %dma_start3A_250 : memref<1x8x768xf32, #tpu.memory_space<vmem>> -> memref<8x768xf32, #tpu.memory_space<vmem>>
    %dma_start3A_252 = arith.constant 32 : i32
    %dma_start3A_253 = tpu.memref_slice %arg7[%dma_start3A_252] : memref<40xi32, #tpu.memory_space<vmem>> -> memref<8xi32, #tpu.memory_space<vmem>>
    %dma_start3A_254 = arith.constant 0 : i32
    %dma_start3A_255 = arith.constant 0 : i32
    %dma_start3A_256 = tpu.memref_slice %arg2[%dma_start3A_254, %dma_start3A_255] : memref<32000x768xf32, #tpu.memory_space<hbm>> -> memref<32000x768xf32, #tpu.memory_space<hbm>>
    tpu.enqueue_indirect_dma source(%dma_start3A_256 : memref<32000x768xf32, #tpu.memory_space<hbm>>) target(%dma_start3A_251 : memref<8x768xf32, #tpu.memory_space<vmem>>) offsets(%dma_start3A_253 : memref<8xi32, #tpu.memory_space<vmem>>) semaphore(%arg11 : memref<!tpu.dma_semaphore, #tpu.memory_space<semaphore_mem>>)
    %dma_wait3A_257 = arith.constant 5 : i32
    %dma_wait3A_258 = arith.constant 0 : i32
    %dma_wait3A_259 = arith.constant 0 : i32
    %dma_wait3A_260 = tpu.memref_slice %arg8[%dma_wait3A_257, %dma_wait3A_258, %dma_wait3A_259] : memref<6x8x768xf32, #tpu.memory_space<vmem>> -> memref<1x8x768xf32, #tpu.memory_space<vmem>>
    %dma_wait3A_261 = tpu.memref_squeeze %dma_wait3A_260 : memref<1x8x768xf32, #tpu.memory_space<vmem>> -> memref<8x768xf32, #tpu.memory_space<vmem>>
    %dma_wait3A_262 = arith.constant 16 : i32
    %dma_wait3A_263 = tpu.memref_slice %arg7[%dma_wait3A_262] : memref<40xi32, #tpu.memory_space<vmem>> -> memref<8xi32, #tpu.memory_space<vmem>>
    %dma_wait3A_264 = arith.constant 0 : i32
    %dma_wait3A_265 = arith.constant 0 : i32
    %dma_wait3A_266 = tpu.memref_slice %arg3[%dma_wait3A_264, %dma_wait3A_265] : memref<32000x768xf32, #tpu.memory_space<hbm>> -> memref<32000x768xf32, #tpu.memory_space<hbm>>
    tpu.wait_indirect_dma semaphore(%arg14 : memref<!tpu.dma_semaphore, #tpu.memory_space<semaphore_mem>>) src(%dma_wait3A_266 : memref<32000x768xf32, #tpu.memory_space<hbm>>) dst(%dma_wait3A_261 : memref<8x768xf32, #tpu.memory_space<vmem>>)
    %add3A_267 = arith.constant 16 : i32
    %add3A_268 = arith.addi %mul3A_2, %add3A_267 : i32
    %dma_start3A_269 = arith.constant 5 : i32
    %dma_start3A_270 = arith.constant 0 : i32
    %dma_start3A_271 = arith.constant 0 : i32
    %dma_start3A_272 = tpu.memref_slice %arg8[%dma_start3A_269, %dma_start3A_270, %dma_start3A_271] : memref<6x8x768xf32, #tpu.memory_space<vmem>> -> memref<1x8x768xf32, #tpu.memory_space<vmem>>
    %dma_start3A_273 = tpu.memref_squeeze %dma_start3A_272 : memref<1x8x768xf32, #tpu.memory_space<vmem>> -> memref<8x768xf32, #tpu.memory_space<vmem>>
    %dma_start3A_274 = arith.constant 0 : i32
    %dma_start3A_275 = tpu.memref_slice %arg6[%add3A_268, %dma_start3A_274] : memref<1280x768xf32, #tpu.memory_space<hbm>> -> memref<8x768xf32, #tpu.memory_space<hbm>>
    %dma_start3A_276 = arith.constant 0 : i32
    %dma_start3A_277 = tpu.memref_slice %arg6[%add3A_268, %dma_start3A_276] : memref<1280x768xf32, #tpu.memory_space<hbm>> -> memref<8x768xf32, #tpu.memory_space<hbm>>
    %dma_start3A_278 = arith.constant 0 : i32
    %dma_start3A_279 = arith.constant 0 : i32
    %dma_start3A_280 = tpu.memref_slice %arg8[%dma_start3A_269, %dma_start3A_278, %dma_start3A_279] : memref<6x8x768xf32, #tpu.memory_space<vmem>> -> memref<1x8x768xf32, #tpu.memory_space<vmem>>
    %dma_start3A_281 = tpu.memref_squeeze %dma_start3A_280 : memref<1x8x768xf32, #tpu.memory_space<vmem>> -> memref<8x768xf32, #tpu.memory_space<vmem>>
    tpu.enqueue_dma source(%dma_start3A_281 : memref<8x768xf32, #tpu.memory_space<vmem>>) target(%dma_start3A_277 : memref<8x768xf32, #tpu.memory_space<hbm>>) target_semaphore(%arg20 : memref<!tpu.dma_semaphore, #tpu.memory_space<semaphore_mem>>)
    %dma_wait3A_282 = arith.constant 3 : i32
    %dma_wait3A_283 = arith.constant 0 : i32
    %dma_wait3A_284 = arith.constant 0 : i32
    %dma_wait3A_285 = tpu.memref_slice %arg8[%dma_wait3A_282, %dma_wait3A_283, %dma_wait3A_284] : memref<6x8x768xf32, #tpu.memory_space<vmem>> -> memref<1x8x768xf32, #tpu.memory_space<vmem>>
    %dma_wait3A_286 = tpu.memref_squeeze %dma_wait3A_285 : memref<1x8x768xf32, #tpu.memory_space<vmem>> -> memref<8x768xf32, #tpu.memory_space<vmem>>
    %dma_wait3A_287 = arith.constant 0 : i32
    %dma_wait3A_288 = tpu.memref_slice %arg6[%add3A_172, %dma_wait3A_287] : memref<1280x768xf32, #tpu.memory_space<hbm>> -> memref<8x768xf32, #tpu.memory_space<hbm>>
    %dma_wait3A_289 = arith.constant 0 : i32
    %dma_wait3A_290 = tpu.memref_slice %arg6[%add3A_172, %dma_wait3A_289] : memref<1280x768xf32, #tpu.memory_space<hbm>> -> memref<8x768xf32, #tpu.memory_space<hbm>>
    %dma_wait3A_291 = arith.constant 0 : i32
    %dma_wait3A_292 = arith.constant 0 : i32
    %dma_wait3A_293 = tpu.memref_slice %arg8[%dma_wait3A_282, %dma_wait3A_291, %dma_wait3A_292] : memref<6x8x768xf32, #tpu.memory_space<vmem>> -> memref<1x8x768xf32, #tpu.memory_space<vmem>>
    %dma_wait3A_294 = tpu.memref_squeeze %dma_wait3A_293 : memref<1x8x768xf32, #tpu.memory_space<vmem>> -> memref<8x768xf32, #tpu.memory_space<vmem>>
    tpu.wait_dma2 semaphore(%arg18 : memref<!tpu.dma_semaphore, #tpu.memory_space<semaphore_mem>>) src(%dma_wait3A_294 : memref<8x768xf32, #tpu.memory_space<vmem>>) dst(%dma_wait3A_290 : memref<8x768xf32, #tpu.memory_space<hbm>>)
    %dma_start3A_295 = arith.constant 3 : i32
    %dma_start3A_296 = arith.constant 0 : i32
    %dma_start3A_297 = arith.constant 0 : i32
    %dma_start3A_298 = tpu.memref_slice %arg8[%dma_start3A_295, %dma_start3A_296, %dma_start3A_297] : memref<6x8x768xf32, #tpu.memory_space<vmem>> -> memref<1x8x768xf32, #tpu.memory_space<vmem>>
    %dma_start3A_299 = tpu.memref_squeeze %dma_start3A_298 : memref<1x8x768xf32, #tpu.memory_space<vmem>> -> memref<8x768xf32, #tpu.memory_space<vmem>>
    %dma_start3A_300 = arith.constant 32 : i32
    %dma_start3A_301 = tpu.memref_slice %arg7[%dma_start3A_300] : memref<40xi32, #tpu.memory_space<vmem>> -> memref<8xi32, #tpu.memory_space<vmem>>
    %dma_start3A_302 = arith.constant 0 : i32
    %dma_start3A_303 = arith.constant 0 : i32
    %dma_start3A_304 = tpu.memref_slice %arg3[%dma_start3A_302, %dma_start3A_303] : memref<32000x768xf32, #tpu.memory_space<hbm>> -> memref<32000x768xf32, #tpu.memory_space<hbm>>
    tpu.enqueue_indirect_dma source(%dma_start3A_304 : memref<32000x768xf32, #tpu.memory_space<hbm>>) target(%dma_start3A_299 : memref<8x768xf32, #tpu.memory_space<vmem>>) offsets(%dma_start3A_301 : memref<8xi32, #tpu.memory_space<vmem>>) semaphore(%arg12 : memref<!tpu.dma_semaphore, #tpu.memory_space<semaphore_mem>>)
    %dma_wait3A_305 = arith.constant 0 : i32
    %dma_wait3A_306 = arith.constant 0 : i32
    %dma_wait3A_307 = arith.constant 0 : i32
    %dma_wait3A_308 = tpu.memref_slice %arg8[%dma_wait3A_305, %dma_wait3A_306, %dma_wait3A_307] : memref<6x8x768xf32, #tpu.memory_space<vmem>> -> memref<1x8x768xf32, #tpu.memory_space<vmem>>
    %dma_wait3A_309 = tpu.memref_squeeze %dma_wait3A_308 : memref<1x8x768xf32, #tpu.memory_space<vmem>> -> memref<8x768xf32, #tpu.memory_space<vmem>>
    %dma_wait3A_310 = arith.constant 24 : i32
    %dma_wait3A_311 = tpu.memref_slice %arg7[%dma_wait3A_310] : memref<40xi32, #tpu.memory_space<vmem>> -> memref<8xi32, #tpu.memory_space<vmem>>
    %dma_wait3A_312 = arith.constant 0 : i32
    %dma_wait3A_313 = arith.constant 0 : i32
    %dma_wait3A_314 = tpu.memref_slice %arg2[%dma_wait3A_312, %dma_wait3A_313] : memref<32000x768xf32, #tpu.memory_space<hbm>> -> memref<32000x768xf32, #tpu.memory_space<hbm>>
    tpu.wait_indirect_dma semaphore(%arg9 : memref<!tpu.dma_semaphore, #tpu.memory_space<semaphore_mem>>) src(%dma_wait3A_314 : memref<32000x768xf32, #tpu.memory_space<hbm>>) dst(%dma_wait3A_309 : memref<8x768xf32, #tpu.memory_space<vmem>>)
    %add3A_315 = arith.constant 24 : i32
    %add3A_316 = arith.addi %mul3A_2, %add3A_315 : i32
    %dma_start3A_317 = arith.constant 0 : i32
    %dma_start3A_318 = arith.constant 0 : i32
    %dma_start3A_319 = arith.constant 0 : i32
    %dma_start3A_320 = tpu.memref_slice %arg8[%dma_start3A_317, %dma_start3A_318, %dma_start3A_319] : memref<6x8x768xf32, #tpu.memory_space<vmem>> -> memref<1x8x768xf32, #tpu.memory_space<vmem>>
    %dma_start3A_321 = tpu.memref_squeeze %dma_start3A_320 : memref<1x8x768xf32, #tpu.memory_space<vmem>> -> memref<8x768xf32, #tpu.memory_space<vmem>>
    %dma_start3A_322 = arith.constant 0 : i32
    %dma_start3A_323 = tpu.memref_slice %arg5[%add3A_316, %dma_start3A_322] : memref<1280x768xf32, #tpu.memory_space<hbm>> -> memref<8x768xf32, #tpu.memory_space<hbm>>
    %dma_start3A_324 = arith.constant 0 : i32
    %dma_start3A_325 = tpu.memref_slice %arg5[%add3A_316, %dma_start3A_324] : memref<1280x768xf32, #tpu.memory_space<hbm>> -> memref<8x768xf32, #tpu.memory_space<hbm>>
    %dma_start3A_326 = arith.constant 0 : i32
    %dma_start3A_327 = arith.constant 0 : i32
    %dma_start3A_328 = tpu.memref_slice %arg8[%dma_start3A_317, %dma_start3A_326, %dma_start3A_327] : memref<6x8x768xf32, #tpu.memory_space<vmem>> -> memref<1x8x768xf32, #tpu.memory_space<vmem>>
    %dma_start3A_329 = tpu.memref_squeeze %dma_start3A_328 : memref<1x8x768xf32, #tpu.memory_space<vmem>> -> memref<8x768xf32, #tpu.memory_space<vmem>>
    tpu.enqueue_dma source(%dma_start3A_329 : memref<8x768xf32, #tpu.memory_space<vmem>>) target(%dma_start3A_325 : memref<8x768xf32, #tpu.memory_space<hbm>>) target_semaphore(%arg15 : memref<!tpu.dma_semaphore, #tpu.memory_space<semaphore_mem>>)
    %dma_wait3A_330 = arith.constant 1 : i32
    %dma_wait3A_331 = arith.constant 0 : i32
    %dma_wait3A_332 = arith.constant 0 : i32
    %dma_wait3A_333 = tpu.memref_slice %arg8[%dma_wait3A_330, %dma_wait3A_331, %dma_wait3A_332] : memref<6x8x768xf32, #tpu.memory_space<vmem>> -> memref<1x8x768xf32, #tpu.memory_space<vmem>>
    %dma_wait3A_334 = tpu.memref_squeeze %dma_wait3A_333 : memref<1x8x768xf32, #tpu.memory_space<vmem>> -> memref<8x768xf32, #tpu.memory_space<vmem>>
    %dma_wait3A_335 = arith.constant 24 : i32
    %dma_wait3A_336 = tpu.memref_slice %arg7[%dma_wait3A_335] : memref<40xi32, #tpu.memory_space<vmem>> -> memref<8xi32, #tpu.memory_space<vmem>>
    %dma_wait3A_337 = arith.constant 0 : i32
    %dma_wait3A_338 = arith.constant 0 : i32
    %dma_wait3A_339 = tpu.memref_slice %arg3[%dma_wait3A_337, %dma_wait3A_338] : memref<32000x768xf32, #tpu.memory_space<hbm>> -> memref<32000x768xf32, #tpu.memory_space<hbm>>
    tpu.wait_indirect_dma semaphore(%arg10 : memref<!tpu.dma_semaphore, #tpu.memory_space<semaphore_mem>>) src(%dma_wait3A_339 : memref<32000x768xf32, #tpu.memory_space<hbm>>) dst(%dma_wait3A_334 : memref<8x768xf32, #tpu.memory_space<vmem>>)
    %add3A_340 = arith.constant 24 : i32
    %add3A_341 = arith.addi %mul3A_2, %add3A_340 : i32
    %dma_start3A_342 = arith.constant 1 : i32
    %dma_start3A_343 = arith.constant 0 : i32
    %dma_start3A_344 = arith.constant 0 : i32
    %dma_start3A_345 = tpu.memref_slice %arg8[%dma_start3A_342, %dma_start3A_343, %dma_start3A_344] : memref<6x8x768xf32, #tpu.memory_space<vmem>> -> memref<1x8x768xf32, #tpu.memory_space<vmem>>
    %dma_start3A_346 = tpu.memref_squeeze %dma_start3A_345 : memref<1x8x768xf32, #tpu.memory_space<vmem>> -> memref<8x768xf32, #tpu.memory_space<vmem>>
    %dma_start3A_347 = arith.constant 0 : i32
    %dma_start3A_348 = tpu.memref_slice %arg6[%add3A_341, %dma_start3A_347] : memref<1280x768xf32, #tpu.memory_space<hbm>> -> memref<8x768xf32, #tpu.memory_space<hbm>>
    %dma_start3A_349 = arith.constant 0 : i32
    %dma_start3A_350 = tpu.memref_slice %arg6[%add3A_341, %dma_start3A_349] : memref<1280x768xf32, #tpu.memory_space<hbm>> -> memref<8x768xf32, #tpu.memory_space<hbm>>
    %dma_start3A_351 = arith.constant 0 : i32
    %dma_start3A_352 = arith.constant 0 : i32
    %dma_start3A_353 = tpu.memref_slice %arg8[%dma_start3A_342, %dma_start3A_351, %dma_start3A_352] : memref<6x8x768xf32, #tpu.memory_space<vmem>> -> memref<1x8x768xf32, #tpu.memory_space<vmem>>
    %dma_start3A_354 = tpu.memref_squeeze %dma_start3A_353 : memref<1x8x768xf32, #tpu.memory_space<vmem>> -> memref<8x768xf32, #tpu.memory_space<vmem>>
    tpu.enqueue_dma source(%dma_start3A_354 : memref<8x768xf32, #tpu.memory_space<vmem>>) target(%dma_start3A_350 : memref<8x768xf32, #tpu.memory_space<hbm>>) target_semaphore(%arg16 : memref<!tpu.dma_semaphore, #tpu.memory_space<semaphore_mem>>)
    %dma_wait3A_355 = arith.constant 2 : i32
    %dma_wait3A_356 = arith.constant 0 : i32
    %dma_wait3A_357 = arith.constant 0 : i32
    %dma_wait3A_358 = tpu.memref_slice %arg8[%dma_wait3A_355, %dma_wait3A_356, %dma_wait3A_357] : memref<6x8x768xf32, #tpu.memory_space<vmem>> -> memref<1x8x768xf32, #tpu.memory_space<vmem>>
    %dma_wait3A_359 = tpu.memref_squeeze %dma_wait3A_358 : memref<1x8x768xf32, #tpu.memory_space<vmem>> -> memref<8x768xf32, #tpu.memory_space<vmem>>
    %dma_wait3A_360 = arith.constant 32 : i32
    %dma_wait3A_361 = tpu.memref_slice %arg7[%dma_wait3A_360] : memref<40xi32, #tpu.memory_space<vmem>> -> memref<8xi32, #tpu.memory_space<vmem>>
    %dma_wait3A_362 = arith.constant 0 : i32
    %dma_wait3A_363 = arith.constant 0 : i32
    %dma_wait3A_364 = tpu.memref_slice %arg2[%dma_wait3A_362, %dma_wait3A_363] : memref<32000x768xf32, #tpu.memory_space<hbm>> -> memref<32000x768xf32, #tpu.memory_space<hbm>>
    tpu.wait_indirect_dma semaphore(%arg11 : memref<!tpu.dma_semaphore, #tpu.memory_space<semaphore_mem>>) src(%dma_wait3A_364 : memref<32000x768xf32, #tpu.memory_space<hbm>>) dst(%dma_wait3A_359 : memref<8x768xf32, #tpu.memory_space<vmem>>)
    %add3A_365 = arith.constant 32 : i32
    %add3A_366 = arith.addi %mul3A_2, %add3A_365 : i32
    %dma_start3A_367 = arith.constant 2 : i32
    %dma_start3A_368 = arith.constant 0 : i32
    %dma_start3A_369 = arith.constant 0 : i32
    %dma_start3A_370 = tpu.memref_slice %arg8[%dma_start3A_367, %dma_start3A_368, %dma_start3A_369] : memref<6x8x768xf32, #tpu.memory_space<vmem>> -> memref<1x8x768xf32, #tpu.memory_space<vmem>>
    %dma_start3A_371 = tpu.memref_squeeze %dma_start3A_370 : memref<1x8x768xf32, #tpu.memory_space<vmem>> -> memref<8x768xf32, #tpu.memory_space<vmem>>
    %dma_start3A_372 = arith.constant 0 : i32
    %dma_start3A_373 = tpu.memref_slice %arg5[%add3A_366, %dma_start3A_372] : memref<1280x768xf32, #tpu.memory_space<hbm>> -> memref<8x768xf32, #tpu.memory_space<hbm>>
    %dma_start3A_374 = arith.constant 0 : i32
    %dma_start3A_375 = tpu.memref_slice %arg5[%add3A_366, %dma_start3A_374] : memref<1280x768xf32, #tpu.memory_space<hbm>> -> memref<8x768xf32, #tpu.memory_space<hbm>>
    %dma_start3A_376 = arith.constant 0 : i32
    %dma_start3A_377 = arith.constant 0 : i32
    %dma_start3A_378 = tpu.memref_slice %arg8[%dma_start3A_367, %dma_start3A_376, %dma_start3A_377] : memref<6x8x768xf32, #tpu.memory_space<vmem>> -> memref<1x8x768xf32, #tpu.memory_space<vmem>>
    %dma_start3A_379 = tpu.memref_squeeze %dma_start3A_378 : memref<1x8x768xf32, #tpu.memory_space<vmem>> -> memref<8x768xf32, #tpu.memory_space<vmem>>
    tpu.enqueue_dma source(%dma_start3A_379 : memref<8x768xf32, #tpu.memory_space<vmem>>) target(%dma_start3A_375 : memref<8x768xf32, #tpu.memory_space<hbm>>) target_semaphore(%arg17 : memref<!tpu.dma_semaphore, #tpu.memory_space<semaphore_mem>>)
    %dma_wait3A_380 = arith.constant 3 : i32
    %dma_wait3A_381 = arith.constant 0 : i32
    %dma_wait3A_382 = arith.constant 0 : i32
    %dma_wait3A_383 = tpu.memref_slice %arg8[%dma_wait3A_380, %dma_wait3A_381, %dma_wait3A_382] : memref<6x8x768xf32, #tpu.memory_space<vmem>> -> memref<1x8x768xf32, #tpu.memory_space<vmem>>
    %dma_wait3A_384 = tpu.memref_squeeze %dma_wait3A_383 : memref<1x8x768xf32, #tpu.memory_space<vmem>> -> memref<8x768xf32, #tpu.memory_space<vmem>>
    %dma_wait3A_385 = arith.constant 32 : i32
    %dma_wait3A_386 = tpu.memref_slice %arg7[%dma_wait3A_385] : memref<40xi32, #tpu.memory_space<vmem>> -> memref<8xi32, #tpu.memory_space<vmem>>
    %dma_wait3A_387 = arith.constant 0 : i32
    %dma_wait3A_388 = arith.constant 0 : i32
    %dma_wait3A_389 = tpu.memref_slice %arg3[%dma_wait3A_387, %dma_wait3A_388] : memref<32000x768xf32, #tpu.memory_space<hbm>> -> memref<32000x768xf32, #tpu.memory_space<hbm>>
    tpu.wait_indirect_dma semaphore(%arg12 : memref<!tpu.dma_semaphore, #tpu.memory_space<semaphore_mem>>) src(%dma_wait3A_389 : memref<32000x768xf32, #tpu.memory_space<hbm>>) dst(%dma_wait3A_384 : memref<8x768xf32, #tpu.memory_space<vmem>>)
    %add3A_390 = arith.constant 32 : i32
    %add3A_391 = arith.addi %mul3A_2, %add3A_390 : i32
    %dma_start3A_392 = arith.constant 3 : i32
    %dma_start3A_393 = arith.constant 0 : i32
    %dma_start3A_394 = arith.constant 0 : i32
    %dma_start3A_395 = tpu.memref_slice %arg8[%dma_start3A_392, %dma_start3A_393, %dma_start3A_394] : memref<6x8x768xf32, #tpu.memory_space<vmem>> -> memref<1x8x768xf32, #tpu.memory_space<vmem>>
    %dma_start3A_396 = tpu.memref_squeeze %dma_start3A_395 : memref<1x8x768xf32, #tpu.memory_space<vmem>> -> memref<8x768xf32, #tpu.memory_space<vmem>>
    %dma_start3A_397 = arith.constant 0 : i32
    %dma_start3A_398 = tpu.memref_slice %arg6[%add3A_391, %dma_start3A_397] : memref<1280x768xf32, #tpu.memory_space<hbm>> -> memref<8x768xf32, #tpu.memory_space<hbm>>
    %dma_start3A_399 = arith.constant 0 : i32
    %dma_start3A_400 = tpu.memref_slice %arg6[%add3A_391, %dma_start3A_399] : memref<1280x768xf32, #tpu.memory_space<hbm>> -> memref<8x768xf32, #tpu.memory_space<hbm>>
    %dma_start3A_401 = arith.constant 0 : i32
    %dma_start3A_402 = arith.constant 0 : i32
    %dma_start3A_403 = tpu.memref_slice %arg8[%dma_start3A_392, %dma_start3A_401, %dma_start3A_402] : memref<6x8x768xf32, #tpu.memory_space<vmem>> -> memref<1x8x768xf32, #tpu.memory_space<vmem>>
    %dma_start3A_404 = tpu.memref_squeeze %dma_start3A_403 : memref<1x8x768xf32, #tpu.memory_space<vmem>> -> memref<8x768xf32, #tpu.memory_space<vmem>>
    tpu.enqueue_dma source(%dma_start3A_404 : memref<8x768xf32, #tpu.memory_space<vmem>>) target(%dma_start3A_400 : memref<8x768xf32, #tpu.memory_space<hbm>>) target_semaphore(%arg18 : memref<!tpu.dma_semaphore, #tpu.memory_space<semaphore_mem>>)
    %dma_wait3A_405 = arith.constant 4 : i32
    %dma_wait3A_406 = arith.constant 0 : i32
    %dma_wait3A_407 = arith.constant 0 : i32
    %dma_wait3A_408 = tpu.memref_slice %arg8[%dma_wait3A_405, %dma_wait3A_406, %dma_wait3A_407] : memref<6x8x768xf32, #tpu.memory_space<vmem>> -> memref<1x8x768xf32, #tpu.memory_space<vmem>>
    %dma_wait3A_409 = tpu.memref_squeeze %dma_wait3A_408 : memref<1x8x768xf32, #tpu.memory_space<vmem>> -> memref<8x768xf32, #tpu.memory_space<vmem>>
    %dma_wait3A_410 = arith.constant 0 : i32
    %dma_wait3A_411 = tpu.memref_slice %arg5[%add3A_220, %dma_wait3A_410] : memref<1280x768xf32, #tpu.memory_space<hbm>> -> memref<8x768xf32, #tpu.memory_space<hbm>>
    %dma_wait3A_412 = arith.constant 0 : i32
    %dma_wait3A_413 = tpu.memref_slice %arg5[%add3A_220, %dma_wait3A_412] : memref<1280x768xf32, #tpu.memory_space<hbm>> -> memref<8x768xf32, #tpu.memory_space<hbm>>
    %dma_wait3A_414 = arith.constant 0 : i32
    %dma_wait3A_415 = arith.constant 0 : i32
    %dma_wait3A_416 = tpu.memref_slice %arg8[%dma_wait3A_405, %dma_wait3A_414, %dma_wait3A_415] : memref<6x8x768xf32, #tpu.memory_space<vmem>> -> memref<1x8x768xf32, #tpu.memory_space<vmem>>
    %dma_wait3A_417 = tpu.memref_squeeze %dma_wait3A_416 : memref<1x8x768xf32, #tpu.memory_space<vmem>> -> memref<8x768xf32, #tpu.memory_space<vmem>>
    tpu.wait_dma2 semaphore(%arg19 : memref<!tpu.dma_semaphore, #tpu.memory_space<semaphore_mem>>) src(%dma_wait3A_417 : memref<8x768xf32, #tpu.memory_space<vmem>>) dst(%dma_wait3A_413 : memref<8x768xf32, #tpu.memory_space<hbm>>)
    %dma_wait3A_418 = arith.constant 5 : i32
    %dma_wait3A_419 = arith.constant 0 : i32
    %dma_wait3A_420 = arith.constant 0 : i32
    %dma_wait3A_421 = tpu.memref_slice %arg8[%dma_wait3A_418, %dma_wait3A_419, %dma_wait3A_420] : memref<6x8x768xf32, #tpu.memory_space<vmem>> -> memref<1x8x768xf32, #tpu.memory_space<vmem>>
    %dma_wait3A_422 = tpu.memref_squeeze %dma_wait3A_421 : memref<1x8x768xf32, #tpu.memory_space<vmem>> -> memref<8x768xf32, #tpu.memory_space<vmem>>
    %dma_wait3A_423 = arith.constant 0 : i32
    %dma_wait3A_424 = tpu.memref_slice %arg6[%add3A_268, %dma_wait3A_423] : memref<1280x768xf32, #tpu.memory_space<hbm>> -> memref<8x768xf32, #tpu.memory_space<hbm>>
    %dma_wait3A_425 = arith.constant 0 : i32
    %dma_wait3A_426 = tpu.memref_slice %arg6[%add3A_268, %dma_wait3A_425] : memref<1280x768xf32, #tpu.memory_space<hbm>> -> memref<8x768xf32, #tpu.memory_space<hbm>>
    %dma_wait3A_427 = arith.constant 0 : i32
    %dma_wait3A_428 = arith.constant 0 : i32
    %dma_wait3A_429 = tpu.memref_slice %arg8[%dma_wait3A_418, %dma_wait3A_427, %dma_wait3A_428] : memref<6x8x768xf32, #tpu.memory_space<vmem>> -> memref<1x8x768xf32, #tpu.memory_space<vmem>>
    %dma_wait3A_430 = tpu.memref_squeeze %dma_wait3A_429 : memref<1x8x768xf32, #tpu.memory_space<vmem>> -> memref<8x768xf32, #tpu.memory_space<vmem>>
    tpu.wait_dma2 semaphore(%arg20 : memref<!tpu.dma_semaphore, #tpu.memory_space<semaphore_mem>>) src(%dma_wait3A_430 : memref<8x768xf32, #tpu.memory_space<vmem>>) dst(%dma_wait3A_426 : memref<8x768xf32, #tpu.memory_space<hbm>>)
    %dma_wait3A_431 = arith.constant 0 : i32
    %dma_wait3A_432 = arith.constant 0 : i32
    %dma_wait3A_433 = arith.constant 0 : i32
    %dma_wait3A_434 = tpu.memref_slice %arg8[%dma_wait3A_431, %dma_wait3A_432, %dma_wait3A_433] : memref<6x8x768xf32, #tpu.memory_space<vmem>> -> memref<1x8x768xf32, #tpu.memory_space<vmem>>
    %dma_wait3A_435 = tpu.memref_squeeze %dma_wait3A_434 : memref<1x8x768xf32, #tpu.memory_space<vmem>> -> memref<8x768xf32, #tpu.memory_space<vmem>>
    %dma_wait3A_436 = arith.constant 0 : i32
    %dma_wait3A_437 = tpu.memref_slice %arg5[%add3A_316, %dma_wait3A_436] : memref<1280x768xf32, #tpu.memory_space<hbm>> -> memref<8x768xf32, #tpu.memory_space<hbm>>
    %dma_wait3A_438 = arith.constant 0 : i32
    %dma_wait3A_439 = tpu.memref_slice %arg5[%add3A_316, %dma_wait3A_438] : memref<1280x768xf32, #tpu.memory_space<hbm>> -> memref<8x768xf32, #tpu.memory_space<hbm>>
    %dma_wait3A_440 = arith.constant 0 : i32
    %dma_wait3A_441 = arith.constant 0 : i32
    %dma_wait3A_442 = tpu.memref_slice %arg8[%dma_wait3A_431, %dma_wait3A_440, %dma_wait3A_441] : memref<6x8x768xf32, #tpu.memory_space<vmem>> -> memref<1x8x768xf32, #tpu.memory_space<vmem>>
    %dma_wait3A_443 = tpu.memref_squeeze %dma_wait3A_442 : memref<1x8x768xf32, #tpu.memory_space<vmem>> -> memref<8x768xf32, #tpu.memory_space<vmem>>
    tpu.wait_dma2 semaphore(%arg15 : memref<!tpu.dma_semaphore, #tpu.memory_space<semaphore_mem>>) src(%dma_wait3A_443 : memref<8x768xf32, #tpu.memory_space<vmem>>) dst(%dma_wait3A_439 : memref<8x768xf32, #tpu.memory_space<hbm>>)
    %dma_wait3A_444 = arith.constant 1 : i32
    %dma_wait3A_445 = arith.constant 0 : i32
    %dma_wait3A_446 = arith.constant 0 : i32
    %dma_wait3A_447 = tpu.memref_slice %arg8[%dma_wait3A_444, %dma_wait3A_445, %dma_wait3A_446] : memref<6x8x768xf32, #tpu.memory_space<vmem>> -> memref<1x8x768xf32, #tpu.memory_space<vmem>>
    %dma_wait3A_448 = tpu.memref_squeeze %dma_wait3A_447 : memref<1x8x768xf32, #tpu.memory_space<vmem>> -> memref<8x768xf32, #tpu.memory_space<vmem>>
    %dma_wait3A_449 = arith.constant 0 : i32
    %dma_wait3A_450 = tpu.memref_slice %arg6[%add3A_341, %dma_wait3A_449] : memref<1280x768xf32, #tpu.memory_space<hbm>> -> memref<8x768xf32, #tpu.memory_space<hbm>>
    %dma_wait3A_451 = arith.constant 0 : i32
    %dma_wait3A_452 = tpu.memref_slice %arg6[%add3A_341, %dma_wait3A_451] : memref<1280x768xf32, #tpu.memory_space<hbm>> -> memref<8x768xf32, #tpu.memory_space<hbm>>
    %dma_wait3A_453 = arith.constant 0 : i32
    %dma_wait3A_454 = arith.constant 0 : i32
    %dma_wait3A_455 = tpu.memref_slice %arg8[%dma_wait3A_444, %dma_wait3A_453, %dma_wait3A_454] : memref<6x8x768xf32, #tpu.memory_space<vmem>> -> memref<1x8x768xf32, #tpu.memory_space<vmem>>
    %dma_wait3A_456 = tpu.memref_squeeze %dma_wait3A_455 : memref<1x8x768xf32, #tpu.memory_space<vmem>> -> memref<8x768xf32, #tpu.memory_space<vmem>>
    tpu.wait_dma2 semaphore(%arg16 : memref<!tpu.dma_semaphore, #tpu.memory_space<semaphore_mem>>) src(%dma_wait3A_456 : memref<8x768xf32, #tpu.memory_space<vmem>>) dst(%dma_wait3A_452 : memref<8x768xf32, #tpu.memory_space<hbm>>)
    %dma_wait3A_457 = arith.constant 2 : i32
    %dma_wait3A_458 = arith.constant 0 : i32
    %dma_wait3A_459 = arith.constant 0 : i32
    %dma_wait3A_460 = tpu.memref_slice %arg8[%dma_wait3A_457, %dma_wait3A_458, %dma_wait3A_459] : memref<6x8x768xf32, #tpu.memory_space<vmem>> -> memref<1x8x768xf32, #tpu.memory_space<vmem>>
    %dma_wait3A_461 = tpu.memref_squeeze %dma_wait3A_460 : memref<1x8x768xf32, #tpu.memory_space<vmem>> -> memref<8x768xf32, #tpu.memory_space<vmem>>
    %dma_wait3A_462 = arith.constant 0 : i32
    %dma_wait3A_463 = tpu.memref_slice %arg5[%add3A_366, %dma_wait3A_462] : memref<1280x768xf32, #tpu.memory_space<hbm>> -> memref<8x768xf32, #tpu.memory_space<hbm>>
    %dma_wait3A_464 = arith.constant 0 : i32
    %dma_wait3A_465 = tpu.memref_slice %arg5[%add3A_366, %dma_wait3A_464] : memref<1280x768xf32, #tpu.memory_space<hbm>> -> memref<8x768xf32, #tpu.memory_space<hbm>>
    %dma_wait3A_466 = arith.constant 0 : i32
    %dma_wait3A_467 = arith.constant 0 : i32
    %dma_wait3A_468 = tpu.memref_slice %arg8[%dma_wait3A_457, %dma_wait3A_466, %dma_wait3A_467] : memref<6x8x768xf32, #tpu.memory_space<vmem>> -> memref<1x8x768xf32, #tpu.memory_space<vmem>>
    %dma_wait3A_469 = tpu.memref_squeeze %dma_wait3A_468 : memref<1x8x768xf32, #tpu.memory_space<vmem>> -> memref<8x768xf32, #tpu.memory_space<vmem>>
    tpu.wait_dma2 semaphore(%arg17 : memref<!tpu.dma_semaphore, #tpu.memory_space<semaphore_mem>>) src(%dma_wait3A_469 : memref<8x768xf32, #tpu.memory_space<vmem>>) dst(%dma_wait3A_465 : memref<8x768xf32, #tpu.memory_space<hbm>>)
    %dma_wait3A_470 = arith.constant 3 : i32
    %dma_wait3A_471 = arith.constant 0 : i32
    %dma_wait3A_472 = arith.constant 0 : i32
    %dma_wait3A_473 = tpu.memref_slice %arg8[%dma_wait3A_470, %dma_wait3A_471, %dma_wait3A_472] : memref<6x8x768xf32, #tpu.memory_space<vmem>> -> memref<1x8x768xf32, #tpu.memory_space<vmem>>
    %dma_wait3A_474 = tpu.memref_squeeze %dma_wait3A_473 : memref<1x8x768xf32, #tpu.memory_space<vmem>> -> memref<8x768xf32, #tpu.memory_space<vmem>>
    %dma_wait3A_475 = arith.constant 0 : i32
    %dma_wait3A_476 = tpu.memref_slice %arg6[%add3A_391, %dma_wait3A_475] : memref<1280x768xf32, #tpu.memory_space<hbm>> -> memref<8x768xf32, #tpu.memory_space<hbm>>
    %dma_wait3A_477 = arith.constant 0 : i32
    %dma_wait3A_478 = tpu.memref_slice %arg6[%add3A_391, %dma_wait3A_477] : memref<1280x768xf32, #tpu.memory_space<hbm>> -> memref<8x768xf32, #tpu.memory_space<hbm>>
    %dma_wait3A_479 = arith.constant 0 : i32
    %dma_wait3A_480 = arith.constant 0 : i32
    %dma_wait3A_481 = tpu.memref_slice %arg8[%dma_wait3A_470, %dma_wait3A_479, %dma_wait3A_480] : memref<6x8x768xf32, #tpu.memory_space<vmem>> -> memref<1x8x768xf32, #tpu.memory_space<vmem>>
    %dma_wait3A_482 = tpu.memref_squeeze %dma_wait3A_481 : memref<1x8x768xf32, #tpu.memory_space<vmem>> -> memref<8x768xf32, #tpu.memory_space<vmem>>
    tpu.wait_dma2 semaphore(%arg18 : memref<!tpu.dma_semaphore, #tpu.memory_space<semaphore_mem>>) src(%dma_wait3A_482 : memref<8x768xf32, #tpu.memory_space<vmem>>) dst(%dma_wait3A_478 : memref<8x768xf32, #tpu.memory_space<hbm>>)
    return
  }
}

#map = affine_map<(d0, d1) -> (0, 0)>
#map1 = affine_map<(d0, d1) -> (0)>
module attributes {stable_mosaic.version = 14 : i64} {
  func.func @gather_kernel(%arg0: i32, %arg1: i32, %arg2: memref<32000x768xf32, #tpu.memory_space<hbm>>, %arg3: memref<32000x768xf32, #tpu.memory_space<hbm>>, %arg4: memref<2304xi32, #tpu.memory_space<hbm>>, %arg5: memref<1280x768xf32, #tpu.memory_space<hbm>>, %arg6: memref<1280x768xf32, #tpu.memory_space<hbm>>, %arg7: memref<40xi32, #tpu.memory_space<vmem>>, %arg8: memref<6x8x768xf32, #tpu.memory_space<vmem>>, %arg9: memref<!tpu.dma_semaphore, #tpu.memory_space<semaphore_mem>>, %arg10: memref<!tpu.dma_semaphore, #tpu.memory_space<semaphore_mem>>, %arg11: memref<!tpu.dma_semaphore, #tpu.memory_space<semaphore_mem>>, %arg12: memref<!tpu.dma_semaphore, #tpu.memory_space<semaphore_mem>>, %arg13: memref<!tpu.dma_semaphore, #tpu.memory_space<semaphore_mem>>, %arg14: memref<!tpu.dma_semaphore, #tpu.memory_space<semaphore_mem>>, %arg15: memref<!tpu.dma_semaphore, #tpu.memory_space<semaphore_mem>>, %arg16: memref<!tpu.dma_semaphore, #tpu.memory_space<semaphore_mem>>, %arg17: memref<!tpu.dma_semaphore, #tpu.memory_space<semaphore_mem>>, %arg18: memref<!tpu.dma_semaphore, #tpu.memory_space<semaphore_mem>>, %arg19: memref<!tpu.dma_semaphore, #tpu.memory_space<semaphore_mem>>, %arg20: memref<!tpu.dma_semaphore, #tpu.memory_space<semaphore_mem>>) attributes {dimension_semantics = [#tpu.dimension_semantics<core_parallel>, #tpu.dimension_semantics<subcore_parallel>], iteration_bounds = array<i64: 2, 16>, scalar_prefetch = 0 : i64, scratch_operands = 14 : i64, tpu.core_type = #tpu.core_type<sc_vector_subcore>, window_params = [{transform_indices = #map}, {transform_indices = #map}, {transform_indices = #map1}, {transform_indices = #map}, {transform_indices = #map}]} {
    %mul3A = arith.constant 2 : i32
    %mul3A_0 = arith.muli %arg1, %mul3A : i32
    %add3A = arith.addi %mul3A_0, %arg0 : i32
    %mul3A_1 = arith.constant 40 : i32
    %mul3A_2 = arith.muli %add3A, %mul3A_1 : i32
    %add3A_3 = arith.constant 1024 : i32
    %add3A_4 = arith.addi %add3A_3, %mul3A_2 : i32
    "tpu.region"() ({
      %run_scoped3A = tpu.sem_alloc : memref<!tpu.dma_semaphore, #tpu.memory_space<semaphore_mem>>
      %dma_start3A_483 = tpu.memref_slice %arg4[%add3A_4] : memref<2304xi32, #tpu.memory_space<hbm>> -> memref<40xi32, #tpu.memory_space<hbm>>
      %dma_start3A_484 = tpu.memref_slice %arg4[%add3A_4] : memref<2304xi32, #tpu.memory_space<hbm>> -> memref<40xi32, #tpu.memory_space<hbm>>
      tpu.enqueue_dma source(%dma_start3A_484 : memref<40xi32, #tpu.memory_space<hbm>>) target(%arg7 : memref<40xi32, #tpu.memory_space<vmem>>) target_semaphore(%run_scoped3A : memref<!tpu.dma_semaphore, #tpu.memory_space<semaphore_mem>>)
      %dma_wait3A_485 = tpu.memref_slice %arg4[%add3A_4] : memref<2304xi32, #tpu.memory_space<hbm>> -> memref<40xi32, #tpu.memory_space<hbm>>
      %dma_wait3A_486 = tpu.memref_slice %arg4[%add3A_4] : memref<2304xi32, #tpu.memory_space<hbm>> -> memref<40xi32, #tpu.memory_space<hbm>>
      tpu.wait_dma2 semaphore(%run_scoped3A : memref<!tpu.dma_semaphore, #tpu.memory_space<semaphore_mem>>) src(%dma_wait3A_486 : memref<40xi32, #tpu.memory_space<hbm>>) dst(%arg7 : memref<40xi32, #tpu.memory_space<vmem>>)
      tpu.yield
    }) : () -> ()
    %dma_start3A = arith.constant 0 : i32
    %dma_start3A_5 = arith.constant 0 : i32
    %dma_start3A_6 = arith.constant 0 : i32
    %dma_start3A_7 = tpu.memref_slice %arg8[%dma_start3A, %dma_start3A_5, %dma_start3A_6] : memref<6x8x768xf32, #tpu.memory_space<vmem>> -> memref<1x8x768xf32, #tpu.memory_space<vmem>>
    %dma_start3A_8 = tpu.memref_squeeze %dma_start3A_7 : memref<1x8x768xf32, #tpu.memory_space<vmem>> -> memref<8x768xf32, #tpu.memory_space<vmem>>
    %dma_start3A_9 = arith.constant 0 : i32
    %dma_start3A_10 = tpu.memref_slice %arg7[%dma_start3A_9] : memref<40xi32, #tpu.memory_space<vmem>> -> memref<8xi32, #tpu.memory_space<vmem>>
    %dma_start3A_11 = arith.constant 0 : i32
    %dma_start3A_12 = arith.constant 0 : i32
    %dma_start3A_13 = tpu.memref_slice %arg2[%dma_start3A_11, %dma_start3A_12] : memref<32000x768xf32, #tpu.memory_space<hbm>> -> memref<32000x768xf32, #tpu.memory_space<hbm>>
    tpu.enqueue_indirect_dma source(%dma_start3A_13 : memref<32000x768xf32, #tpu.memory_space<hbm>>) target(%dma_start3A_8 : memref<8x768xf32, #tpu.memory_space<vmem>>) offsets(%dma_start3A_10 : memref<8xi32, #tpu.memory_space<vmem>>) semaphore(%arg9 : memref<!tpu.dma_semaphore, #tpu.memory_space<semaphore_mem>>)
    %dma_start3A_14 = arith.constant 1 : i32
    %dma_start3A_15 = arith.constant 0 : i32
    %dma_start3A_16 = arith.constant 0 : i32
    %dma_start3A_17 = tpu.memref_slice %arg8[%dma_start3A_14, %dma_start3A_15, %dma_start3A_16] : memref<6x8x768xf32, #tpu.memory_space<vmem>> -> memref<1x8x768xf32, #tpu.memory_space<vmem>>
    %dma_start3A_18 = tpu.memref_squeeze %dma_start3A_17 : memref<1x8x768xf32, #tpu.memory_space<vmem>> -> memref<8x768xf32, #tpu.memory_space<vmem>>
    %dma_start3A_19 = arith.constant 0 : i32
    %dma_start3A_20 = tpu.memref_slice %arg7[%dma_start3A_19] : memref<40xi32, #tpu.memory_space<vmem>> -> memref<8xi32, #tpu.memory_space<vmem>>
    %dma_start3A_21 = arith.constant 0 : i32
    %dma_start3A_22 = arith.constant 0 : i32
    %dma_start3A_23 = tpu.memref_slice %arg3[%dma_start3A_21, %dma_start3A_22] : memref<32000x768xf32, #tpu.memory_space<hbm>> -> memref<32000x768xf32, #tpu.memory_space<hbm>>
    tpu.enqueue_indirect_dma source(%dma_start3A_23 : memref<32000x768xf32, #tpu.memory_space<hbm>>) target(%dma_start3A_18 : memref<8x768xf32, #tpu.memory_space<vmem>>) offsets(%dma_start3A_20 : memref<8xi32, #tpu.memory_space<vmem>>) semaphore(%arg10 : memref<!tpu.dma_semaphore, #tpu.memory_space<semaphore_mem>>)
    %dma_start3A_24 = arith.constant 2 : i32
    %dma_start3A_25 = arith.constant 0 : i32
    %dma_start3A_26 = arith.constant 0 : i32
    %dma_start3A_27 = tpu.memref_slice %arg8[%dma_start3A_24, %dma_start3A_25, %dma_start3A_26] : memref<6x8x768xf32, #tpu.memory_space<vmem>> -> memref<1x8x768xf32, #tpu.memory_space<vmem>>
    %dma_start3A_28 = tpu.memref_squeeze %dma_start3A_27 : memref<1x8x768xf32, #tpu.memory_space<vmem>> -> memref<8x768xf32, #tpu.memory_space<vmem>>
    %dma_start3A_29 = arith.constant 8 : i32
    %dma_start3A_30 = tpu.memref_slice %arg7[%dma_start3A_29] : memref<40xi32, #tpu.memory_space<vmem>> -> memref<8xi32, #tpu.memory_space<vmem>>
    %dma_start3A_31 = arith.constant 0 : i32
    %dma_start3A_32 = arith.constant 0 : i32
    %dma_start3A_33 = tpu.memref_slice %arg2[%dma_start3A_31, %dma_start3A_32] : memref<32000x768xf32, #tpu.memory_space<hbm>> -> memref<32000x768xf32, #tpu.memory_space<hbm>>
    tpu.enqueue_indirect_dma source(%dma_start3A_33 : memref<32000x768xf32, #tpu.memory_space<hbm>>) target(%dma_start3A_28 : memref<8x768xf32, #tpu.memory_space<vmem>>) offsets(%dma_start3A_30 : memref<8xi32, #tpu.memory_space<vmem>>) semaphore(%arg11 : memref<!tpu.dma_semaphore, #tpu.memory_space<semaphore_mem>>)
    %dma_start3A_34 = arith.constant 3 : i32
    %dma_start3A_35 = arith.constant 0 : i32
    %dma_start3A_36 = arith.constant 0 : i32
    %dma_start3A_37 = tpu.memref_slice %arg8[%dma_start3A_34, %dma_start3A_35, %dma_start3A_36] : memref<6x8x768xf32, #tpu.memory_space<vmem>> -> memref<1x8x768xf32, #tpu.memory_space<vmem>>
    %dma_start3A_38 = tpu.memref_squeeze %dma_start3A_37 : memref<1x8x768xf32, #tpu.memory_space<vmem>> -> memref<8x768xf32, #tpu.memory_space<vmem>>
    %dma_start3A_39 = arith.constant 8 : i32
    %dma_start3A_40 = tpu.memref_slice %arg7[%dma_start3A_39] : memref<40xi32, #tpu.memory_space<vmem>> -> memref<8xi32, #tpu.memory_space<vmem>>
    %dma_start3A_41 = arith.constant 0 : i32
    %dma_start3A_42 = arith.constant 0 : i32
    %dma_start3A_43 = tpu.memref_slice %arg3[%dma_start3A_41, %dma_start3A_42] : memref<32000x768xf32, #tpu.memory_space<hbm>> -> memref<32000x768xf32, #tpu.memory_space<hbm>>
    tpu.enqueue_indirect_dma source(%dma_start3A_43 : memref<32000x768xf32, #tpu.memory_space<hbm>>) target(%dma_start3A_38 : memref<8x768xf32, #tpu.memory_space<vmem>>) offsets(%dma_start3A_40 : memref<8xi32, #tpu.memory_space<vmem>>) semaphore(%arg12 : memref<!tpu.dma_semaphore, #tpu.memory_space<semaphore_mem>>)
    %dma_wait3A = arith.constant 0 : i32
    %dma_wait3A_44 = arith.constant 0 : i32
    %dma_wait3A_45 = arith.constant 0 : i32
    %dma_wait3A_46 = tpu.memref_slice %arg8[%dma_wait3A, %dma_wait3A_44, %dma_wait3A_45] : memref<6x8x768xf32, #tpu.memory_space<vmem>> -> memref<1x8x768xf32, #tpu.memory_space<vmem>>
    %dma_wait3A_47 = tpu.memref_squeeze %dma_wait3A_46 : memref<1x8x768xf32, #tpu.memory_space<vmem>> -> memref<8x768xf32, #tpu.memory_space<vmem>>
    %dma_wait3A_48 = arith.constant 0 : i32
    %dma_wait3A_49 = tpu.memref_slice %arg7[%dma_wait3A_48] : memref<40xi32, #tpu.memory_space<vmem>> -> memref<8xi32, #tpu.memory_space<vmem>>
    %dma_wait3A_50 = arith.constant 0 : i32
    %dma_wait3A_51 = arith.constant 0 : i32
    %dma_wait3A_52 = tpu.memref_slice %arg2[%dma_wait3A_50, %dma_wait3A_51] : memref<32000x768xf32, #tpu.memory_space<hbm>> -> memref<32000x768xf32, #tpu.memory_space<hbm>>
    tpu.wait_indirect_dma semaphore(%arg9 : memref<!tpu.dma_semaphore, #tpu.memory_space<semaphore_mem>>) src(%dma_wait3A_52 : memref<32000x768xf32, #tpu.memory_space<hbm>>) dst(%dma_wait3A_47 : memref<8x768xf32, #tpu.memory_space<vmem>>)
    %add3A_53 = arith.constant 0 : i32
    %add3A_54 = arith.addi %mul3A_2, %add3A_53 : i32
    %dma_start3A_55 = arith.constant 0 : i32
    %dma_start3A_56 = arith.constant 0 : i32
    %dma_start3A_57 = arith.constant 0 : i32
    %dma_start3A_58 = tpu.memref_slice %arg8[%dma_start3A_55, %dma_start3A_56, %dma_start3A_57] : memref<6x8x768xf32, #tpu.memory_space<vmem>> -> memref<1x8x768xf32, #tpu.memory_space<vmem>>
    %dma_start3A_59 = tpu.memref_squeeze %dma_start3A_58 : memref<1x8x768xf32, #tpu.memory_space<vmem>> -> memref<8x768xf32, #tpu.memory_space<vmem>>
    %dma_start3A_60 = arith.constant 0 : i32
    %dma_start3A_61 = tpu.memref_slice %arg5[%add3A_54, %dma_start3A_60] : memref<1280x768xf32, #tpu.memory_space<hbm>> -> memref<8x768xf32, #tpu.memory_space<hbm>>
    %dma_start3A_62 = arith.constant 0 : i32
    %dma_start3A_63 = tpu.memref_slice %arg5[%add3A_54, %dma_start3A_62] : memref<1280x768xf32, #tpu.memory_space<hbm>> -> memref<8x768xf32, #tpu.memory_space<hbm>>
    %dma_start3A_64 = arith.constant 0 : i32
    %dma_start3A_65 = arith.constant 0 : i32
    %dma_start3A_66 = tpu.memref_slice %arg8[%dma_start3A_55, %dma_start3A_64, %dma_start3A_65] : memref<6x8x768xf32, #tpu.memory_space<vmem>> -> memref<1x8x768xf32, #tpu.memory_space<vmem>>
    %dma_start3A_67 = tpu.memref_squeeze %dma_start3A_66 : memref<1x8x768xf32, #tpu.memory_space<vmem>> -> memref<8x768xf32, #tpu.memory_space<vmem>>
    tpu.enqueue_dma source(%dma_start3A_67 : memref<8x768xf32, #tpu.memory_space<vmem>>) target(%dma_start3A_63 : memref<8x768xf32, #tpu.memory_space<hbm>>) target_semaphore(%arg15 : memref<!tpu.dma_semaphore, #tpu.memory_space<semaphore_mem>>)
    %dma_start3A_68 = arith.constant 4 : i32
    %dma_start3A_69 = arith.constant 0 : i32
    %dma_start3A_70 = arith.constant 0 : i32
    %dma_start3A_71 = tpu.memref_slice %arg8[%dma_start3A_68, %dma_start3A_69, %dma_start3A_70] : memref<6x8x768xf32, #tpu.memory_space<vmem>> -> memref<1x8x768xf32, #tpu.memory_space<vmem>>
    %dma_start3A_72 = tpu.memref_squeeze %dma_start3A_71 : memref<1x8x768xf32, #tpu.memory_space<vmem>> -> memref<8x768xf32, #tpu.memory_space<vmem>>
    %dma_start3A_73 = arith.constant 16 : i32
    %dma_start3A_74 = tpu.memref_slice %arg7[%dma_start3A_73] : memref<40xi32, #tpu.memory_space<vmem>> -> memref<8xi32, #tpu.memory_space<vmem>>
    %dma_start3A_75 = arith.constant 0 : i32
    %dma_start3A_76 = arith.constant 0 : i32
    %dma_start3A_77 = tpu.memref_slice %arg2[%dma_start3A_75, %dma_start3A_76] : memref<32000x768xf32, #tpu.memory_space<hbm>> -> memref<32000x768xf32, #tpu.memory_space<hbm>>
    tpu.enqueue_indirect_dma source(%dma_start3A_77 : memref<32000x768xf32, #tpu.memory_space<hbm>>) target(%dma_start3A_72 : memref<8x768xf32, #tpu.memory_space<vmem>>) offsets(%dma_start3A_74 : memref<8xi32, #tpu.memory_space<vmem>>) semaphore(%arg13 : memref<!tpu.dma_semaphore, #tpu.memory_space<semaphore_mem>>)
    %dma_wait3A_78 = arith.constant 1 : i32
    %dma_wait3A_79 = arith.constant 0 : i32
    %dma_wait3A_80 = arith.constant 0 : i32
    %dma_wait3A_81 = tpu.memref_slice %arg8[%dma_wait3A_78, %dma_wait3A_79, %dma_wait3A_80] : memref<6x8x768xf32, #tpu.memory_space<vmem>> -> memref<1x8x768xf32, #tpu.memory_space<vmem>>
    %dma_wait3A_82 = tpu.memref_squeeze %dma_wait3A_81 : memref<1x8x768xf32, #tpu.memory_space<vmem>> -> memref<8x768xf32, #tpu.memory_space<vmem>>
    %dma_wait3A_83 = arith.constant 0 : i32
    %dma_wait3A_84 = tpu.memref_slice %arg7[%dma_wait3A_83] : memref<40xi32, #tpu.memory_space<vmem>> -> memref<8xi32, #tpu.memory_space<vmem>>
    %dma_wait3A_85 = arith.constant 0 : i32
    %dma_wait3A_86 = arith.constant 0 : i32
    %dma_wait3A_87 = tpu.memref_slice %arg3[%dma_wait3A_85, %dma_wait3A_86] : memref<32000x768xf32, #tpu.memory_space<hbm>> -> memref<32000x768xf32, #tpu.memory_space<hbm>>
    tpu.wait_indirect_dma semaphore(%arg10 : memref<!tpu.dma_semaphore, #tpu.memory_space<semaphore_mem>>) src(%dma_wait3A_87 : memref<32000x768xf32, #tpu.memory_space<hbm>>) dst(%dma_wait3A_82 : memref<8x768xf32, #tpu.memory_space<vmem>>)
    %add3A_88 = arith.constant 0 : i32
    %add3A_89 = arith.addi %mul3A_2, %add3A_88 : i32
    %dma_start3A_90 = arith.constant 1 : i32
    %dma_start3A_91 = arith.constant 0 : i32
    %dma_start3A_92 = arith.constant 0 : i32
    %dma_start3A_93 = tpu.memref_slice %arg8[%dma_start3A_90, %dma_start3A_91, %dma_start3A_92] : memref<6x8x768xf32, #tpu.memory_space<vmem>> -> memref<1x8x768xf32, #tpu.memory_space<vmem>>
    %dma_start3A_94 = tpu.memref_squeeze %dma_start3A_93 : memref<1x8x768xf32, #tpu.memory_space<vmem>> -> memref<8x768xf32, #tpu.memory_space<vmem>>
    %dma_start3A_95 = arith.constant 0 : i32
    %dma_start3A_96 = tpu.memref_slice %arg6[%add3A_89, %dma_start3A_95] : memref<1280x768xf32, #tpu.memory_space<hbm>> -> memref<8x768xf32, #tpu.memory_space<hbm>>
    %dma_start3A_97 = arith.constant 0 : i32
    %dma_start3A_98 = tpu.memref_slice %arg6[%add3A_89, %dma_start3A_97] : memref<1280x768xf32, #tpu.memory_space<hbm>> -> memref<8x768xf32, #tpu.memory_space<hbm>>
    %dma_start3A_99 = arith.constant 0 : i32
    %dma_start3A_100 = arith.constant 0 : i32
    %dma_start3A_101 = tpu.memref_slice %arg8[%dma_start3A_90, %dma_start3A_99, %dma_start3A_100] : memref<6x8x768xf32, #tpu.memory_space<vmem>> -> memref<1x8x768xf32, #tpu.memory_space<vmem>>
    %dma_start3A_102 = tpu.memref_squeeze %dma_start3A_101 : memref<1x8x768xf32, #tpu.memory_space<vmem>> -> memref<8x768xf32, #tpu.memory_space<vmem>>
    tpu.enqueue_dma source(%dma_start3A_102 : memref<8x768xf32, #tpu.memory_space<vmem>>) target(%dma_start3A_98 : memref<8x768xf32, #tpu.memory_space<hbm>>) target_semaphore(%arg16 : memref<!tpu.dma_semaphore, #tpu.memory_space<semaphore_mem>>)
    %dma_start3A_103 = arith.constant 5 : i32
    %dma_start3A_104 = arith.constant 0 : i32
    %dma_start3A_105 = arith.constant 0 : i32
    %dma_start3A_106 = tpu.memref_slice %arg8[%dma_start3A_103, %dma_start3A_104, %dma_start3A_105] : memref<6x8x768xf32, #tpu.memory_space<vmem>> -> memref<1x8x768xf32, #tpu.memory_space<vmem>>
    %dma_start3A_107 = tpu.memref_squeeze %dma_start3A_106 : memref<1x8x768xf32, #tpu.memory_space<vmem>> -> memref<8x768xf32, #tpu.memory_space<vmem>>
    %dma_start3A_108 = arith.constant 16 : i32
    %dma_start3A_109 = tpu.memref_slice %arg7[%dma_start3A_108] : memref<40xi32, #tpu.memory_space<vmem>> -> memref<8xi32, #tpu.memory_space<vmem>>
    %dma_start3A_110 = arith.constant 0 : i32
    %dma_start3A_111 = arith.constant 0 : i32
    %dma_start3A_112 = tpu.memref_slice %arg3[%dma_start3A_110, %dma_start3A_111] : memref<32000x768xf32, #tpu.memory_space<hbm>> -> memref<32000x768xf32, #tpu.memory_space<hbm>>
    tpu.enqueue_indirect_dma source(%dma_start3A_112 : memref<32000x768xf32, #tpu.memory_space<hbm>>) target(%dma_start3A_107 : memref<8x768xf32, #tpu.memory_space<vmem>>) offsets(%dma_start3A_109 : memref<8xi32, #tpu.memory_space<vmem>>) semaphore(%arg14 : memref<!tpu.dma_semaphore, #tpu.memory_space<semaphore_mem>>)
    %dma_wait3A_113 = arith.constant 2 : i32
    %dma_wait3A_114 = arith.constant 0 : i32
    %dma_wait3A_115 = arith.constant 0 : i32
    %dma_wait3A_116 = tpu.memref_slice %arg8[%dma_wait3A_113, %dma_wait3A_114, %dma_wait3A_115] : memref<6x8x768xf32, #tpu.memory_space<vmem>> -> memref<1x8x768xf32, #tpu.memory_space<vmem>>
    %dma_wait3A_117 = tpu.memref_squeeze %dma_wait3A_116 : memref<1x8x768xf32, #tpu.memory_space<vmem>> -> memref<8x768xf32, #tpu.memory_space<vmem>>
    %dma_wait3A_118 = arith.constant 8 : i32
    %dma_wait3A_119 = tpu.memref_slice %arg7[%dma_wait3A_118] : memref<40xi32, #tpu.memory_space<vmem>> -> memref<8xi32, #tpu.memory_space<vmem>>
    %dma_wait3A_120 = arith.constant 0 : i32
    %dma_wait3A_121 = arith.constant 0 : i32
    %dma_wait3A_122 = tpu.memref_slice %arg2[%dma_wait3A_120, %dma_wait3A_121] : memref<32000x768xf32, #tpu.memory_space<hbm>> -> memref<32000x768xf32, #tpu.memory_space<hbm>>
    tpu.wait_indirect_dma semaphore(%arg11 : memref<!tpu.dma_semaphore, #tpu.memory_space<semaphore_mem>>) src(%dma_wait3A_122 : memref<32000x768xf32, #tpu.memory_space<hbm>>) dst(%dma_wait3A_117 : memref<8x768xf32, #tpu.memory_space<vmem>>)
    %add3A_123 = arith.constant 8 : i32
    %add3A_124 = arith.addi %mul3A_2, %add3A_123 : i32
    %dma_start3A_125 = arith.constant 2 : i32
    %dma_start3A_126 = arith.constant 0 : i32
    %dma_start3A_127 = arith.constant 0 : i32
    %dma_start3A_128 = tpu.memref_slice %arg8[%dma_start3A_125, %dma_start3A_126, %dma_start3A_127] : memref<6x8x768xf32, #tpu.memory_space<vmem>> -> memref<1x8x768xf32, #tpu.memory_space<vmem>>
    %dma_start3A_129 = tpu.memref_squeeze %dma_start3A_128 : memref<1x8x768xf32, #tpu.memory_space<vmem>> -> memref<8x768xf32, #tpu.memory_space<vmem>>
    %dma_start3A_130 = arith.constant 0 : i32
    %dma_start3A_131 = tpu.memref_slice %arg5[%add3A_124, %dma_start3A_130] : memref<1280x768xf32, #tpu.memory_space<hbm>> -> memref<8x768xf32, #tpu.memory_space<hbm>>
    %dma_start3A_132 = arith.constant 0 : i32
    %dma_start3A_133 = tpu.memref_slice %arg5[%add3A_124, %dma_start3A_132] : memref<1280x768xf32, #tpu.memory_space<hbm>> -> memref<8x768xf32, #tpu.memory_space<hbm>>
    %dma_start3A_134 = arith.constant 0 : i32
    %dma_start3A_135 = arith.constant 0 : i32
    %dma_start3A_136 = tpu.memref_slice %arg8[%dma_start3A_125, %dma_start3A_134, %dma_start3A_135] : memref<6x8x768xf32, #tpu.memory_space<vmem>> -> memref<1x8x768xf32, #tpu.memory_space<vmem>>
    %dma_start3A_137 = tpu.memref_squeeze %dma_start3A_136 : memref<1x8x768xf32, #tpu.memory_space<vmem>> -> memref<8x768xf32, #tpu.memory_space<vmem>>
    tpu.enqueue_dma source(%dma_start3A_137 : memref<8x768xf32, #tpu.memory_space<vmem>>) target(%dma_start3A_133 : memref<8x768xf32, #tpu.memory_space<hbm>>) target_semaphore(%arg17 : memref<!tpu.dma_semaphore, #tpu.memory_space<semaphore_mem>>)
    %dma_wait3A_138 = arith.constant 0 : i32
    %dma_wait3A_139 = arith.constant 0 : i32
    %dma_wait3A_140 = arith.constant 0 : i32
    %dma_wait3A_141 = tpu.memref_slice %arg8[%dma_wait3A_138, %dma_wait3A_139, %dma_wait3A_140] : memref<6x8x768xf32, #tpu.memory_space<vmem>> -> memref<1x8x768xf32, #tpu.memory_space<vmem>>
    %dma_wait3A_142 = tpu.memref_squeeze %dma_wait3A_141 : memref<1x8x768xf32, #tpu.memory_space<vmem>> -> memref<8x768xf32, #tpu.memory_space<vmem>>
    %dma_wait3A_143 = arith.constant 0 : i32
    %dma_wait3A_144 = tpu.memref_slice %arg5[%add3A_54, %dma_wait3A_143] : memref<1280x768xf32, #tpu.memory_space<hbm>> -> memref<8x768xf32, #tpu.memory_space<hbm>>
    %dma_wait3A_145 = arith.constant 0 : i32
    %dma_wait3A_146 = tpu.memref_slice %arg5[%add3A_54, %dma_wait3A_145] : memref<1280x768xf32, #tpu.memory_space<hbm>> -> memref<8x768xf32, #tpu.memory_space<hbm>>
    %dma_wait3A_147 = arith.constant 0 : i32
    %dma_wait3A_148 = arith.constant 0 : i32
    %dma_wait3A_149 = tpu.memref_slice %arg8[%dma_wait3A_138, %dma_wait3A_147, %dma_wait3A_148] : memref<6x8x768xf32, #tpu.memory_space<vmem>> -> memref<1x8x768xf32, #tpu.memory_space<vmem>>
    %dma_wait3A_150 = tpu.memref_squeeze %dma_wait3A_149 : memref<1x8x768xf32, #tpu.memory_space<vmem>> -> memref<8x768xf32, #tpu.memory_space<vmem>>
    tpu.wait_dma2 semaphore(%arg15 : memref<!tpu.dma_semaphore, #tpu.memory_space<semaphore_mem>>) src(%dma_wait3A_150 : memref<8x768xf32, #tpu.memory_space<vmem>>) dst(%dma_wait3A_146 : memref<8x768xf32, #tpu.memory_space<hbm>>)
    %dma_start3A_151 = arith.constant 0 : i32
    %dma_start3A_152 = arith.constant 0 : i32
    %dma_start3A_153 = arith.constant 0 : i32
    %dma_start3A_154 = tpu.memref_slice %arg8[%dma_start3A_151, %dma_start3A_152, %dma_start3A_153] : memref<6x8x768xf32, #tpu.memory_space<vmem>> -> memref<1x8x768xf32, #tpu.memory_space<vmem>>
    %dma_start3A_155 = tpu.memref_squeeze %dma_start3A_154 : memref<1x8x768xf32, #tpu.memory_space<vmem>> -> memref<8x768xf32, #tpu.memory_space<vmem>>
    %dma_start3A_156 = arith.constant 24 : i32
    %dma_start3A_157 = tpu.memref_slice %arg7[%dma_start3A_156] : memref<40xi32, #tpu.memory_space<vmem>> -> memref<8xi32, #tpu.memory_space<vmem>>
    %dma_start3A_158 = arith.constant 0 : i32
    %dma_start3A_159 = arith.constant 0 : i32
    %dma_start3A_160 = tpu.memref_slice %arg2[%dma_start3A_158, %dma_start3A_159] : memref<32000x768xf32, #tpu.memory_space<hbm>> -> memref<32000x768xf32, #tpu.memory_space<hbm>>
    tpu.enqueue_indirect_dma source(%dma_start3A_160 : memref<32000x768xf32, #tpu.memory_space<hbm>>) target(%dma_start3A_155 : memref<8x768xf32, #tpu.memory_space<vmem>>) offsets(%dma_start3A_157 : memref<8xi32, #tpu.memory_space<vmem>>) semaphore(%arg9 : memref<!tpu.dma_semaphore, #tpu.memory_space<semaphore_mem>>)
    %dma_wait3A_161 = arith.constant 3 : i32
    %dma_wait3A_162 = arith.constant 0 : i32
    %dma_wait3A_163 = arith.constant 0 : i32
    %dma_wait3A_164 = tpu.memref_slice %arg8[%dma_wait3A_161, %dma_wait3A_162, %dma_wait3A_163] : memref<6x8x768xf32, #tpu.memory_space<vmem>> -> memref<1x8x768xf32, #tpu.memory_space<vmem>>
    %dma_wait3A_165 = tpu.memref_squeeze %dma_wait3A_164 : memref<1x8x768xf32, #tpu.memory_space<vmem>> -> memref<8x768xf32, #tpu.memory_space<vmem>>
    %dma_wait3A_166 = arith.constant 8 : i32
    %dma_wait3A_167 = tpu.memref_slice %arg7[%dma_wait3A_166] : memref<40xi32, #tpu.memory_space<vmem>> -> memref<8xi32, #tpu.memory_space<vmem>>
    %dma_wait3A_168 = arith.constant 0 : i32
    %dma_wait3A_169 = arith.constant 0 : i32
    %dma_wait3A_170 = tpu.memref_slice %arg3[%dma_wait3A_168, %dma_wait3A_169] : memref<32000x768xf32, #tpu.memory_space<hbm>> -> memref<32000x768xf32, #tpu.memory_space<hbm>>
    tpu.wait_indirect_dma semaphore(%arg12 : memref<!tpu.dma_semaphore, #tpu.memory_space<semaphore_mem>>) src(%dma_wait3A_170 : memref<32000x768xf32, #tpu.memory_space<hbm>>) dst(%dma_wait3A_165 : memref<8x768xf32, #tpu.memory_space<vmem>>)
    %add3A_171 = arith.constant 8 : i32
    %add3A_172 = arith.addi %mul3A_2, %add3A_171 : i32
    %dma_start3A_173 = arith.constant 3 : i32
    %dma_start3A_174 = arith.constant 0 : i32
    %dma_start3A_175 = arith.constant 0 : i32
    %dma_start3A_176 = tpu.memref_slice %arg8[%dma_start3A_173, %dma_start3A_174, %dma_start3A_175] : memref<6x8x768xf32, #tpu.memory_space<vmem>> -> memref<1x8x768xf32, #tpu.memory_space<vmem>>
    %dma_start3A_177 = tpu.memref_squeeze %dma_start3A_176 : memref<1x8x768xf32, #tpu.memory_space<vmem>> -> memref<8x768xf32, #tpu.memory_space<vmem>>
    %dma_start3A_178 = arith.constant 0 : i32
    %dma_start3A_179 = tpu.memref_slice %arg6[%add3A_172, %dma_start3A_178] : memref<1280x768xf32, #tpu.memory_space<hbm>> -> memref<8x768xf32, #tpu.memory_space<hbm>>
    %dma_start3A_180 = arith.constant 0 : i32
    %dma_start3A_181 = tpu.memref_slice %arg6[%add3A_172, %dma_start3A_180] : memref<1280x768xf32, #tpu.memory_space<hbm>> -> memref<8x768xf32, #tpu.memory_space<hbm>>
    %dma_start3A_182 = arith.constant 0 : i32
    %dma_start3A_183 = arith.constant 0 : i32
    %dma_start3A_184 = tpu.memref_slice %arg8[%dma_start3A_173, %dma_start3A_182, %dma_start3A_183] : memref<6x8x768xf32, #tpu.memory_space<vmem>> -> memref<1x8x768xf32, #tpu.memory_space<vmem>>
    %dma_start3A_185 = tpu.memref_squeeze %dma_start3A_184 : memref<1x8x768xf32, #tpu.memory_space<vmem>> -> memref<8x768xf32, #tpu.memory_space<vmem>>
    tpu.enqueue_dma source(%dma_start3A_185 : memref<8x768xf32, #tpu.memory_space<vmem>>) target(%dma_start3A_181 : memref<8x768xf32, #tpu.memory_space<hbm>>) target_semaphore(%arg18 : memref<!tpu.dma_semaphore, #tpu.memory_space<semaphore_mem>>)
    %dma_wait3A_186 = arith.constant 1 : i32
    %dma_wait3A_187 = arith.constant 0 : i32
    %dma_wait3A_188 = arith.constant 0 : i32
    %dma_wait3A_189 = tpu.memref_slice %arg8[%dma_wait3A_186, %dma_wait3A_187, %dma_wait3A_188] : memref<6x8x768xf32, #tpu.memory_space<vmem>> -> memref<1x8x768xf32, #tpu.memory_space<vmem>>
    %dma_wait3A_190 = tpu.memref_squeeze %dma_wait3A_189 : memref<1x8x768xf32, #tpu.memory_space<vmem>> -> memref<8x768xf32, #tpu.memory_space<vmem>>
    %dma_wait3A_191 = arith.constant 0 : i32
    %dma_wait3A_192 = tpu.memref_slice %arg6[%add3A_89, %dma_wait3A_191] : memref<1280x768xf32, #tpu.memory_space<hbm>> -> memref<8x768xf32, #tpu.memory_space<hbm>>
    %dma_wait3A_193 = arith.constant 0 : i32
    %dma_wait3A_194 = tpu.memref_slice %arg6[%add3A_89, %dma_wait3A_193] : memref<1280x768xf32, #tpu.memory_space<hbm>> -> memref<8x768xf32, #tpu.memory_space<hbm>>
    %dma_wait3A_195 = arith.constant 0 : i32
    %dma_wait3A_196 = arith.constant 0 : i32
    %dma_wait3A_197 = tpu.memref_slice %arg8[%dma_wait3A_186, %dma_wait3A_195, %dma_wait3A_196] : memref<6x8x768xf32, #tpu.memory_space<vmem>> -> memref<1x8x768xf32, #tpu.memory_space<vmem>>
    %dma_wait3A_198 = tpu.memref_squeeze %dma_wait3A_197 : memref<1x8x768xf32, #tpu.memory_space<vmem>> -> memref<8x768xf32, #tpu.memory_space<vmem>>
    tpu.wait_dma2 semaphore(%arg16 : memref<!tpu.dma_semaphore, #tpu.memory_space<semaphore_mem>>) src(%dma_wait3A_198 : memref<8x768xf32, #tpu.memory_space<vmem>>) dst(%dma_wait3A_194 : memref<8x768xf32, #tpu.memory_space<hbm>>)
    %dma_start3A_199 = arith.constant 1 : i32
    %dma_start3A_200 = arith.constant 0 : i32
    %dma_start3A_201 = arith.constant 0 : i32
    %dma_start3A_202 = tpu.memref_slice %arg8[%dma_start3A_199, %dma_start3A_200, %dma_start3A_201] : memref<6x8x768xf32, #tpu.memory_space<vmem>> -> memref<1x8x768xf32, #tpu.memory_space<vmem>>
    %dma_start3A_203 = tpu.memref_squeeze %dma_start3A_202 : memref<1x8x768xf32, #tpu.memory_space<vmem>> -> memref<8x768xf32, #tpu.memory_space<vmem>>
    %dma_start3A_204 = arith.constant 24 : i32
    %dma_start3A_205 = tpu.memref_slice %arg7[%dma_start3A_204] : memref<40xi32, #tpu.memory_space<vmem>> -> memref<8xi32, #tpu.memory_space<vmem>>
    %dma_start3A_206 = arith.constant 0 : i32
    %dma_start3A_207 = arith.constant 0 : i32
    %dma_start3A_208 = tpu.memref_slice %arg3[%dma_start3A_206, %dma_start3A_207] : memref<32000x768xf32, #tpu.memory_space<hbm>> -> memref<32000x768xf32, #tpu.memory_space<hbm>>
    tpu.enqueue_indirect_dma source(%dma_start3A_208 : memref<32000x768xf32, #tpu.memory_space<hbm>>) target(%dma_start3A_203 : memref<8x768xf32, #tpu.memory_space<vmem>>) offsets(%dma_start3A_205 : memref<8xi32, #tpu.memory_space<vmem>>) semaphore(%arg10 : memref<!tpu.dma_semaphore, #tpu.memory_space<semaphore_mem>>)
    %dma_wait3A_209 = arith.constant 4 : i32
    %dma_wait3A_210 = arith.constant 0 : i32
    %dma_wait3A_211 = arith.constant 0 : i32
    %dma_wait3A_212 = tpu.memref_slice %arg8[%dma_wait3A_209, %dma_wait3A_210, %dma_wait3A_211] : memref<6x8x768xf32, #tpu.memory_space<vmem>> -> memref<1x8x768xf32, #tpu.memory_space<vmem>>
    %dma_wait3A_213 = tpu.memref_squeeze %dma_wait3A_212 : memref<1x8x768xf32, #tpu.memory_space<vmem>> -> memref<8x768xf32, #tpu.memory_space<vmem>>
    %dma_wait3A_214 = arith.constant 16 : i32
    %dma_wait3A_215 = tpu.memref_slice %arg7[%dma_wait3A_214] : memref<40xi32, #tpu.memory_space<vmem>> -> memref<8xi32, #tpu.memory_space<vmem>>
    %dma_wait3A_216 = arith.constant 0 : i32
    %dma_wait3A_217 = arith.constant 0 : i32
    %dma_wait3A_218 = tpu.memref_slice %arg2[%dma_wait3A_216, %dma_wait3A_217] : memref<32000x768xf32, #tpu.memory_space<hbm>> -> memref<32000x768xf32, #tpu.memory_space<hbm>>
    tpu.wait_indirect_dma semaphore(%arg13 : memref<!tpu.dma_semaphore, #tpu.memory_space<semaphore_mem>>) src(%dma_wait3A_218 : memref<32000x768xf32, #tpu.memory_space<hbm>>) dst(%dma_wait3A_213 : memref<8x768xf32, #tpu.memory_space<vmem>>)
    %add3A_219 = arith.constant 16 : i32
    %add3A_220 = arith.addi %mul3A_2, %add3A_219 : i32
    %dma_start3A_221 = arith.constant 4 : i32
    %dma_start3A_222 = arith.constant 0 : i32
    %dma_start3A_223 = arith.constant 0 : i32
    %dma_start3A_224 = tpu.memref_slice %arg8[%dma_start3A_221, %dma_start3A_222, %dma_start3A_223] : memref<6x8x768xf32, #tpu.memory_space<vmem>> -> memref<1x8x768xf32, #tpu.memory_space<vmem>>
    %dma_start3A_225 = tpu.memref_squeeze %dma_start3A_224 : memref<1x8x768xf32, #tpu.memory_space<vmem>> -> memref<8x768xf32, #tpu.memory_space<vmem>>
    %dma_start3A_226 = arith.constant 0 : i32
    %dma_start3A_227 = tpu.memref_slice %arg5[%add3A_220, %dma_start3A_226] : memref<1280x768xf32, #tpu.memory_space<hbm>> -> memref<8x768xf32, #tpu.memory_space<hbm>>
    %dma_start3A_228 = arith.constant 0 : i32
    %dma_start3A_229 = tpu.memref_slice %arg5[%add3A_220, %dma_start3A_228] : memref<1280x768xf32, #tpu.memory_space<hbm>> -> memref<8x768xf32, #tpu.memory_space<hbm>>
    %dma_start3A_230 = arith.constant 0 : i32
    %dma_start3A_231 = arith.constant 0 : i32
    %dma_start3A_232 = tpu.memref_slice %arg8[%dma_start3A_221, %dma_start3A_230, %dma_start3A_231] : memref<6x8x768xf32, #tpu.memory_space<vmem>> -> memref<1x8x768xf32, #tpu.memory_space<vmem>>
    %dma_start3A_233 = tpu.memref_squeeze %dma_start3A_232 : memref<1x8x768xf32, #tpu.memory_space<vmem>> -> memref<8x768xf32, #tpu.memory_space<vmem>>
    tpu.enqueue_dma source(%dma_start3A_233 : memref<8x768xf32, #tpu.memory_space<vmem>>) target(%dma_start3A_229 : memref<8x768xf32, #tpu.memory_space<hbm>>) target_semaphore(%arg19 : memref<!tpu.dma_semaphore, #tpu.memory_space<semaphore_mem>>)
    %dma_wait3A_234 = arith.constant 2 : i32
    %dma_wait3A_235 = arith.constant 0 : i32
    %dma_wait3A_236 = arith.constant 0 : i32
    %dma_wait3A_237 = tpu.memref_slice %arg8[%dma_wait3A_234, %dma_wait3A_235, %dma_wait3A_236] : memref<6x8x768xf32, #tpu.memory_space<vmem>> -> memref<1x8x768xf32, #tpu.memory_space<vmem>>
    %dma_wait3A_238 = tpu.memref_squeeze %dma_wait3A_237 : memref<1x8x768xf32, #tpu.memory_space<vmem>> -> memref<8x768xf32, #tpu.memory_space<vmem>>
    %dma_wait3A_239 = arith.constant 0 : i32
    %dma_wait3A_240 = tpu.memref_slice %arg5[%add3A_124, %dma_wait3A_239] : memref<1280x768xf32, #tpu.memory_space<hbm>> -> memref<8x768xf32, #tpu.memory_space<hbm>>
    %dma_wait3A_241 = arith.constant 0 : i32
    %dma_wait3A_242 = tpu.memref_slice %arg5[%add3A_124, %dma_wait3A_241] : memref<1280x768xf32, #tpu.memory_space<hbm>> -> memref<8x768xf32, #tpu.memory_space<hbm>>
    %dma_wait3A_243 = arith.constant 0 : i32
    %dma_wait3A_244 = arith.constant 0 : i32
    %dma_wait3A_245 = tpu.memref_slice %arg8[%dma_wait3A_234, %dma_wait3A_243, %dma_wait3A_244] : memref<6x8x768xf32, #tpu.memory_space<vmem>> -> memref<1x8x768xf32, #tpu.memory_space<vmem>>
    %dma_wait3A_246 = tpu.memref_squeeze %dma_wait3A_245 : memref<1x8x768xf32, #tpu.memory_space<vmem>> -> memref<8x768xf32, #tpu.memory_space<vmem>>
    tpu.wait_dma2 semaphore(%arg17 : memref<!tpu.dma_semaphore, #tpu.memory_space<semaphore_mem>>) src(%dma_wait3A_246 : memref<8x768xf32, #tpu.memory_space<vmem>>) dst(%dma_wait3A_242 : memref<8x768xf32, #tpu.memory_space<hbm>>)
    %dma_start3A_247 = arith.constant 2 : i32
    %dma_start3A_248 = arith.constant 0 : i32
    %dma_start3A_249 = arith.constant 0 : i32
    %dma_start3A_250 = tpu.memref_slice %arg8[%dma_start3A_247, %dma_start3A_248, %dma_start3A_249] : memref<6x8x768xf32, #tpu.memory_space<vmem>> -> memref<1x8x768xf32, #tpu.memory_space<vmem>>
    %dma_start3A_251 = tpu.memref_squeeze %dma_start3A_250 : memref<1x8x768xf32, #tpu.memory_space<vmem>> -> memref<8x768xf32, #tpu.memory_space<vmem>>
    %dma_start3A_252 = arith.constant 32 : i32
    %dma_start3A_253 = tpu.memref_slice %arg7[%dma_start3A_252] : memref<40xi32, #tpu.memory_space<vmem>> -> memref<8xi32, #tpu.memory_space<vmem>>
    %dma_start3A_254 = arith.constant 0 : i32
    %dma_start3A_255 = arith.constant 0 : i32
    %dma_start3A_256 = tpu.memref_slice %arg2[%dma_start3A_254, %dma_start3A_255] : memref<32000x768xf32, #tpu.memory_space<hbm>> -> memref<32000x768xf32, #tpu.memory_space<hbm>>
    tpu.enqueue_indirect_dma source(%dma_start3A_256 : memref<32000x768xf32, #tpu.memory_space<hbm>>) target(%dma_start3A_251 : memref<8x768xf32, #tpu.memory_space<vmem>>) offsets(%dma_start3A_253 : memref<8xi32, #tpu.memory_space<vmem>>) semaphore(%arg11 : memref<!tpu.dma_semaphore, #tpu.memory_space<semaphore_mem>>)
    %dma_wait3A_257 = arith.constant 5 : i32
    %dma_wait3A_258 = arith.constant 0 : i32
    %dma_wait3A_259 = arith.constant 0 : i32
    %dma_wait3A_260 = tpu.memref_slice %arg8[%dma_wait3A_257, %dma_wait3A_258, %dma_wait3A_259] : memref<6x8x768xf32, #tpu.memory_space<vmem>> -> memref<1x8x768xf32, #tpu.memory_space<vmem>>
    %dma_wait3A_261 = tpu.memref_squeeze %dma_wait3A_260 : memref<1x8x768xf32, #tpu.memory_space<vmem>> -> memref<8x768xf32, #tpu.memory_space<vmem>>
    %dma_wait3A_262 = arith.constant 16 : i32
    %dma_wait3A_263 = tpu.memref_slice %arg7[%dma_wait3A_262] : memref<40xi32, #tpu.memory_space<vmem>> -> memref<8xi32, #tpu.memory_space<vmem>>
    %dma_wait3A_264 = arith.constant 0 : i32
    %dma_wait3A_265 = arith.constant 0 : i32
    %dma_wait3A_266 = tpu.memref_slice %arg3[%dma_wait3A_264, %dma_wait3A_265] : memref<32000x768xf32, #tpu.memory_space<hbm>> -> memref<32000x768xf32, #tpu.memory_space<hbm>>
    tpu.wait_indirect_dma semaphore(%arg14 : memref<!tpu.dma_semaphore, #tpu.memory_space<semaphore_mem>>) src(%dma_wait3A_266 : memref<32000x768xf32, #tpu.memory_space<hbm>>) dst(%dma_wait3A_261 : memref<8x768xf32, #tpu.memory_space<vmem>>)
    %add3A_267 = arith.constant 16 : i32
    %add3A_268 = arith.addi %mul3A_2, %add3A_267 : i32
    %dma_start3A_269 = arith.constant 5 : i32
    %dma_start3A_270 = arith.constant 0 : i32
    %dma_start3A_271 = arith.constant 0 : i32
    %dma_start3A_272 = tpu.memref_slice %arg8[%dma_start3A_269, %dma_start3A_270, %dma_start3A_271] : memref<6x8x768xf32, #tpu.memory_space<vmem>> -> memref<1x8x768xf32, #tpu.memory_space<vmem>>
    %dma_start3A_273 = tpu.memref_squeeze %dma_start3A_272 : memref<1x8x768xf32, #tpu.memory_space<vmem>> -> memref<8x768xf32, #tpu.memory_space<vmem>>
    %dma_start3A_274 = arith.constant 0 : i32
    %dma_start3A_275 = tpu.memref_slice %arg6[%add3A_268, %dma_start3A_274] : memref<1280x768xf32, #tpu.memory_space<hbm>> -> memref<8x768xf32, #tpu.memory_space<hbm>>
    %dma_start3A_276 = arith.constant 0 : i32
    %dma_start3A_277 = tpu.memref_slice %arg6[%add3A_268, %dma_start3A_276] : memref<1280x768xf32, #tpu.memory_space<hbm>> -> memref<8x768xf32, #tpu.memory_space<hbm>>
    %dma_start3A_278 = arith.constant 0 : i32
    %dma_start3A_279 = arith.constant 0 : i32
    %dma_start3A_280 = tpu.memref_slice %arg8[%dma_start3A_269, %dma_start3A_278, %dma_start3A_279] : memref<6x8x768xf32, #tpu.memory_space<vmem>> -> memref<1x8x768xf32, #tpu.memory_space<vmem>>
    %dma_start3A_281 = tpu.memref_squeeze %dma_start3A_280 : memref<1x8x768xf32, #tpu.memory_space<vmem>> -> memref<8x768xf32, #tpu.memory_space<vmem>>
    tpu.enqueue_dma source(%dma_start3A_281 : memref<8x768xf32, #tpu.memory_space<vmem>>) target(%dma_start3A_277 : memref<8x768xf32, #tpu.memory_space<hbm>>) target_semaphore(%arg20 : memref<!tpu.dma_semaphore, #tpu.memory_space<semaphore_mem>>)
    %dma_wait3A_282 = arith.constant 3 : i32
    %dma_wait3A_283 = arith.constant 0 : i32
    %dma_wait3A_284 = arith.constant 0 : i32
    %dma_wait3A_285 = tpu.memref_slice %arg8[%dma_wait3A_282, %dma_wait3A_283, %dma_wait3A_284] : memref<6x8x768xf32, #tpu.memory_space<vmem>> -> memref<1x8x768xf32, #tpu.memory_space<vmem>>
    %dma_wait3A_286 = tpu.memref_squeeze %dma_wait3A_285 : memref<1x8x768xf32, #tpu.memory_space<vmem>> -> memref<8x768xf32, #tpu.memory_space<vmem>>
    %dma_wait3A_287 = arith.constant 0 : i32
    %dma_wait3A_288 = tpu.memref_slice %arg6[%add3A_172, %dma_wait3A_287] : memref<1280x768xf32, #tpu.memory_space<hbm>> -> memref<8x768xf32, #tpu.memory_space<hbm>>
    %dma_wait3A_289 = arith.constant 0 : i32
    %dma_wait3A_290 = tpu.memref_slice %arg6[%add3A_172, %dma_wait3A_289] : memref<1280x768xf32, #tpu.memory_space<hbm>> -> memref<8x768xf32, #tpu.memory_space<hbm>>
    %dma_wait3A_291 = arith.constant 0 : i32
    %dma_wait3A_292 = arith.constant 0 : i32
    %dma_wait3A_293 = tpu.memref_slice %arg8[%dma_wait3A_282, %dma_wait3A_291, %dma_wait3A_292] : memref<6x8x768xf32, #tpu.memory_space<vmem>> -> memref<1x8x768xf32, #tpu.memory_space<vmem>>
    %dma_wait3A_294 = tpu.memref_squeeze %dma_wait3A_293 : memref<1x8x768xf32, #tpu.memory_space<vmem>> -> memref<8x768xf32, #tpu.memory_space<vmem>>
    tpu.wait_dma2 semaphore(%arg18 : memref<!tpu.dma_semaphore, #tpu.memory_space<semaphore_mem>>) src(%dma_wait3A_294 : memref<8x768xf32, #tpu.memory_space<vmem>>) dst(%dma_wait3A_290 : memref<8x768xf32, #tpu.memory_space<hbm>>)
    %dma_start3A_295 = arith.constant 3 : i32
    %dma_start3A_296 = arith.constant 0 : i32
    %dma_start3A_297 = arith.constant 0 : i32
    %dma_start3A_298 = tpu.memref_slice %arg8[%dma_start3A_295, %dma_start3A_296, %dma_start3A_297] : memref<6x8x768xf32, #tpu.memory_space<vmem>> -> memref<1x8x768xf32, #tpu.memory_space<vmem>>
    %dma_start3A_299 = tpu.memref_squeeze %dma_start3A_298 : memref<1x8x768xf32, #tpu.memory_space<vmem>> -> memref<8x768xf32, #tpu.memory_space<vmem>>
    %dma_start3A_300 = arith.constant 32 : i32
    %dma_start3A_301 = tpu.memref_slice %arg7[%dma_start3A_300] : memref<40xi32, #tpu.memory_space<vmem>> -> memref<8xi32, #tpu.memory_space<vmem>>
    %dma_start3A_302 = arith.constant 0 : i32
    %dma_start3A_303 = arith.constant 0 : i32
    %dma_start3A_304 = tpu.memref_slice %arg3[%dma_start3A_302, %dma_start3A_303] : memref<32000x768xf32, #tpu.memory_space<hbm>> -> memref<32000x768xf32, #tpu.memory_space<hbm>>
    tpu.enqueue_indirect_dma source(%dma_start3A_304 : memref<32000x768xf32, #tpu.memory_space<hbm>>) target(%dma_start3A_299 : memref<8x768xf32, #tpu.memory_space<vmem>>) offsets(%dma_start3A_301 : memref<8xi32, #tpu.memory_space<vmem>>) semaphore(%arg12 : memref<!tpu.dma_semaphore, #tpu.memory_space<semaphore_mem>>)
    %dma_wait3A_305 = arith.constant 0 : i32
    %dma_wait3A_306 = arith.constant 0 : i32
    %dma_wait3A_307 = arith.constant 0 : i32
    %dma_wait3A_308 = tpu.memref_slice %arg8[%dma_wait3A_305, %dma_wait3A_306, %dma_wait3A_307] : memref<6x8x768xf32, #tpu.memory_space<vmem>> -> memref<1x8x768xf32, #tpu.memory_space<vmem>>
    %dma_wait3A_309 = tpu.memref_squeeze %dma_wait3A_308 : memref<1x8x768xf32, #tpu.memory_space<vmem>> -> memref<8x768xf32, #tpu.memory_space<vmem>>
    %dma_wait3A_310 = arith.constant 24 : i32
    %dma_wait3A_311 = tpu.memref_slice %arg7[%dma_wait3A_310] : memref<40xi32, #tpu.memory_space<vmem>> -> memref<8xi32, #tpu.memory_space<vmem>>
    %dma_wait3A_312 = arith.constant 0 : i32
    %dma_wait3A_313 = arith.constant 0 : i32
    %dma_wait3A_314 = tpu.memref_slice %arg2[%dma_wait3A_312, %dma_wait3A_313] : memref<32000x768xf32, #tpu.memory_space<hbm>> -> memref<32000x768xf32, #tpu.memory_space<hbm>>
    tpu.wait_indirect_dma semaphore(%arg9 : memref<!tpu.dma_semaphore, #tpu.memory_space<semaphore_mem>>) src(%dma_wait3A_314 : memref<32000x768xf32, #tpu.memory_space<hbm>>) dst(%dma_wait3A_309 : memref<8x768xf32, #tpu.memory_space<vmem>>)
    %add3A_315 = arith.constant 24 : i32
    %add3A_316 = arith.addi %mul3A_2, %add3A_315 : i32
    %dma_start3A_317 = arith.constant 0 : i32
    %dma_start3A_318 = arith.constant 0 : i32
    %dma_start3A_319 = arith.constant 0 : i32
    %dma_start3A_320 = tpu.memref_slice %arg8[%dma_start3A_317, %dma_start3A_318, %dma_start3A_319] : memref<6x8x768xf32, #tpu.memory_space<vmem>> -> memref<1x8x768xf32, #tpu.memory_space<vmem>>
    %dma_start3A_321 = tpu.memref_squeeze %dma_start3A_320 : memref<1x8x768xf32, #tpu.memory_space<vmem>> -> memref<8x768xf32, #tpu.memory_space<vmem>>
    %dma_start3A_322 = arith.constant 0 : i32
    %dma_start3A_323 = tpu.memref_slice %arg5[%add3A_316, %dma_start3A_322] : memref<1280x768xf32, #tpu.memory_space<hbm>> -> memref<8x768xf32, #tpu.memory_space<hbm>>
    %dma_start3A_324 = arith.constant 0 : i32
    %dma_start3A_325 = tpu.memref_slice %arg5[%add3A_316, %dma_start3A_324] : memref<1280x768xf32, #tpu.memory_space<hbm>> -> memref<8x768xf32, #tpu.memory_space<hbm>>
    %dma_start3A_326 = arith.constant 0 : i32
    %dma_start3A_327 = arith.constant 0 : i32
    %dma_start3A_328 = tpu.memref_slice %arg8[%dma_start3A_317, %dma_start3A_326, %dma_start3A_327] : memref<6x8x768xf32, #tpu.memory_space<vmem>> -> memref<1x8x768xf32, #tpu.memory_space<vmem>>
    %dma_start3A_329 = tpu.memref_squeeze %dma_start3A_328 : memref<1x8x768xf32, #tpu.memory_space<vmem>> -> memref<8x768xf32, #tpu.memory_space<vmem>>
    tpu.enqueue_dma source(%dma_start3A_329 : memref<8x768xf32, #tpu.memory_space<vmem>>) target(%dma_start3A_325 : memref<8x768xf32, #tpu.memory_space<hbm>>) target_semaphore(%arg15 : memref<!tpu.dma_semaphore, #tpu.memory_space<semaphore_mem>>)
    %dma_wait3A_330 = arith.constant 1 : i32
    %dma_wait3A_331 = arith.constant 0 : i32
    %dma_wait3A_332 = arith.constant 0 : i32
    %dma_wait3A_333 = tpu.memref_slice %arg8[%dma_wait3A_330, %dma_wait3A_331, %dma_wait3A_332] : memref<6x8x768xf32, #tpu.memory_space<vmem>> -> memref<1x8x768xf32, #tpu.memory_space<vmem>>
    %dma_wait3A_334 = tpu.memref_squeeze %dma_wait3A_333 : memref<1x8x768xf32, #tpu.memory_space<vmem>> -> memref<8x768xf32, #tpu.memory_space<vmem>>
    %dma_wait3A_335 = arith.constant 24 : i32
    %dma_wait3A_336 = tpu.memref_slice %arg7[%dma_wait3A_335] : memref<40xi32, #tpu.memory_space<vmem>> -> memref<8xi32, #tpu.memory_space<vmem>>
    %dma_wait3A_337 = arith.constant 0 : i32
    %dma_wait3A_338 = arith.constant 0 : i32
    %dma_wait3A_339 = tpu.memref_slice %arg3[%dma_wait3A_337, %dma_wait3A_338] : memref<32000x768xf32, #tpu.memory_space<hbm>> -> memref<32000x768xf32, #tpu.memory_space<hbm>>
    tpu.wait_indirect_dma semaphore(%arg10 : memref<!tpu.dma_semaphore, #tpu.memory_space<semaphore_mem>>) src(%dma_wait3A_339 : memref<32000x768xf32, #tpu.memory_space<hbm>>) dst(%dma_wait3A_334 : memref<8x768xf32, #tpu.memory_space<vmem>>)
    %add3A_340 = arith.constant 24 : i32
    %add3A_341 = arith.addi %mul3A_2, %add3A_340 : i32
    %dma_start3A_342 = arith.constant 1 : i32
    %dma_start3A_343 = arith.constant 0 : i32
    %dma_start3A_344 = arith.constant 0 : i32
    %dma_start3A_345 = tpu.memref_slice %arg8[%dma_start3A_342, %dma_start3A_343, %dma_start3A_344] : memref<6x8x768xf32, #tpu.memory_space<vmem>> -> memref<1x8x768xf32, #tpu.memory_space<vmem>>
    %dma_start3A_346 = tpu.memref_squeeze %dma_start3A_345 : memref<1x8x768xf32, #tpu.memory_space<vmem>> -> memref<8x768xf32, #tpu.memory_space<vmem>>
    %dma_start3A_347 = arith.constant 0 : i32
    %dma_start3A_348 = tpu.memref_slice %arg6[%add3A_341, %dma_start3A_347] : memref<1280x768xf32, #tpu.memory_space<hbm>> -> memref<8x768xf32, #tpu.memory_space<hbm>>
    %dma_start3A_349 = arith.constant 0 : i32
    %dma_start3A_350 = tpu.memref_slice %arg6[%add3A_341, %dma_start3A_349] : memref<1280x768xf32, #tpu.memory_space<hbm>> -> memref<8x768xf32, #tpu.memory_space<hbm>>
    %dma_start3A_351 = arith.constant 0 : i32
    %dma_start3A_352 = arith.constant 0 : i32
    %dma_start3A_353 = tpu.memref_slice %arg8[%dma_start3A_342, %dma_start3A_351, %dma_start3A_352] : memref<6x8x768xf32, #tpu.memory_space<vmem>> -> memref<1x8x768xf32, #tpu.memory_space<vmem>>
    %dma_start3A_354 = tpu.memref_squeeze %dma_start3A_353 : memref<1x8x768xf32, #tpu.memory_space<vmem>> -> memref<8x768xf32, #tpu.memory_space<vmem>>
    tpu.enqueue_dma source(%dma_start3A_354 : memref<8x768xf32, #tpu.memory_space<vmem>>) target(%dma_start3A_350 : memref<8x768xf32, #tpu.memory_space<hbm>>) target_semaphore(%arg16 : memref<!tpu.dma_semaphore, #tpu.memory_space<semaphore_mem>>)
    %dma_wait3A_355 = arith.constant 2 : i32
    %dma_wait3A_356 = arith.constant 0 : i32
    %dma_wait3A_357 = arith.constant 0 : i32
    %dma_wait3A_358 = tpu.memref_slice %arg8[%dma_wait3A_355, %dma_wait3A_356, %dma_wait3A_357] : memref<6x8x768xf32, #tpu.memory_space<vmem>> -> memref<1x8x768xf32, #tpu.memory_space<vmem>>
    %dma_wait3A_359 = tpu.memref_squeeze %dma_wait3A_358 : memref<1x8x768xf32, #tpu.memory_space<vmem>> -> memref<8x768xf32, #tpu.memory_space<vmem>>
    %dma_wait3A_360 = arith.constant 32 : i32
    %dma_wait3A_361 = tpu.memref_slice %arg7[%dma_wait3A_360] : memref<40xi32, #tpu.memory_space<vmem>> -> memref<8xi32, #tpu.memory_space<vmem>>
    %dma_wait3A_362 = arith.constant 0 : i32
    %dma_wait3A_363 = arith.constant 0 : i32
    %dma_wait3A_364 = tpu.memref_slice %arg2[%dma_wait3A_362, %dma_wait3A_363] : memref<32000x768xf32, #tpu.memory_space<hbm>> -> memref<32000x768xf32, #tpu.memory_space<hbm>>
    tpu.wait_indirect_dma semaphore(%arg11 : memref<!tpu.dma_semaphore, #tpu.memory_space<semaphore_mem>>) src(%dma_wait3A_364 : memref<32000x768xf32, #tpu.memory_space<hbm>>) dst(%dma_wait3A_359 : memref<8x768xf32, #tpu.memory_space<vmem>>)
    %add3A_365 = arith.constant 32 : i32
    %add3A_366 = arith.addi %mul3A_2, %add3A_365 : i32
    %dma_start3A_367 = arith.constant 2 : i32
    %dma_start3A_368 = arith.constant 0 : i32
    %dma_start3A_369 = arith.constant 0 : i32
    %dma_start3A_370 = tpu.memref_slice %arg8[%dma_start3A_367, %dma_start3A_368, %dma_start3A_369] : memref<6x8x768xf32, #tpu.memory_space<vmem>> -> memref<1x8x768xf32, #tpu.memory_space<vmem>>
    %dma_start3A_371 = tpu.memref_squeeze %dma_start3A_370 : memref<1x8x768xf32, #tpu.memory_space<vmem>> -> memref<8x768xf32, #tpu.memory_space<vmem>>
    %dma_start3A_372 = arith.constant 0 : i32
    %dma_start3A_373 = tpu.memref_slice %arg5[%add3A_366, %dma_start3A_372] : memref<1280x768xf32, #tpu.memory_space<hbm>> -> memref<8x768xf32, #tpu.memory_space<hbm>>
    %dma_start3A_374 = arith.constant 0 : i32
    %dma_start3A_375 = tpu.memref_slice %arg5[%add3A_366, %dma_start3A_374] : memref<1280x768xf32, #tpu.memory_space<hbm>> -> memref<8x768xf32, #tpu.memory_space<hbm>>
    %dma_start3A_376 = arith.constant 0 : i32
    %dma_start3A_377 = arith.constant 0 : i32
    %dma_start3A_378 = tpu.memref_slice %arg8[%dma_start3A_367, %dma_start3A_376, %dma_start3A_377] : memref<6x8x768xf32, #tpu.memory_space<vmem>> -> memref<1x8x768xf32, #tpu.memory_space<vmem>>
    %dma_start3A_379 = tpu.memref_squeeze %dma_start3A_378 : memref<1x8x768xf32, #tpu.memory_space<vmem>> -> memref<8x768xf32, #tpu.memory_space<vmem>>
    tpu.enqueue_dma source(%dma_start3A_379 : memref<8x768xf32, #tpu.memory_space<vmem>>) target(%dma_start3A_375 : memref<8x768xf32, #tpu.memory_space<hbm>>) target_semaphore(%arg17 : memref<!tpu.dma_semaphore, #tpu.memory_space<semaphore_mem>>)
    %dma_wait3A_380 = arith.constant 3 : i32
    %dma_wait3A_381 = arith.constant 0 : i32
    %dma_wait3A_382 = arith.constant 0 : i32
    %dma_wait3A_383 = tpu.memref_slice %arg8[%dma_wait3A_380, %dma_wait3A_381, %dma_wait3A_382] : memref<6x8x768xf32, #tpu.memory_space<vmem>> -> memref<1x8x768xf32, #tpu.memory_space<vmem>>
    %dma_wait3A_384 = tpu.memref_squeeze %dma_wait3A_383 : memref<1x8x768xf32, #tpu.memory_space<vmem>> -> memref<8x768xf32, #tpu.memory_space<vmem>>
    %dma_wait3A_385 = arith.constant 32 : i32
    %dma_wait3A_386 = tpu.memref_slice %arg7[%dma_wait3A_385] : memref<40xi32, #tpu.memory_space<vmem>> -> memref<8xi32, #tpu.memory_space<vmem>>
    %dma_wait3A_387 = arith.constant 0 : i32
    %dma_wait3A_388 = arith.constant 0 : i32
    %dma_wait3A_389 = tpu.memref_slice %arg3[%dma_wait3A_387, %dma_wait3A_388] : memref<32000x768xf32, #tpu.memory_space<hbm>> -> memref<32000x768xf32, #tpu.memory_space<hbm>>
    tpu.wait_indirect_dma semaphore(%arg12 : memref<!tpu.dma_semaphore, #tpu.memory_space<semaphore_mem>>) src(%dma_wait3A_389 : memref<32000x768xf32, #tpu.memory_space<hbm>>) dst(%dma_wait3A_384 : memref<8x768xf32, #tpu.memory_space<vmem>>)
    %add3A_390 = arith.constant 32 : i32
    %add3A_391 = arith.addi %mul3A_2, %add3A_390 : i32
    %dma_start3A_392 = arith.constant 3 : i32
    %dma_start3A_393 = arith.constant 0 : i32
    %dma_start3A_394 = arith.constant 0 : i32
    %dma_start3A_395 = tpu.memref_slice %arg8[%dma_start3A_392, %dma_start3A_393, %dma_start3A_394] : memref<6x8x768xf32, #tpu.memory_space<vmem>> -> memref<1x8x768xf32, #tpu.memory_space<vmem>>
    %dma_start3A_396 = tpu.memref_squeeze %dma_start3A_395 : memref<1x8x768xf32, #tpu.memory_space<vmem>> -> memref<8x768xf32, #tpu.memory_space<vmem>>
    %dma_start3A_397 = arith.constant 0 : i32
    %dma_start3A_398 = tpu.memref_slice %arg6[%add3A_391, %dma_start3A_397] : memref<1280x768xf32, #tpu.memory_space<hbm>> -> memref<8x768xf32, #tpu.memory_space<hbm>>
    %dma_start3A_399 = arith.constant 0 : i32
    %dma_start3A_400 = tpu.memref_slice %arg6[%add3A_391, %dma_start3A_399] : memref<1280x768xf32, #tpu.memory_space<hbm>> -> memref<8x768xf32, #tpu.memory_space<hbm>>
    %dma_start3A_401 = arith.constant 0 : i32
    %dma_start3A_402 = arith.constant 0 : i32
    %dma_start3A_403 = tpu.memref_slice %arg8[%dma_start3A_392, %dma_start3A_401, %dma_start3A_402] : memref<6x8x768xf32, #tpu.memory_space<vmem>> -> memref<1x8x768xf32, #tpu.memory_space<vmem>>
    %dma_start3A_404 = tpu.memref_squeeze %dma_start3A_403 : memref<1x8x768xf32, #tpu.memory_space<vmem>> -> memref<8x768xf32, #tpu.memory_space<vmem>>
    tpu.enqueue_dma source(%dma_start3A_404 : memref<8x768xf32, #tpu.memory_space<vmem>>) target(%dma_start3A_400 : memref<8x768xf32, #tpu.memory_space<hbm>>) target_semaphore(%arg18 : memref<!tpu.dma_semaphore, #tpu.memory_space<semaphore_mem>>)
    %dma_wait3A_405 = arith.constant 4 : i32
    %dma_wait3A_406 = arith.constant 0 : i32
    %dma_wait3A_407 = arith.constant 0 : i32
    %dma_wait3A_408 = tpu.memref_slice %arg8[%dma_wait3A_405, %dma_wait3A_406, %dma_wait3A_407] : memref<6x8x768xf32, #tpu.memory_space<vmem>> -> memref<1x8x768xf32, #tpu.memory_space<vmem>>
    %dma_wait3A_409 = tpu.memref_squeeze %dma_wait3A_408 : memref<1x8x768xf32, #tpu.memory_space<vmem>> -> memref<8x768xf32, #tpu.memory_space<vmem>>
    %dma_wait3A_410 = arith.constant 0 : i32
    %dma_wait3A_411 = tpu.memref_slice %arg5[%add3A_220, %dma_wait3A_410] : memref<1280x768xf32, #tpu.memory_space<hbm>> -> memref<8x768xf32, #tpu.memory_space<hbm>>
    %dma_wait3A_412 = arith.constant 0 : i32
    %dma_wait3A_413 = tpu.memref_slice %arg5[%add3A_220, %dma_wait3A_412] : memref<1280x768xf32, #tpu.memory_space<hbm>> -> memref<8x768xf32, #tpu.memory_space<hbm>>
    %dma_wait3A_414 = arith.constant 0 : i32
    %dma_wait3A_415 = arith.constant 0 : i32
    %dma_wait3A_416 = tpu.memref_slice %arg8[%dma_wait3A_405, %dma_wait3A_414, %dma_wait3A_415] : memref<6x8x768xf32, #tpu.memory_space<vmem>> -> memref<1x8x768xf32, #tpu.memory_space<vmem>>
    %dma_wait3A_417 = tpu.memref_squeeze %dma_wait3A_416 : memref<1x8x768xf32, #tpu.memory_space<vmem>> -> memref<8x768xf32, #tpu.memory_space<vmem>>
    tpu.wait_dma2 semaphore(%arg19 : memref<!tpu.dma_semaphore, #tpu.memory_space<semaphore_mem>>) src(%dma_wait3A_417 : memref<8x768xf32, #tpu.memory_space<vmem>>) dst(%dma_wait3A_413 : memref<8x768xf32, #tpu.memory_space<hbm>>)
    %dma_wait3A_418 = arith.constant 5 : i32
    %dma_wait3A_419 = arith.constant 0 : i32
    %dma_wait3A_420 = arith.constant 0 : i32
    %dma_wait3A_421 = tpu.memref_slice %arg8[%dma_wait3A_418, %dma_wait3A_419, %dma_wait3A_420] : memref<6x8x768xf32, #tpu.memory_space<vmem>> -> memref<1x8x768xf32, #tpu.memory_space<vmem>>
    %dma_wait3A_422 = tpu.memref_squeeze %dma_wait3A_421 : memref<1x8x768xf32, #tpu.memory_space<vmem>> -> memref<8x768xf32, #tpu.memory_space<vmem>>
    %dma_wait3A_423 = arith.constant 0 : i32
    %dma_wait3A_424 = tpu.memref_slice %arg6[%add3A_268, %dma_wait3A_423] : memref<1280x768xf32, #tpu.memory_space<hbm>> -> memref<8x768xf32, #tpu.memory_space<hbm>>
    %dma_wait3A_425 = arith.constant 0 : i32
    %dma_wait3A_426 = tpu.memref_slice %arg6[%add3A_268, %dma_wait3A_425] : memref<1280x768xf32, #tpu.memory_space<hbm>> -> memref<8x768xf32, #tpu.memory_space<hbm>>
    %dma_wait3A_427 = arith.constant 0 : i32
    %dma_wait3A_428 = arith.constant 0 : i32
    %dma_wait3A_429 = tpu.memref_slice %arg8[%dma_wait3A_418, %dma_wait3A_427, %dma_wait3A_428] : memref<6x8x768xf32, #tpu.memory_space<vmem>> -> memref<1x8x768xf32, #tpu.memory_space<vmem>>
    %dma_wait3A_430 = tpu.memref_squeeze %dma_wait3A_429 : memref<1x8x768xf32, #tpu.memory_space<vmem>> -> memref<8x768xf32, #tpu.memory_space<vmem>>
    tpu.wait_dma2 semaphore(%arg20 : memref<!tpu.dma_semaphore, #tpu.memory_space<semaphore_mem>>) src(%dma_wait3A_430 : memref<8x768xf32, #tpu.memory_space<vmem>>) dst(%dma_wait3A_426 : memref<8x768xf32, #tpu.memory_space<hbm>>)
    %dma_wait3A_431 = arith.constant 0 : i32
    %dma_wait3A_432 = arith.constant 0 : i32
    %dma_wait3A_433 = arith.constant 0 : i32
    %dma_wait3A_434 = tpu.memref_slice %arg8[%dma_wait3A_431, %dma_wait3A_432, %dma_wait3A_433] : memref<6x8x768xf32, #tpu.memory_space<vmem>> -> memref<1x8x768xf32, #tpu.memory_space<vmem>>
    %dma_wait3A_435 = tpu.memref_squeeze %dma_wait3A_434 : memref<1x8x768xf32, #tpu.memory_space<vmem>> -> memref<8x768xf32, #tpu.memory_space<vmem>>
    %dma_wait3A_436 = arith.constant 0 : i32
    %dma_wait3A_437 = tpu.memref_slice %arg5[%add3A_316, %dma_wait3A_436] : memref<1280x768xf32, #tpu.memory_space<hbm>> -> memref<8x768xf32, #tpu.memory_space<hbm>>
    %dma_wait3A_438 = arith.constant 0 : i32
    %dma_wait3A_439 = tpu.memref_slice %arg5[%add3A_316, %dma_wait3A_438] : memref<1280x768xf32, #tpu.memory_space<hbm>> -> memref<8x768xf32, #tpu.memory_space<hbm>>
    %dma_wait3A_440 = arith.constant 0 : i32
    %dma_wait3A_441 = arith.constant 0 : i32
    %dma_wait3A_442 = tpu.memref_slice %arg8[%dma_wait3A_431, %dma_wait3A_440, %dma_wait3A_441] : memref<6x8x768xf32, #tpu.memory_space<vmem>> -> memref<1x8x768xf32, #tpu.memory_space<vmem>>
    %dma_wait3A_443 = tpu.memref_squeeze %dma_wait3A_442 : memref<1x8x768xf32, #tpu.memory_space<vmem>> -> memref<8x768xf32, #tpu.memory_space<vmem>>
    tpu.wait_dma2 semaphore(%arg15 : memref<!tpu.dma_semaphore, #tpu.memory_space<semaphore_mem>>) src(%dma_wait3A_443 : memref<8x768xf32, #tpu.memory_space<vmem>>) dst(%dma_wait3A_439 : memref<8x768xf32, #tpu.memory_space<hbm>>)
    %dma_wait3A_444 = arith.constant 1 : i32
    %dma_wait3A_445 = arith.constant 0 : i32
    %dma_wait3A_446 = arith.constant 0 : i32
    %dma_wait3A_447 = tpu.memref_slice %arg8[%dma_wait3A_444, %dma_wait3A_445, %dma_wait3A_446] : memref<6x8x768xf32, #tpu.memory_space<vmem>> -> memref<1x8x768xf32, #tpu.memory_space<vmem>>
    %dma_wait3A_448 = tpu.memref_squeeze %dma_wait3A_447 : memref<1x8x768xf32, #tpu.memory_space<vmem>> -> memref<8x768xf32, #tpu.memory_space<vmem>>
    %dma_wait3A_449 = arith.constant 0 : i32
    %dma_wait3A_450 = tpu.memref_slice %arg6[%add3A_341, %dma_wait3A_449] : memref<1280x768xf32, #tpu.memory_space<hbm>> -> memref<8x768xf32, #tpu.memory_space<hbm>>
    %dma_wait3A_451 = arith.constant 0 : i32
    %dma_wait3A_452 = tpu.memref_slice %arg6[%add3A_341, %dma_wait3A_451] : memref<1280x768xf32, #tpu.memory_space<hbm>> -> memref<8x768xf32, #tpu.memory_space<hbm>>
    %dma_wait3A_453 = arith.constant 0 : i32
    %dma_wait3A_454 = arith.constant 0 : i32
    %dma_wait3A_455 = tpu.memref_slice %arg8[%dma_wait3A_444, %dma_wait3A_453, %dma_wait3A_454] : memref<6x8x768xf32, #tpu.memory_space<vmem>> -> memref<1x8x768xf32, #tpu.memory_space<vmem>>
    %dma_wait3A_456 = tpu.memref_squeeze %dma_wait3A_455 : memref<1x8x768xf32, #tpu.memory_space<vmem>> -> memref<8x768xf32, #tpu.memory_space<vmem>>
    tpu.wait_dma2 semaphore(%arg16 : memref<!tpu.dma_semaphore, #tpu.memory_space<semaphore_mem>>) src(%dma_wait3A_456 : memref<8x768xf32, #tpu.memory_space<vmem>>) dst(%dma_wait3A_452 : memref<8x768xf32, #tpu.memory_space<hbm>>)
    %dma_wait3A_457 = arith.constant 2 : i32
    %dma_wait3A_458 = arith.constant 0 : i32
    %dma_wait3A_459 = arith.constant 0 : i32
    %dma_wait3A_460 = tpu.memref_slice %arg8[%dma_wait3A_457, %dma_wait3A_458, %dma_wait3A_459] : memref<6x8x768xf32, #tpu.memory_space<vmem>> -> memref<1x8x768xf32, #tpu.memory_space<vmem>>
    %dma_wait3A_461 = tpu.memref_squeeze %dma_wait3A_460 : memref<1x8x768xf32, #tpu.memory_space<vmem>> -> memref<8x768xf32, #tpu.memory_space<vmem>>
    %dma_wait3A_462 = arith.constant 0 : i32
    %dma_wait3A_463 = tpu.memref_slice %arg5[%add3A_366, %dma_wait3A_462] : memref<1280x768xf32, #tpu.memory_space<hbm>> -> memref<8x768xf32, #tpu.memory_space<hbm>>
    %dma_wait3A_464 = arith.constant 0 : i32
    %dma_wait3A_465 = tpu.memref_slice %arg5[%add3A_366, %dma_wait3A_464] : memref<1280x768xf32, #tpu.memory_space<hbm>> -> memref<8x768xf32, #tpu.memory_space<hbm>>
    %dma_wait3A_466 = arith.constant 0 : i32
    %dma_wait3A_467 = arith.constant 0 : i32
    %dma_wait3A_468 = tpu.memref_slice %arg8[%dma_wait3A_457, %dma_wait3A_466, %dma_wait3A_467] : memref<6x8x768xf32, #tpu.memory_space<vmem>> -> memref<1x8x768xf32, #tpu.memory_space<vmem>>
    %dma_wait3A_469 = tpu.memref_squeeze %dma_wait3A_468 : memref<1x8x768xf32, #tpu.memory_space<vmem>> -> memref<8x768xf32, #tpu.memory_space<vmem>>
    tpu.wait_dma2 semaphore(%arg17 : memref<!tpu.dma_semaphore, #tpu.memory_space<semaphore_mem>>) src(%dma_wait3A_469 : memref<8x768xf32, #tpu.memory_space<vmem>>) dst(%dma_wait3A_465 : memref<8x768xf32, #tpu.memory_space<hbm>>)
    %dma_wait3A_470 = arith.constant 3 : i32
    %dma_wait3A_471 = arith.constant 0 : i32
    %dma_wait3A_472 = arith.constant 0 : i32
    %dma_wait3A_473 = tpu.memref_slice %arg8[%dma_wait3A_470, %dma_wait3A_471, %dma_wait3A_472] : memref<6x8x768xf32, #tpu.memory_space<vmem>> -> memref<1x8x768xf32, #tpu.memory_space<vmem>>
    %dma_wait3A_474 = tpu.memref_squeeze %dma_wait3A_473 : memref<1x8x768xf32, #tpu.memory_space<vmem>> -> memref<8x768xf32, #tpu.memory_space<vmem>>
    %dma_wait3A_475 = arith.constant 0 : i32
    %dma_wait3A_476 = tpu.memref_slice %arg6[%add3A_391, %dma_wait3A_475] : memref<1280x768xf32, #tpu.memory_space<hbm>> -> memref<8x768xf32, #tpu.memory_space<hbm>>
    %dma_wait3A_477 = arith.constant 0 : i32
    %dma_wait3A_478 = tpu.memref_slice %arg6[%add3A_391, %dma_wait3A_477] : memref<1280x768xf32, #tpu.memory_space<hbm>> -> memref<8x768xf32, #tpu.memory_space<hbm>>
    %dma_wait3A_479 = arith.constant 0 : i32
    %dma_wait3A_480 = arith.constant 0 : i32
    %dma_wait3A_481 = tpu.memref_slice %arg8[%dma_wait3A_470, %dma_wait3A_479, %dma_wait3A_480] : memref<6x8x768xf32, #tpu.memory_space<vmem>> -> memref<1x8x768xf32, #tpu.memory_space<vmem>>
    %dma_wait3A_482 = tpu.memref_squeeze %dma_wait3A_481 : memref<1x8x768xf32, #tpu.memory_space<vmem>> -> memref<8x768xf32, #tpu.memory_space<vmem>>
    tpu.wait_dma2 semaphore(%arg18 : memref<!tpu.dma_semaphore, #tpu.memory_space<semaphore_mem>>) src(%dma_wait3A_482 : memref<8x768xf32, #tpu.memory_space<vmem>>) dst(%dma_wait3A_478 : memref<8x768xf32, #tpu.memory_space<hbm>>)
    return
  }
}

module attributes {stable_mosaic.version = 14 : i64} {
  func.func @_attn_body(%arg0: i32, %arg1: memref<1x2048x1536xf32, #tpu.memory_space<any>>, %arg2: memref<1x32x2048xf32, #tpu.memory_space<any>>, %arg3: memref<1x256x768xf32, #tpu.memory_space<vmem>>, %arg4: memref<128x768xf32, #tpu.memory_space<vmem>>, %arg5: memref<128x768xf32, #tpu.memory_space<vmem>>, %arg6: memref<128x768xf32, #tpu.memory_space<vmem>>, %arg7: memref<128x768xf32, #tpu.memory_space<vmem>>, %arg8: memref<128x768xf32, #tpu.memory_space<vmem>>, %arg9: memref<128x768xf32, #tpu.memory_space<vmem>>, %arg10: memref<1x256x1536xf32, #tpu.memory_space<vmem>>, %arg11: memref<1x32x256xf32, #tpu.memory_space<vmem>>) attributes {dimension_semantics = [#tpu.dimension_semantics<arbitrary>], iteration_bounds = array<i64: 4>, scalar_prefetch = 0 : i64, scratch_operands = 0 : i64, tpu.core_type = #tpu.core_type<tc>, window_params = [{}, {}, {transform_indices = @transform_2, window_bounds = array<i64: 1, 256, 768>}, {transform_indices = @transform_3, window_bounds = array<i64: 128, 768>}, {transform_indices = @transform_4, window_bounds = array<i64: 128, 768>}, {transform_indices = @transform_5, window_bounds = array<i64: 128, 768>}, {transform_indices = @transform_6, window_bounds = array<i64: 128, 768>}, {transform_indices = @transform_7, window_bounds = array<i64: 128, 768>}, {transform_indices = @transform_8, window_bounds = array<i64: 128, 768>}, {transform_indices = @transform_9, window_bounds = array<i64: 1, 256, 1536>}, {transform_indices = @transform_10, window_bounds = array<i64: 1, 32, 256>}]} {
    %get3A = arith.constant 0 : index
    %get3A_0 = arith.constant 0 : index
    %get3A_1 = arith.constant 0 : index
    %get3A_2 = vector.load %arg3[%get3A, %get3A_0, %get3A_1] : memref<1x256x768xf32, #tpu.memory_space<vmem>>, vector<1x256x768xf32>
    %get3A_3 = vector.shape_cast %get3A_2 : vector<1x256x768xf32> to vector<256x768xf32>
    %get3A_4 = arith.constant 0 : index
    %get3A_5 = arith.constant 0 : index
    %get3A_6 = vector.load %arg4[%get3A_4, %get3A_5] : memref<128x768xf32, #tpu.memory_space<vmem>>, vector<128x768xf32>
    %get3A_7 = arith.constant 0 : index
    %get3A_8 = arith.constant 0 : index
    %get3A_9 = vector.load %arg5[%get3A_7, %get3A_8] : memref<128x768xf32, #tpu.memory_space<vmem>>, vector<128x768xf32>
    %get3A_10 = arith.constant 0 : index
    %get3A_11 = arith.constant 0 : index
    %get3A_12 = vector.load %arg6[%get3A_10, %get3A_11] : memref<128x768xf32, #tpu.memory_space<vmem>>, vector<128x768xf32>
    %concatenate3A = tpu.concatenate %get3A_6, %get3A_9, %get3A_12 in 0 : vector<128x768xf32>, vector<128x768xf32>, vector<128x768xf32> -> vector<384x768xf32>
    %dot_general3A = arith.constant dense<0.000000e+00> : vector<256x384xf32>
    %dot_general3A_13 = tpu.matmul %get3A_3, %concatenate3A, %dot_general3A {dimension_numbers = #tpu.dot_dimension_numbers<[1], [1], [0], [0], [0, 0, 1, 0], [], []>, transpose_lhs_hint = false} : vector<256x768xf32>, vector<384x768xf32>, vector<256x384xf32> -> vector<256x384xf32>
    %iota3A = tpu.iota {dimensions = array<i32: 0>} : vector<256x384xi32>
    %iota3A_14 = tpu.iota {dimensions = array<i32: 1>} : vector<256x384xi32>
    %sub3A = arith.subi %iota3A_14, %iota3A : vector<256x384xi32>
    %ge3A = arith.constant 0 : i32
    %ge3A_15 = vector.broadcast %ge3A : i32 to vector<256x384xi32>
    %ge3A_16 = arith.cmpi sge, %sub3A, %ge3A_15 : vector<256x384xi32>
    %lt3A = arith.constant 32 : i32
    %lt3A_17 = vector.broadcast %lt3A : i32 to vector<256x384xi32>
    %lt3A_18 = arith.cmpi slt, %sub3A, %lt3A_17 : vector<256x384xi32>
    %and3A = arith.andi %ge3A_16, %lt3A_18 : vector<256x384xi1>
    %jit3A = arith.constant -1.000000e+30 : f32
    %broadcast_in_dim3A = vector.broadcast %jit3A : f32 to vector<256x384xf32>
    %select_n3A = arith.select %and3A, %dot_general3A_13, %broadcast_in_dim3A : vector<256x384xi1>, vector<256x384xf32>
    %reduce_max3A = arith.constant dense<0xFF800000> : vector<256xf32>
    %reduce_max3A_19 = vector.multi_reduction <maximumf>, %select_n3A, %reduce_max3A [1] : vector<256x384xf32> to vector<256xf32>
    %broadcast_in_dim3A_20 = vector.shape_cast %reduce_max3A_19 : vector<256xf32> to vector<256x1xf32>
    %sub3A_21 = vector.broadcast %broadcast_in_dim3A_20 : vector<256x1xf32> to vector<256x384xf32>
    %sub3A_22 = arith.subf %select_n3A, %sub3A_21 : vector<256x384xf32>
    %exp3A = math.exp %sub3A_22 : vector<256x384xf32>
    %reduce_sum3A = arith.constant dense<0.000000e+00> : vector<256xf32>
    %reduce_sum3A_23 = vector.multi_reduction <add>, %exp3A, %reduce_sum3A [1] : vector<256x384xf32> to vector<256xf32>
    %broadcast_in_dim3A_24 = vector.shape_cast %reduce_sum3A_23 : vector<256xf32> to vector<256x1xf32>
    %div3A = vector.broadcast %broadcast_in_dim3A_24 : vector<256x1xf32> to vector<256x384xf32>
    %div3A_25 = arith.divf %exp3A, %div3A : vector<256x384xf32>
    %get3A_26 = arith.constant 0 : index
    %get3A_27 = arith.constant 0 : index
    %get3A_28 = vector.load %arg7[%get3A_26, %get3A_27] : memref<128x768xf32, #tpu.memory_space<vmem>>, vector<128x768xf32>
    %get3A_29 = arith.constant 0 : index
    %get3A_30 = arith.constant 0 : index
    %get3A_31 = vector.load %arg8[%get3A_29, %get3A_30] : memref<128x768xf32, #tpu.memory_space<vmem>>, vector<128x768xf32>
    %get3A_32 = arith.constant 0 : index
    %get3A_33 = arith.constant 0 : index
    %get3A_34 = vector.load %arg9[%get3A_32, %get3A_33] : memref<128x768xf32, #tpu.memory_space<vmem>>, vector<128x768xf32>
    %concatenate3A_35 = tpu.concatenate %get3A_28, %get3A_31, %get3A_34 in 0 : vector<128x768xf32>, vector<128x768xf32>, vector<128x768xf32> -> vector<384x768xf32>
    %dot_general3A_36 = arith.constant dense<0.000000e+00> : vector<256x768xf32>
    %dot_general3A_37 = tpu.matmul %div3A_25, %concatenate3A_35, %dot_general3A_36 {dimension_numbers = #tpu.dot_dimension_numbers<[1], [0], [0], [1], [0, 0, 1, 1], [], []>, transpose_lhs_hint = false} : vector<256x384xf32>, vector<384x768xf32>, vector<256x768xf32> -> vector<256x768xf32>
    %swap3A = arith.constant 0 : index
    %swap3A_38 = arith.constant 0 : index
    %swap3A_39 = arith.constant 0 : index
    %swap3A_40 = vector.load %arg10[%swap3A, %swap3A_38, %swap3A_39] : memref<1x256x1536xf32, #tpu.memory_space<vmem>>, vector<1x256x768xf32>
    %swap3A_41 = vector.shape_cast %swap3A_40 : vector<1x256x768xf32> to vector<256x768xf32>
    %swap3A_42 = vector.shape_cast %dot_general3A_37 : vector<256x768xf32> to vector<1x256x768xf32>
    tpu.vector_store %arg10[%swap3A, %swap3A_38, %swap3A_39], %swap3A_42 {strides = array<i32>} : memref<1x256x1536xf32, #tpu.memory_space<vmem>>, vector<1x256x768xf32>,
    %swap3A_43 = arith.constant 0 : index
    %swap3A_44 = arith.constant 0 : index
    %swap3A_45 = arith.constant 768 : index
    %swap3A_46 = vector.load %arg10[%swap3A_43, %swap3A_44, %swap3A_45] : memref<1x256x1536xf32, #tpu.memory_space<vmem>>, vector<1x256x768xf32>
    %swap3A_47 = vector.shape_cast %swap3A_46 : vector<1x256x768xf32> to vector<256x768xf32>
    %swap3A_48 = vector.shape_cast %get3A_3 : vector<256x768xf32> to vector<1x256x768xf32>
    tpu.vector_store %arg10[%swap3A_43, %swap3A_44, %swap3A_45], %swap3A_48 {strides = array<i32>} : memref<1x256x1536xf32, #tpu.memory_space<vmem>>, vector<1x256x768xf32>,
    %slice3A = vector.extract_strided_slice %div3A_25 {offsets = [0, 1], sizes = [256, 383], strides = [1, 1]} : vector<256x384xf32> to vector<256x383xf32>
    %slice3A_49 = vector.extract_strided_slice %div3A_25 {offsets = [0, 0], sizes = [256, 1], strides = [1, 1]} : vector<256x384xf32> to vector<256x1xf32>
    %concatenate3A_50 = tpu.concatenate %slice3A, %slice3A_49 in 1 : vector<256x383xf32>, vector<256x1xf32> -> vector<256x384xf32>
    %iota3A_51 = tpu.iota {dimensions = array<i32: 0>} : vector<256x384xi32>
    %shift_right_arithmetic3A = arith.constant 0 : i32
    %shift_right_arithmetic3A_52 = vector.broadcast %shift_right_arithmetic3A : i32 to vector<256x384xi32>
    %shift_right_arithmetic3A_53 = arith.shrsi %iota3A_51, %shift_right_arithmetic3A_52 : vector<256x384xi32>
    %and3A_54 = arith.constant 1 : i32
    %and3A_55 = vector.broadcast %and3A_54 : i32 to vector<256x384xi32>
    %and3A_56 = arith.andi %shift_right_arithmetic3A_53, %and3A_55 : vector<256x384xi32>
    %eq3A = arith.constant 1 : i32
    %eq3A_57 = vector.broadcast %eq3A : i32 to vector<256x384xi32>
    %eq3A_58 = arith.cmpi eq, %and3A_56, %eq3A_57 : vector<256x384xi32>
    %select_n3A_59 = arith.select %eq3A_58, %concatenate3A_50, %div3A_25 : vector<256x384xi1>, vector<256x384xf32>
    %slice3A_60 = vector.extract_strided_slice %select_n3A_59 {offsets = [0, 2], sizes = [256, 382], strides = [1, 1]} : vector<256x384xf32> to vector<256x382xf32>
    %slice3A_61 = vector.extract_strided_slice %select_n3A_59 {offsets = [0, 0], sizes = [256, 2], strides = [1, 1]} : vector<256x384xf32> to vector<256x2xf32>
    %concatenate3A_62 = tpu.concatenate %slice3A_60, %slice3A_61 in 1 : vector<256x382xf32>, vector<256x2xf32> -> vector<256x384xf32>
    %iota3A_63 = tpu.iota {dimensions = array<i32: 0>} : vector<256x384xi32>
    %shift_right_arithmetic3A_64 = arith.constant 1 : i32
    %shift_right_arithmetic3A_65 = vector.broadcast %shift_right_arithmetic3A_64 : i32 to vector<256x384xi32>
    %shift_right_arithmetic3A_66 = arith.shrsi %iota3A_63, %shift_right_arithmetic3A_65 : vector<256x384xi32>
    %and3A_67 = arith.constant 1 : i32
    %and3A_68 = vector.broadcast %and3A_67 : i32 to vector<256x384xi32>
    %and3A_69 = arith.andi %shift_right_arithmetic3A_66, %and3A_68 : vector<256x384xi32>
    %eq3A_70 = arith.constant 1 : i32
    %eq3A_71 = vector.broadcast %eq3A_70 : i32 to vector<256x384xi32>
    %eq3A_72 = arith.cmpi eq, %and3A_69, %eq3A_71 : vector<256x384xi32>
    %select_n3A_73 = arith.select %eq3A_72, %concatenate3A_62, %select_n3A_59 : vector<256x384xi1>, vector<256x384xf32>
    %slice3A_74 = vector.extract_strided_slice %select_n3A_73 {offsets = [0, 4], sizes = [256, 380], strides = [1, 1]} : vector<256x384xf32> to vector<256x380xf32>
    %slice3A_75 = vector.extract_strided_slice %select_n3A_73 {offsets = [0, 0], sizes = [256, 4], strides = [1, 1]} : vector<256x384xf32> to vector<256x4xf32>
    %concatenate3A_76 = tpu.concatenate %slice3A_74, %slice3A_75 in 1 : vector<256x380xf32>, vector<256x4xf32> -> vector<256x384xf32>
    %iota3A_77 = tpu.iota {dimensions = array<i32: 0>} : vector<256x384xi32>
    %shift_right_arithmetic3A_78 = arith.constant 2 : i32
    %shift_right_arithmetic3A_79 = vector.broadcast %shift_right_arithmetic3A_78 : i32 to vector<256x384xi32>
    %shift_right_arithmetic3A_80 = arith.shrsi %iota3A_77, %shift_right_arithmetic3A_79 : vector<256x384xi32>
    %and3A_81 = arith.constant 1 : i32
    %and3A_82 = vector.broadcast %and3A_81 : i32 to vector<256x384xi32>
    %and3A_83 = arith.andi %shift_right_arithmetic3A_80, %and3A_82 : vector<256x384xi32>
    %eq3A_84 = arith.constant 1 : i32
    %eq3A_85 = vector.broadcast %eq3A_84 : i32 to vector<256x384xi32>
    %eq3A_86 = arith.cmpi eq, %and3A_83, %eq3A_85 : vector<256x384xi32>
    %select_n3A_87 = arith.select %eq3A_86, %concatenate3A_76, %select_n3A_73 : vector<256x384xi1>, vector<256x384xf32>
    %slice3A_88 = vector.extract_strided_slice %select_n3A_87 {offsets = [0, 8], sizes = [256, 376], strides = [1, 1]} : vector<256x384xf32> to vector<256x376xf32>
    %slice3A_89 = vector.extract_strided_slice %select_n3A_87 {offsets = [0, 0], sizes = [256, 8], strides = [1, 1]} : vector<256x384xf32> to vector<256x8xf32>
    %concatenate3A_90 = tpu.concatenate %slice3A_88, %slice3A_89 in 1 : vector<256x376xf32>, vector<256x8xf32> -> vector<256x384xf32>
    %iota3A_91 = tpu.iota {dimensions = array<i32: 0>} : vector<256x384xi32>
    %shift_right_arithmetic3A_92 = arith.constant 3 : i32
    %shift_right_arithmetic3A_93 = vector.broadcast %shift_right_arithmetic3A_92 : i32 to vector<256x384xi32>
    %shift_right_arithmetic3A_94 = arith.shrsi %iota3A_91, %shift_right_arithmetic3A_93 : vector<256x384xi32>
    %and3A_95 = arith.constant 1 : i32
    %and3A_96 = vector.broadcast %and3A_95 : i32 to vector<256x384xi32>
    %and3A_97 = arith.andi %shift_right_arithmetic3A_94, %and3A_96 : vector<256x384xi32>
    %eq3A_98 = arith.constant 1 : i32
    %eq3A_99 = vector.broadcast %eq3A_98 : i32 to vector<256x384xi32>
    %eq3A_100 = arith.cmpi eq, %and3A_97, %eq3A_99 : vector<256x384xi32>
    %select_n3A_101 = arith.select %eq3A_100, %concatenate3A_90, %select_n3A_87 : vector<256x384xi1>, vector<256x384xf32>
    %slice3A_102 = vector.extract_strided_slice %select_n3A_101 {offsets = [0, 16], sizes = [256, 368], strides = [1, 1]} : vector<256x384xf32> to vector<256x368xf32>
    %slice3A_103 = vector.extract_strided_slice %select_n3A_101 {offsets = [0, 0], sizes = [256, 16], strides = [1, 1]} : vector<256x384xf32> to vector<256x16xf32>
    %concatenate3A_104 = tpu.concatenate %slice3A_102, %slice3A_103 in 1 : vector<256x368xf32>, vector<256x16xf32> -> vector<256x384xf32>
    %iota3A_105 = tpu.iota {dimensions = array<i32: 0>} : vector<256x384xi32>
    %shift_right_arithmetic3A_106 = arith.constant 4 : i32
    %shift_right_arithmetic3A_107 = vector.broadcast %shift_right_arithmetic3A_106 : i32 to vector<256x384xi32>
    %shift_right_arithmetic3A_108 = arith.shrsi %iota3A_105, %shift_right_arithmetic3A_107 : vector<256x384xi32>
    %and3A_109 = arith.constant 1 : i32
    %and3A_110 = vector.broadcast %and3A_109 : i32 to vector<256x384xi32>
    %and3A_111 = arith.andi %shift_right_arithmetic3A_108, %and3A_110 : vector<256x384xi32>
    %eq3A_112 = arith.constant 1 : i32
    %eq3A_113 = vector.broadcast %eq3A_112 : i32 to vector<256x384xi32>
    %eq3A_114 = arith.cmpi eq, %and3A_111, %eq3A_113 : vector<256x384xi32>
    %select_n3A_115 = arith.select %eq3A_114, %concatenate3A_104, %select_n3A_101 : vector<256x384xi1>, vector<256x384xf32>
    %slice3A_116 = vector.extract_strided_slice %select_n3A_115 {offsets = [0, 32], sizes = [256, 352], strides = [1, 1]} : vector<256x384xf32> to vector<256x352xf32>
    %slice3A_117 = vector.extract_strided_slice %select_n3A_115 {offsets = [0, 0], sizes = [256, 32], strides = [1, 1]} : vector<256x384xf32> to vector<256x32xf32>
    %concatenate3A_118 = tpu.concatenate %slice3A_116, %slice3A_117 in 1 : vector<256x352xf32>, vector<256x32xf32> -> vector<256x384xf32>
    %iota3A_119 = tpu.iota {dimensions = array<i32: 0>} : vector<256x384xi32>
    %shift_right_arithmetic3A_120 = arith.constant 5 : i32
    %shift_right_arithmetic3A_121 = vector.broadcast %shift_right_arithmetic3A_120 : i32 to vector<256x384xi32>
    %shift_right_arithmetic3A_122 = arith.shrsi %iota3A_119, %shift_right_arithmetic3A_121 : vector<256x384xi32>
    %and3A_123 = arith.constant 1 : i32
    %and3A_124 = vector.broadcast %and3A_123 : i32 to vector<256x384xi32>
    %and3A_125 = arith.andi %shift_right_arithmetic3A_122, %and3A_124 : vector<256x384xi32>
    %eq3A_126 = arith.constant 1 : i32
    %eq3A_127 = vector.broadcast %eq3A_126 : i32 to vector<256x384xi32>
    %eq3A_128 = arith.cmpi eq, %and3A_125, %eq3A_127 : vector<256x384xi32>
    %select_n3A_129 = arith.select %eq3A_128, %concatenate3A_118, %select_n3A_115 : vector<256x384xi1>, vector<256x384xf32>
    %slice3A_130 = vector.extract_strided_slice %select_n3A_129 {offsets = [0, 64], sizes = [256, 320], strides = [1, 1]} : vector<256x384xf32> to vector<256x320xf32>
    %slice3A_131 = vector.extract_strided_slice %select_n3A_129 {offsets = [0, 0], sizes = [256, 64], strides = [1, 1]} : vector<256x384xf32> to vector<256x64xf32>
    %concatenate3A_132 = tpu.concatenate %slice3A_130, %slice3A_131 in 1 : vector<256x320xf32>, vector<256x64xf32> -> vector<256x384xf32>
    %iota3A_133 = tpu.iota {dimensions = array<i32: 0>} : vector<256x384xi32>
    %shift_right_arithmetic3A_134 = arith.constant 6 : i32
    %shift_right_arithmetic3A_135 = vector.broadcast %shift_right_arithmetic3A_134 : i32 to vector<256x384xi32>
    %shift_right_arithmetic3A_136 = arith.shrsi %iota3A_133, %shift_right_arithmetic3A_135 : vector<256x384xi32>
    %and3A_137 = arith.constant 1 : i32
    %and3A_138 = vector.broadcast %and3A_137 : i32 to vector<256x384xi32>
    %and3A_139 = arith.andi %shift_right_arithmetic3A_136, %and3A_138 : vector<256x384xi32>
    %eq3A_140 = arith.constant 1 : i32
    %eq3A_141 = vector.broadcast %eq3A_140 : i32 to vector<256x384xi32>
    %eq3A_142 = arith.cmpi eq, %and3A_139, %eq3A_141 : vector<256x384xi32>
    %select_n3A_143 = arith.select %eq3A_142, %concatenate3A_132, %select_n3A_129 : vector<256x384xi1>, vector<256x384xf32>
    %slice3A_144 = vector.extract_strided_slice %select_n3A_143 {offsets = [0, 128], sizes = [256, 256], strides = [1, 1]} : vector<256x384xf32> to vector<256x256xf32>
    %slice3A_145 = vector.extract_strided_slice %select_n3A_143 {offsets = [0, 0], sizes = [256, 128], strides = [1, 1]} : vector<256x384xf32> to vector<256x128xf32>
    %concatenate3A_146 = tpu.concatenate %slice3A_144, %slice3A_145 in 1 : vector<256x256xf32>, vector<256x128xf32> -> vector<256x384xf32>
    %iota3A_147 = tpu.iota {dimensions = array<i32: 0>} : vector<256x384xi32>
    %shift_right_arithmetic3A_148 = arith.constant 7 : i32
    %shift_right_arithmetic3A_149 = vector.broadcast %shift_right_arithmetic3A_148 : i32 to vector<256x384xi32>
    %shift_right_arithmetic3A_150 = arith.shrsi %iota3A_147, %shift_right_arithmetic3A_149 : vector<256x384xi32>
    %and3A_151 = arith.constant 1 : i32
    %and3A_152 = vector.broadcast %and3A_151 : i32 to vector<256x384xi32>
    %and3A_153 = arith.andi %shift_right_arithmetic3A_150, %and3A_152 : vector<256x384xi32>
    %eq3A_154 = arith.constant 1 : i32
    %eq3A_155 = vector.broadcast %eq3A_154 : i32 to vector<256x384xi32>
    %eq3A_156 = arith.cmpi eq, %and3A_153, %eq3A_155 : vector<256x384xi32>
    %select_n3A_157 = arith.select %eq3A_156, %concatenate3A_146, %select_n3A_143 : vector<256x384xi1>, vector<256x384xf32>
    %slice3A_158 = vector.extract_strided_slice %select_n3A_157 {offsets = [0, 0], sizes = [256, 32], strides = [1, 1]} : vector<256x384xf32> to vector<256x32xf32>
    %transpose3A = tpu.transpose %slice3A_158, [1, 0] : vector<256x32xf32> -> vector<32x256xf32>
    %swap3A_159 = arith.constant 0 : index
    %swap3A_160 = arith.constant 0 : index
    %swap3A_161 = arith.constant 0 : index
    %swap3A_162 = vector.load %arg11[%swap3A_159, %swap3A_160, %swap3A_161] : memref<1x32x256xf32, #tpu.memory_space<vmem>>, vector<1x32x256xf32>
    %swap3A_163 = vector.shape_cast %swap3A_162 : vector<1x32x256xf32> to vector<32x256xf32>
    %swap3A_164 = vector.shape_cast %transpose3A : vector<32x256xf32> to vector<1x32x256xf32>
    tpu.vector_store %arg11[%swap3A_159, %swap3A_160, %swap3A_161], %swap3A_164 {strides = array<i32>} : memref<1x32x256xf32, #tpu.memory_space<vmem>>, vector<1x32x256xf32>,
    return
  }
  func.func @transform_2(%arg0: i32) -> (i32, i32, i32) {
    %add3A = arith.constant 0 : i32
    %add3A_0 = arith.addi %arg0, %add3A : i32
    %c0_i32 = arith.constant 0 : i32
    %c0_i32_1 = arith.constant 0 : i32
    %c0_i32_2 = arith.constant 0 : i32
    return %c0_i32, %add3A_0, %c0_i32_1 : i32, i32, i32
  }
  func.func @transform_3(%arg0: i32) -> (i32, i32) {
    %mul3A = arith.constant 2 : i32
    %mul3A_0 = arith.muli %mul3A, %arg0 : i32
    %c0_i32 = arith.constant 0 : i32
    %c0_i32_1 = arith.constant 0 : i32
    return %mul3A_0, %c0_i32 : i32, i32
  }
  func.func @transform_4(%arg0: i32) -> (i32, i32) {
    %mul3A = arith.constant 2 : i32
    %mul3A_0 = arith.muli %mul3A, %arg0 : i32
    %add3A = arith.constant 1 : i32
    %add3A_1 = arith.addi %mul3A_0, %add3A : i32
    %c0_i32 = arith.constant 0 : i32
    %c0_i32_2 = arith.constant 0 : i32
    return %add3A_1, %c0_i32 : i32, i32
  }
  func.func @transform_5(%arg0: i32) -> (i32, i32) {
    %mul3A = arith.constant 2 : i32
    %mul3A_0 = arith.muli %mul3A, %arg0 : i32
    %add3A = arith.constant 2 : i32
    %add3A_1 = arith.addi %mul3A_0, %add3A : i32
    %c0_i32 = arith.constant 0 : i32
    %c0_i32_2 = arith.constant 0 : i32
    return %add3A_1, %c0_i32 : i32, i32
  }
  func.func @transform_6(%arg0: i32) -> (i32, i32) {
    %mul3A = arith.constant 2 : i32
    %mul3A_0 = arith.muli %mul3A, %arg0 : i32
    %c0_i32 = arith.constant 0 : i32
    %c0_i32_1 = arith.constant 0 : i32
    return %mul3A_0, %c0_i32 : i32, i32
  }
  func.func @transform_7(%arg0: i32) -> (i32, i32) {
    %mul3A = arith.constant 2 : i32
    %mul3A_0 = arith.muli %mul3A, %arg0 : i32
    %add3A = arith.constant 1 : i32
    %add3A_1 = arith.addi %mul3A_0, %add3A : i32
    %c0_i32 = arith.constant 0 : i32
    %c0_i32_2 = arith.constant 0 : i32
    return %add3A_1, %c0_i32 : i32, i32
  }
  func.func @transform_8(%arg0: i32) -> (i32, i32) {
    %mul3A = arith.constant 2 : i32
    %mul3A_0 = arith.muli %mul3A, %arg0 : i32
    %add3A = arith.constant 2 : i32
    %add3A_1 = arith.addi %mul3A_0, %add3A : i32
    %c0_i32 = arith.constant 0 : i32
    %c0_i32_2 = arith.constant 0 : i32
    return %add3A_1, %c0_i32 : i32, i32
  }
  func.func @transform_9(%arg0: i32) -> (i32, i32, i32) {
    %add3A = arith.constant 0 : i32
    %add3A_0 = arith.addi %arg0, %add3A : i32
    %c0_i32 = arith.constant 0 : i32
    %c0_i32_1 = arith.constant 0 : i32
    %c0_i32_2 = arith.constant 0 : i32
    return %c0_i32, %add3A_0, %c0_i32_1 : i32, i32, i32
  }
  func.func @transform_10(%arg0: i32) -> (i32, i32, i32) {
    %add3A = arith.constant 0 : i32
    %add3A_0 = arith.addi %arg0, %add3A : i32
    %c0_i32 = arith.constant 0 : i32
    %c0_i32_1 = arith.constant 0 : i32
    %c0_i32_2 = arith.constant 0 : i32
    return %c0_i32, %c0_i32_1, %add3A_0 : i32, i32, i32
  }
}

module attributes {stable_mosaic.version = 14 : i64} {
  func.func @_attn_body(%arg0: i32, %arg1: memref<1x2048x1536xf32, #tpu.memory_space<any>>, %arg2: memref<1x32x2048xf32, #tpu.memory_space<any>>, %arg3: memref<1x256x768xf32, #tpu.memory_space<vmem>>, %arg4: memref<128x768xf32, #tpu.memory_space<vmem>>, %arg5: memref<128x768xf32, #tpu.memory_space<vmem>>, %arg6: memref<128x768xf32, #tpu.memory_space<vmem>>, %arg7: memref<128x768xf32, #tpu.memory_space<vmem>>, %arg8: memref<128x768xf32, #tpu.memory_space<vmem>>, %arg9: memref<128x768xf32, #tpu.memory_space<vmem>>, %arg10: memref<1x256x1536xf32, #tpu.memory_space<vmem>>, %arg11: memref<1x32x256xf32, #tpu.memory_space<vmem>>) attributes {dimension_semantics = [#tpu.dimension_semantics<arbitrary>], iteration_bounds = array<i64: 4>, scalar_prefetch = 0 : i64, scratch_operands = 0 : i64, tpu.core_type = #tpu.core_type<tc>, window_params = [{}, {}, {transform_indices = @transform_2, window_bounds = array<i64: 1, 256, 768>}, {transform_indices = @transform_3, window_bounds = array<i64: 128, 768>}, {transform_indices = @transform_4, window_bounds = array<i64: 128, 768>}, {transform_indices = @transform_5, window_bounds = array<i64: 128, 768>}, {transform_indices = @transform_6, window_bounds = array<i64: 128, 768>}, {transform_indices = @transform_7, window_bounds = array<i64: 128, 768>}, {transform_indices = @transform_8, window_bounds = array<i64: 128, 768>}, {transform_indices = @transform_9, window_bounds = array<i64: 1, 256, 1536>}, {transform_indices = @transform_10, window_bounds = array<i64: 1, 32, 256>}]} {
    %get3A = arith.constant 0 : index
    %get3A_0 = arith.constant 0 : index
    %get3A_1 = arith.constant 0 : index
    %get3A_2 = vector.load %arg3[%get3A, %get3A_0, %get3A_1] : memref<1x256x768xf32, #tpu.memory_space<vmem>>, vector<1x256x768xf32>
    %get3A_3 = vector.shape_cast %get3A_2 : vector<1x256x768xf32> to vector<256x768xf32>
    %get3A_4 = arith.constant 0 : index
    %get3A_5 = arith.constant 0 : index
    %get3A_6 = vector.load %arg4[%get3A_4, %get3A_5] : memref<128x768xf32, #tpu.memory_space<vmem>>, vector<128x768xf32>
    %get3A_7 = arith.constant 0 : index
    %get3A_8 = arith.constant 0 : index
    %get3A_9 = vector.load %arg5[%get3A_7, %get3A_8] : memref<128x768xf32, #tpu.memory_space<vmem>>, vector<128x768xf32>
    %get3A_10 = arith.constant 0 : index
    %get3A_11 = arith.constant 0 : index
    %get3A_12 = vector.load %arg6[%get3A_10, %get3A_11] : memref<128x768xf32, #tpu.memory_space<vmem>>, vector<128x768xf32>
    %concatenate3A = tpu.concatenate %get3A_6, %get3A_9, %get3A_12 in 0 : vector<128x768xf32>, vector<128x768xf32>, vector<128x768xf32> -> vector<384x768xf32>
    %dot_general3A = arith.constant dense<0.000000e+00> : vector<256x384xf32>
    %dot_general3A_13 = tpu.matmul %get3A_3, %concatenate3A, %dot_general3A {dimension_numbers = #tpu.dot_dimension_numbers<[1], [1], [0], [0], [0, 0, 1, 0], [], []>, transpose_lhs_hint = false} : vector<256x768xf32>, vector<384x768xf32>, vector<256x384xf32> -> vector<256x384xf32>
    %iota3A = tpu.iota {dimensions = array<i32: 0>} : vector<256x384xi32>
    %iota3A_14 = tpu.iota {dimensions = array<i32: 1>} : vector<256x384xi32>
    %sub3A = arith.subi %iota3A_14, %iota3A : vector<256x384xi32>
    %ge3A = arith.constant 0 : i32
    %ge3A_15 = vector.broadcast %ge3A : i32 to vector<256x384xi32>
    %ge3A_16 = arith.cmpi sge, %sub3A, %ge3A_15 : vector<256x384xi32>
    %lt3A = arith.constant 32 : i32
    %lt3A_17 = vector.broadcast %lt3A : i32 to vector<256x384xi32>
    %lt3A_18 = arith.cmpi slt, %sub3A, %lt3A_17 : vector<256x384xi32>
    %and3A = arith.andi %ge3A_16, %lt3A_18 : vector<256x384xi1>
    %jit3A = arith.constant -1.000000e+30 : f32
    %broadcast_in_dim3A = vector.broadcast %jit3A : f32 to vector<256x384xf32>
    %select_n3A = arith.select %and3A, %dot_general3A_13, %broadcast_in_dim3A : vector<256x384xi1>, vector<256x384xf32>
    %reduce_max3A = arith.constant dense<0xFF800000> : vector<256xf32>
    %reduce_max3A_19 = vector.multi_reduction <maximumf>, %select_n3A, %reduce_max3A [1] : vector<256x384xf32> to vector<256xf32>
    %broadcast_in_dim3A_20 = vector.shape_cast %reduce_max3A_19 : vector<256xf32> to vector<256x1xf32>
    %sub3A_21 = vector.broadcast %broadcast_in_dim3A_20 : vector<256x1xf32> to vector<256x384xf32>
    %sub3A_22 = arith.subf %select_n3A, %sub3A_21 : vector<256x384xf32>
    %exp3A = math.exp %sub3A_22 : vector<256x384xf32>
    %reduce_sum3A = arith.constant dense<0.000000e+00> : vector<256xf32>
    %reduce_sum3A_23 = vector.multi_reduction <add>, %exp3A, %reduce_sum3A [1] : vector<256x384xf32> to vector<256xf32>
    %broadcast_in_dim3A_24 = vector.shape_cast %reduce_sum3A_23 : vector<256xf32> to vector<256x1xf32>
    %div3A = vector.broadcast %broadcast_in_dim3A_24 : vector<256x1xf32> to vector<256x384xf32>
    %div3A_25 = arith.divf %exp3A, %div3A : vector<256x384xf32>
    %get3A_26 = arith.constant 0 : index
    %get3A_27 = arith.constant 0 : index
    %get3A_28 = vector.load %arg7[%get3A_26, %get3A_27] : memref<128x768xf32, #tpu.memory_space<vmem>>, vector<128x768xf32>
    %get3A_29 = arith.constant 0 : index
    %get3A_30 = arith.constant 0 : index
    %get3A_31 = vector.load %arg8[%get3A_29, %get3A_30] : memref<128x768xf32, #tpu.memory_space<vmem>>, vector<128x768xf32>
    %get3A_32 = arith.constant 0 : index
    %get3A_33 = arith.constant 0 : index
    %get3A_34 = vector.load %arg9[%get3A_32, %get3A_33] : memref<128x768xf32, #tpu.memory_space<vmem>>, vector<128x768xf32>
    %concatenate3A_35 = tpu.concatenate %get3A_28, %get3A_31, %get3A_34 in 0 : vector<128x768xf32>, vector<128x768xf32>, vector<128x768xf32> -> vector<384x768xf32>
    %dot_general3A_36 = arith.constant dense<0.000000e+00> : vector<256x768xf32>
    %dot_general3A_37 = tpu.matmul %div3A_25, %concatenate3A_35, %dot_general3A_36 {dimension_numbers = #tpu.dot_dimension_numbers<[1], [0], [0], [1], [0, 0, 1, 1], [], []>, transpose_lhs_hint = false} : vector<256x384xf32>, vector<384x768xf32>, vector<256x768xf32> -> vector<256x768xf32>
    %swap3A = arith.constant 0 : index
    %swap3A_38 = arith.constant 0 : index
    %swap3A_39 = arith.constant 0 : index
    %swap3A_40 = vector.load %arg10[%swap3A, %swap3A_38, %swap3A_39] : memref<1x256x1536xf32, #tpu.memory_space<vmem>>, vector<1x256x768xf32>
    %swap3A_41 = vector.shape_cast %swap3A_40 : vector<1x256x768xf32> to vector<256x768xf32>
    %swap3A_42 = vector.shape_cast %dot_general3A_37 : vector<256x768xf32> to vector<1x256x768xf32>
    tpu.vector_store %arg10[%swap3A, %swap3A_38, %swap3A_39], %swap3A_42 {strides = array<i32>} : memref<1x256x1536xf32, #tpu.memory_space<vmem>>, vector<1x256x768xf32>,
    %swap3A_43 = arith.constant 0 : index
    %swap3A_44 = arith.constant 0 : index
    %swap3A_45 = arith.constant 768 : index
    %swap3A_46 = vector.load %arg10[%swap3A_43, %swap3A_44, %swap3A_45] : memref<1x256x1536xf32, #tpu.memory_space<vmem>>, vector<1x256x768xf32>
    %swap3A_47 = vector.shape_cast %swap3A_46 : vector<1x256x768xf32> to vector<256x768xf32>
    %swap3A_48 = vector.shape_cast %get3A_3 : vector<256x768xf32> to vector<1x256x768xf32>
    tpu.vector_store %arg10[%swap3A_43, %swap3A_44, %swap3A_45], %swap3A_48 {strides = array<i32>} : memref<1x256x1536xf32, #tpu.memory_space<vmem>>, vector<1x256x768xf32>,
    %slice3A = vector.extract_strided_slice %div3A_25 {offsets = [0, 1], sizes = [256, 383], strides = [1, 1]} : vector<256x384xf32> to vector<256x383xf32>
    %slice3A_49 = vector.extract_strided_slice %div3A_25 {offsets = [0, 0], sizes = [256, 1], strides = [1, 1]} : vector<256x384xf32> to vector<256x1xf32>
    %concatenate3A_50 = tpu.concatenate %slice3A, %slice3A_49 in 1 : vector<256x383xf32>, vector<256x1xf32> -> vector<256x384xf32>
    %iota3A_51 = tpu.iota {dimensions = array<i32: 0>} : vector<256x384xi32>
    %shift_right_arithmetic3A = arith.constant 0 : i32
    %shift_right_arithmetic3A_52 = vector.broadcast %shift_right_arithmetic3A : i32 to vector<256x384xi32>
    %shift_right_arithmetic3A_53 = arith.shrsi %iota3A_51, %shift_right_arithmetic3A_52 : vector<256x384xi32>
    %and3A_54 = arith.constant 1 : i32
    %and3A_55 = vector.broadcast %and3A_54 : i32 to vector<256x384xi32>
    %and3A_56 = arith.andi %shift_right_arithmetic3A_53, %and3A_55 : vector<256x384xi32>
    %eq3A = arith.constant 1 : i32
    %eq3A_57 = vector.broadcast %eq3A : i32 to vector<256x384xi32>
    %eq3A_58 = arith.cmpi eq, %and3A_56, %eq3A_57 : vector<256x384xi32>
    %select_n3A_59 = arith.select %eq3A_58, %concatenate3A_50, %div3A_25 : vector<256x384xi1>, vector<256x384xf32>
    %slice3A_60 = vector.extract_strided_slice %select_n3A_59 {offsets = [0, 2], sizes = [256, 382], strides = [1, 1]} : vector<256x384xf32> to vector<256x382xf32>
    %slice3A_61 = vector.extract_strided_slice %select_n3A_59 {offsets = [0, 0], sizes = [256, 2], strides = [1, 1]} : vector<256x384xf32> to vector<256x2xf32>
    %concatenate3A_62 = tpu.concatenate %slice3A_60, %slice3A_61 in 1 : vector<256x382xf32>, vector<256x2xf32> -> vector<256x384xf32>
    %iota3A_63 = tpu.iota {dimensions = array<i32: 0>} : vector<256x384xi32>
    %shift_right_arithmetic3A_64 = arith.constant 1 : i32
    %shift_right_arithmetic3A_65 = vector.broadcast %shift_right_arithmetic3A_64 : i32 to vector<256x384xi32>
    %shift_right_arithmetic3A_66 = arith.shrsi %iota3A_63, %shift_right_arithmetic3A_65 : vector<256x384xi32>
    %and3A_67 = arith.constant 1 : i32
    %and3A_68 = vector.broadcast %and3A_67 : i32 to vector<256x384xi32>
    %and3A_69 = arith.andi %shift_right_arithmetic3A_66, %and3A_68 : vector<256x384xi32>
    %eq3A_70 = arith.constant 1 : i32
    %eq3A_71 = vector.broadcast %eq3A_70 : i32 to vector<256x384xi32>
    %eq3A_72 = arith.cmpi eq, %and3A_69, %eq3A_71 : vector<256x384xi32>
    %select_n3A_73 = arith.select %eq3A_72, %concatenate3A_62, %select_n3A_59 : vector<256x384xi1>, vector<256x384xf32>
    %slice3A_74 = vector.extract_strided_slice %select_n3A_73 {offsets = [0, 4], sizes = [256, 380], strides = [1, 1]} : vector<256x384xf32> to vector<256x380xf32>
    %slice3A_75 = vector.extract_strided_slice %select_n3A_73 {offsets = [0, 0], sizes = [256, 4], strides = [1, 1]} : vector<256x384xf32> to vector<256x4xf32>
    %concatenate3A_76 = tpu.concatenate %slice3A_74, %slice3A_75 in 1 : vector<256x380xf32>, vector<256x4xf32> -> vector<256x384xf32>
    %iota3A_77 = tpu.iota {dimensions = array<i32: 0>} : vector<256x384xi32>
    %shift_right_arithmetic3A_78 = arith.constant 2 : i32
    %shift_right_arithmetic3A_79 = vector.broadcast %shift_right_arithmetic3A_78 : i32 to vector<256x384xi32>
    %shift_right_arithmetic3A_80 = arith.shrsi %iota3A_77, %shift_right_arithmetic3A_79 : vector<256x384xi32>
    %and3A_81 = arith.constant 1 : i32
    %and3A_82 = vector.broadcast %and3A_81 : i32 to vector<256x384xi32>
    %and3A_83 = arith.andi %shift_right_arithmetic3A_80, %and3A_82 : vector<256x384xi32>
    %eq3A_84 = arith.constant 1 : i32
    %eq3A_85 = vector.broadcast %eq3A_84 : i32 to vector<256x384xi32>
    %eq3A_86 = arith.cmpi eq, %and3A_83, %eq3A_85 : vector<256x384xi32>
    %select_n3A_87 = arith.select %eq3A_86, %concatenate3A_76, %select_n3A_73 : vector<256x384xi1>, vector<256x384xf32>
    %slice3A_88 = vector.extract_strided_slice %select_n3A_87 {offsets = [0, 8], sizes = [256, 376], strides = [1, 1]} : vector<256x384xf32> to vector<256x376xf32>
    %slice3A_89 = vector.extract_strided_slice %select_n3A_87 {offsets = [0, 0], sizes = [256, 8], strides = [1, 1]} : vector<256x384xf32> to vector<256x8xf32>
    %concatenate3A_90 = tpu.concatenate %slice3A_88, %slice3A_89 in 1 : vector<256x376xf32>, vector<256x8xf32> -> vector<256x384xf32>
    %iota3A_91 = tpu.iota {dimensions = array<i32: 0>} : vector<256x384xi32>
    %shift_right_arithmetic3A_92 = arith.constant 3 : i32
    %shift_right_arithmetic3A_93 = vector.broadcast %shift_right_arithmetic3A_92 : i32 to vector<256x384xi32>
    %shift_right_arithmetic3A_94 = arith.shrsi %iota3A_91, %shift_right_arithmetic3A_93 : vector<256x384xi32>
    %and3A_95 = arith.constant 1 : i32
    %and3A_96 = vector.broadcast %and3A_95 : i32 to vector<256x384xi32>
    %and3A_97 = arith.andi %shift_right_arithmetic3A_94, %and3A_96 : vector<256x384xi32>
    %eq3A_98 = arith.constant 1 : i32
    %eq3A_99 = vector.broadcast %eq3A_98 : i32 to vector<256x384xi32>
    %eq3A_100 = arith.cmpi eq, %and3A_97, %eq3A_99 : vector<256x384xi32>
    %select_n3A_101 = arith.select %eq3A_100, %concatenate3A_90, %select_n3A_87 : vector<256x384xi1>, vector<256x384xf32>
    %slice3A_102 = vector.extract_strided_slice %select_n3A_101 {offsets = [0, 16], sizes = [256, 368], strides = [1, 1]} : vector<256x384xf32> to vector<256x368xf32>
    %slice3A_103 = vector.extract_strided_slice %select_n3A_101 {offsets = [0, 0], sizes = [256, 16], strides = [1, 1]} : vector<256x384xf32> to vector<256x16xf32>
    %concatenate3A_104 = tpu.concatenate %slice3A_102, %slice3A_103 in 1 : vector<256x368xf32>, vector<256x16xf32> -> vector<256x384xf32>
    %iota3A_105 = tpu.iota {dimensions = array<i32: 0>} : vector<256x384xi32>
    %shift_right_arithmetic3A_106 = arith.constant 4 : i32
    %shift_right_arithmetic3A_107 = vector.broadcast %shift_right_arithmetic3A_106 : i32 to vector<256x384xi32>
    %shift_right_arithmetic3A_108 = arith.shrsi %iota3A_105, %shift_right_arithmetic3A_107 : vector<256x384xi32>
    %and3A_109 = arith.constant 1 : i32
    %and3A_110 = vector.broadcast %and3A_109 : i32 to vector<256x384xi32>
    %and3A_111 = arith.andi %shift_right_arithmetic3A_108, %and3A_110 : vector<256x384xi32>
    %eq3A_112 = arith.constant 1 : i32
    %eq3A_113 = vector.broadcast %eq3A_112 : i32 to vector<256x384xi32>
    %eq3A_114 = arith.cmpi eq, %and3A_111, %eq3A_113 : vector<256x384xi32>
    %select_n3A_115 = arith.select %eq3A_114, %concatenate3A_104, %select_n3A_101 : vector<256x384xi1>, vector<256x384xf32>
    %slice3A_116 = vector.extract_strided_slice %select_n3A_115 {offsets = [0, 32], sizes = [256, 352], strides = [1, 1]} : vector<256x384xf32> to vector<256x352xf32>
    %slice3A_117 = vector.extract_strided_slice %select_n3A_115 {offsets = [0, 0], sizes = [256, 32], strides = [1, 1]} : vector<256x384xf32> to vector<256x32xf32>
    %concatenate3A_118 = tpu.concatenate %slice3A_116, %slice3A_117 in 1 : vector<256x352xf32>, vector<256x32xf32> -> vector<256x384xf32>
    %iota3A_119 = tpu.iota {dimensions = array<i32: 0>} : vector<256x384xi32>
    %shift_right_arithmetic3A_120 = arith.constant 5 : i32
    %shift_right_arithmetic3A_121 = vector.broadcast %shift_right_arithmetic3A_120 : i32 to vector<256x384xi32>
    %shift_right_arithmetic3A_122 = arith.shrsi %iota3A_119, %shift_right_arithmetic3A_121 : vector<256x384xi32>
    %and3A_123 = arith.constant 1 : i32
    %and3A_124 = vector.broadcast %and3A_123 : i32 to vector<256x384xi32>
    %and3A_125 = arith.andi %shift_right_arithmetic3A_122, %and3A_124 : vector<256x384xi32>
    %eq3A_126 = arith.constant 1 : i32
    %eq3A_127 = vector.broadcast %eq3A_126 : i32 to vector<256x384xi32>
    %eq3A_128 = arith.cmpi eq, %and3A_125, %eq3A_127 : vector<256x384xi32>
    %select_n3A_129 = arith.select %eq3A_128, %concatenate3A_118, %select_n3A_115 : vector<256x384xi1>, vector<256x384xf32>
    %slice3A_130 = vector.extract_strided_slice %select_n3A_129 {offsets = [0, 64], sizes = [256, 320], strides = [1, 1]} : vector<256x384xf32> to vector<256x320xf32>
    %slice3A_131 = vector.extract_strided_slice %select_n3A_129 {offsets = [0, 0], sizes = [256, 64], strides = [1, 1]} : vector<256x384xf32> to vector<256x64xf32>
    %concatenate3A_132 = tpu.concatenate %slice3A_130, %slice3A_131 in 1 : vector<256x320xf32>, vector<256x64xf32> -> vector<256x384xf32>
    %iota3A_133 = tpu.iota {dimensions = array<i32: 0>} : vector<256x384xi32>
    %shift_right_arithmetic3A_134 = arith.constant 6 : i32
    %shift_right_arithmetic3A_135 = vector.broadcast %shift_right_arithmetic3A_134 : i32 to vector<256x384xi32>
    %shift_right_arithmetic3A_136 = arith.shrsi %iota3A_133, %shift_right_arithmetic3A_135 : vector<256x384xi32>
    %and3A_137 = arith.constant 1 : i32
    %and3A_138 = vector.broadcast %and3A_137 : i32 to vector<256x384xi32>
    %and3A_139 = arith.andi %shift_right_arithmetic3A_136, %and3A_138 : vector<256x384xi32>
    %eq3A_140 = arith.constant 1 : i32
    %eq3A_141 = vector.broadcast %eq3A_140 : i32 to vector<256x384xi32>
    %eq3A_142 = arith.cmpi eq, %and3A_139, %eq3A_141 : vector<256x384xi32>
    %select_n3A_143 = arith.select %eq3A_142, %concatenate3A_132, %select_n3A_129 : vector<256x384xi1>, vector<256x384xf32>
    %slice3A_144 = vector.extract_strided_slice %select_n3A_143 {offsets = [0, 128], sizes = [256, 256], strides = [1, 1]} : vector<256x384xf32> to vector<256x256xf32>
    %slice3A_145 = vector.extract_strided_slice %select_n3A_143 {offsets = [0, 0], sizes = [256, 128], strides = [1, 1]} : vector<256x384xf32> to vector<256x128xf32>
    %concatenate3A_146 = tpu.concatenate %slice3A_144, %slice3A_145 in 1 : vector<256x256xf32>, vector<256x128xf32> -> vector<256x384xf32>
    %iota3A_147 = tpu.iota {dimensions = array<i32: 0>} : vector<256x384xi32>
    %shift_right_arithmetic3A_148 = arith.constant 7 : i32
    %shift_right_arithmetic3A_149 = vector.broadcast %shift_right_arithmetic3A_148 : i32 to vector<256x384xi32>
    %shift_right_arithmetic3A_150 = arith.shrsi %iota3A_147, %shift_right_arithmetic3A_149 : vector<256x384xi32>
    %and3A_151 = arith.constant 1 : i32
    %and3A_152 = vector.broadcast %and3A_151 : i32 to vector<256x384xi32>
    %and3A_153 = arith.andi %shift_right_arithmetic3A_150, %and3A_152 : vector<256x384xi32>
    %eq3A_154 = arith.constant 1 : i32
    %eq3A_155 = vector.broadcast %eq3A_154 : i32 to vector<256x384xi32>
    %eq3A_156 = arith.cmpi eq, %and3A_153, %eq3A_155 : vector<256x384xi32>
    %select_n3A_157 = arith.select %eq3A_156, %concatenate3A_146, %select_n3A_143 : vector<256x384xi1>, vector<256x384xf32>
    %slice3A_158 = vector.extract_strided_slice %select_n3A_157 {offsets = [0, 0], sizes = [256, 32], strides = [1, 1]} : vector<256x384xf32> to vector<256x32xf32>
    %transpose3A = tpu.transpose %slice3A_158, [1, 0] : vector<256x32xf32> -> vector<32x256xf32>
    %swap3A_159 = arith.constant 0 : index
    %swap3A_160 = arith.constant 0 : index
    %swap3A_161 = arith.constant 0 : index
    %swap3A_162 = vector.load %arg11[%swap3A_159, %swap3A_160, %swap3A_161] : memref<1x32x256xf32, #tpu.memory_space<vmem>>, vector<1x32x256xf32>
    %swap3A_163 = vector.shape_cast %swap3A_162 : vector<1x32x256xf32> to vector<32x256xf32>
    %swap3A_164 = vector.shape_cast %transpose3A : vector<32x256xf32> to vector<1x32x256xf32>
    tpu.vector_store %arg11[%swap3A_159, %swap3A_160, %swap3A_161], %swap3A_164 {strides = array<i32>} : memref<1x32x256xf32, #tpu.memory_space<vmem>>, vector<1x32x256xf32>,
    return
  }
  func.func @transform_2(%arg0: i32) -> (i32, i32, i32) {
    %add3A = arith.constant 4 : i32
    %add3A_0 = arith.addi %arg0, %add3A : i32
    %c0_i32 = arith.constant 0 : i32
    %c0_i32_1 = arith.constant 0 : i32
    %c0_i32_2 = arith.constant 0 : i32
    return %c0_i32, %add3A_0, %c0_i32_1 : i32, i32, i32
  }
  func.func @transform_3(%arg0: i32) -> (i32, i32) {
    %mul3A = arith.constant 2 : i32
    %mul3A_0 = arith.muli %mul3A, %arg0 : i32
    %c0_i32 = arith.constant 0 : i32
    %c0_i32_1 = arith.constant 0 : i32
    return %mul3A_0, %c0_i32 : i32, i32
  }
  func.func @transform_4(%arg0: i32) -> (i32, i32) {
    %mul3A = arith.constant 2 : i32
    %mul3A_0 = arith.muli %mul3A, %arg0 : i32
    %add3A = arith.constant 1 : i32
    %add3A_1 = arith.addi %mul3A_0, %add3A : i32
    %c0_i32 = arith.constant 0 : i32
    %c0_i32_2 = arith.constant 0 : i32
    return %add3A_1, %c0_i32 : i32, i32
  }
  func.func @transform_5(%arg0: i32) -> (i32, i32) {
    %mul3A = arith.constant 2 : i32
    %mul3A_0 = arith.muli %mul3A, %arg0 : i32
    %add3A = arith.constant 2 : i32
    %add3A_1 = arith.addi %mul3A_0, %add3A : i32
    %c0_i32 = arith.constant 0 : i32
    %c0_i32_2 = arith.constant 0 : i32
    return %add3A_1, %c0_i32 : i32, i32
  }
  func.func @transform_6(%arg0: i32) -> (i32, i32) {
    %mul3A = arith.constant 2 : i32
    %mul3A_0 = arith.muli %mul3A, %arg0 : i32
    %c0_i32 = arith.constant 0 : i32
    %c0_i32_1 = arith.constant 0 : i32
    return %mul3A_0, %c0_i32 : i32, i32
  }
  func.func @transform_7(%arg0: i32) -> (i32, i32) {
    %mul3A = arith.constant 2 : i32
    %mul3A_0 = arith.muli %mul3A, %arg0 : i32
    %add3A = arith.constant 1 : i32
    %add3A_1 = arith.addi %mul3A_0, %add3A : i32
    %c0_i32 = arith.constant 0 : i32
    %c0_i32_2 = arith.constant 0 : i32
    return %add3A_1, %c0_i32 : i32, i32
  }
  func.func @transform_8(%arg0: i32) -> (i32, i32) {
    %mul3A = arith.constant 2 : i32
    %mul3A_0 = arith.muli %mul3A, %arg0 : i32
    %add3A = arith.constant 2 : i32
    %add3A_1 = arith.addi %mul3A_0, %add3A : i32
    %c0_i32 = arith.constant 0 : i32
    %c0_i32_2 = arith.constant 0 : i32
    return %add3A_1, %c0_i32 : i32, i32
  }
  func.func @transform_9(%arg0: i32) -> (i32, i32, i32) {
    %add3A = arith.constant 4 : i32
    %add3A_0 = arith.addi %arg0, %add3A : i32
    %c0_i32 = arith.constant 0 : i32
    %c0_i32_1 = arith.constant 0 : i32
    %c0_i32_2 = arith.constant 0 : i32
    return %c0_i32, %add3A_0, %c0_i32_1 : i32, i32, i32
  }
  func.func @transform_10(%arg0: i32) -> (i32, i32, i32) {
    %add3A = arith.constant 4 : i32
    %add3A_0 = arith.addi %arg0, %add3A : i32
    %c0_i32 = arith.constant 0 : i32
    %c0_i32_1 = arith.constant 0 : i32
    %c0_i32_2 = arith.constant 0 : i32
    return %c0_i32, %c0_i32_1, %add3A_0 : i32, i32, i32
  }
}

</mosaic_0001>

<sc_bundles>
// kernel: kernel.6.cloned.1.call-start
scs
__scs_entry_jumppad:
0x0: {  	(pc) =	sbr.rel $0x88, $3  }
0x1: {  	(tag) =	ssettag $0x0;
	lr =	simm.s32 $0x1  }
0x2: {  	[smem:$0x3F9D] =	sst lr;
	_ =	strace $0xD0000000  }
0x3: {  	_ = 	snop  }
0x4: {  	_ = 	snop  }
0x5: {  	_ = 	snop  }
0x6: {  	_ = 	snop  }
0x7: {  	_ = 	snop  }
__scs_overlays_trampoline_lowered:
0x8: {  	[smem:$0x3FAC] =	sst s0  }
0x9: {  	[smem:$0x3FAD] =	sst s1  }
0xa: {  	[smem:$0x3FAE] =	sst s2  }
0xb: {  	[smem:$0x3FAF] =	sst s3  }
0xc: {  	[smem:$0x3FB0] =	sst s4  }
0xd: {  	[smem:$0x3FB1] =	sst s5  }
0xe: {  	[smem:$0x3FB2] =	sst s6  }
0xf: {  	[smem:$0x3FB3] =	sst s7  }
0x10: {  	[smem:$0x3FB4] =	sst s8  }
0x11: {  	[smem:$0x3FB5] =	sst s9;
	s0 =	simm.s32 @!p0 $0x0  }
0x12: {  	s1 =	sld [smem:$0x3F9B];
	s0 =	simm.s32 @p0 $0x1  }
0x13: {  	[smem:$0x3FB6] =	sst s0;
	s0 =	simm.s32 @!p1 $0x0  }
0x14: {  	s2 =	sld [smem:$0x3F9A];
	s0 =	simm.s32 @p1 $0x1  }
0x15: {  	[smem:$0x3FB7] =	sst s0;
	s0 =	simm.s32 @!p2 $0x0  }
0x16: {  	s3 =	sld [smem:$0x3FDB];
	s0 =	simm.s32 @p2 $0x1  }
0x17: {  	s4 =	simm.s32 $0x1BF5;
	[smem:$0x3FB9] =	sst s0  }
0x18: {  	s0 =	sld [smem:$0x3F9C];
	_ =	swait.ge [sflag:s4], $0x0  }
0x19: {  	s7 =	sld [smem:$0x3F9D]  }
0x1a: {  	s8 =	sadd.s32 $0xFFFFE003, lr  }
0x1b: {  	s9 =	sadd.s32 $0xFFFFFEF7, lr;
	s5 =	simm.s32 $0xFFFFFFFF;
	p2 =	slt.u32 s8, $0xFFFFF086  }
0x1c: {  	p1 =	slt.u32 s9, $0xF7A;
	s5 =	simm.s32 @!p2 $0x0  }
0x1d: {  	s5 =	simm.s32 @p1 $0x1;
	p0 =	seq.s32 s7, s2  }
0x1e: {  	s7 =	smul.u32 @!p0 $0xF7A, s2;
	p2 =	seq.s32 @!p0 s5, $0x0  }
0x1f: {  	s9 =	smul.u32 $0xF7A, s1;
	s8 =	simm.s32 @!p0 $0x1BF5;
	p2 =	por !p2, p0  }
0x20: {  	[sflag:s8] =	ssyncset.s32 @!p0 $0xFFFFF086;
	s6 =	sadd.s32 @!p0 s3, s7;
	s7 =	simm.s32 @!p0 $0x108  }
0x21: {  	s3 =	sadd.s32 s3, s9;
	s6 =	sadd.s32 @!p0 $0x88, s6;
	s7 =	simm.s32 @p2 $0x1082  }
0x22: {  	[simem:s7], [sflag:s8] =	dma.local @!p0 [hbm:s6], $0xF7A  }
0x23: {  	s9 =	sor.u32 $0xD0000000, s2;
	s6 =	simm.s32 $0x108;
	_ =	swait.ge @!p0 [sflag:s8], $0x0  }
0x24: {  	s3 =	sadd.s32 $0x88, s3;
	s6 =	simm.s32 @!p1 $0x1082;
	[sflag:s4] =	ssyncset.s32 $0xFFFFF086  }
0x25: {  	[simem:s6], [sflag:s4] =	dma.local [hbm:s3], $0xF7A  }
0x26: {  	[smem:$0x3F9D] =	sst s1;
	(tag) =	ssettag s2;
	_ =	strace s9  }
0x27: {  	s1 =	sld [smem:$0x3FAD]  }
0x28: {  	s2 =	sld [smem:$0x3FAE]  }
0x29: {  	s4 =	sld [smem:$0x3FB0]  }
0x2a: {  	p0 =	seq.s32 s5, $0x0;
	s5 =	sld [smem:$0x3FB1]  }
0x2b: {  	s6 =	sld [smem:$0x3FB2]  }
0x2c: {  	s7 =	sld [smem:$0x3FB3]  }
0x2d: {  	s3 =	simm.s32 $0x108;
	s8 =	sld [smem:$0x3FB4]  }
0x2e: {  	s3 =	simm.s32 @!p0 $0x1082;
	s9 =	sld [smem:$0x3FB5]  }
0x2f: {  	lr =	sadd.s32 s0, s3;
	s0 =	sld [smem:$0x3FAC]  }
0x30: {  	s3 =	sld [smem:$0x3FAF]  }
0x31: {  	[smem:$0x3FB8] =	sst s10  }
0x32: {  	s10 =	sld [smem:$0x3FB6];
	_ =	sdelay $0x3  }
0x33: {  	p0 =	seq.s32 s10, $0x1;
	s10 =	sld [smem:$0x3FB8];
	_ =	sdelay $0x3  }
0x34: {  	[smem:$0x3FB8] =	sst s10  }
0x35: {  	s10 =	sld [smem:$0x3FB7];
	_ =	sdelay $0x3  }
0x36: {  	p1 =	seq.s32 s10, $0x1;
	s10 =	sld [smem:$0x3FB8];
	_ =	sdelay $0x3  }
0x37: {  	[smem:$0x3FB8] =	sst s10  }
0x38: {  	s10 =	sld [smem:$0x3FB9]  }
0x39: {  	_ = 	snop;
	(pc) =	sbr.ind lr, $3  }
0x3a: {  	_ = 	snop  }
0x3b: {  	_ = 	snop  }
0x3c: {  	p2 =	seq.s32 s10, $0x1;
	s10 =	sld [smem:$0x3FB8]  }
0x3d: {  	_ =	shalt  }
0x3e: {  	_ =	shalt  }
0x3f: {  	_ =	shalt  }
0x40: {  	_ =	shalt  }
0x41: {  	_ =	shalt  }
0x42: {  	_ =	shalt  }
0x43: {  	_ =	shalt  }
0x44: {  	_ =	shalt  }
0x45: {  	_ =	shalt  }
0x46: {  	_ =	shalt  }
0x47: {  	_ =	shalt  }
0x48: {  	_ =	shalt  }
0x49: {  	_ =	shalt  }
0x4a: {  	_ =	shalt  }
0x4b: {  	_ =	shalt  }
0x4c: {  	_ =	shalt  }
0x4d: {  	_ =	shalt  }
0x4e: {  	_ =	shalt  }
0x4f: {  	_ =	shalt  }
0x50: {  	_ =	shalt  }
0x51: {  	_ =	shalt  }
0x52: {  	_ =	shalt  }
0x53: {  	_ =	shalt  }
0x54: {  	_ =	shalt  }
0x55: {  	_ =	shalt  }
0x56: {  	_ =	shalt  }
0x57: {  	_ =	shalt  }
0x58: {  	_ =	shalt  }
0x59: {  	_ =	shalt  }
0x5a: {  	_ =	shalt  }
0x5b: {  	_ =	shalt  }
0x5c: {  	_ =	shalt  }
0x5d: {  	_ =	shalt  }
0x5e: {  	_ =	shalt  }
0x5f: {  	_ =	shalt  }
0x60: {  	_ =	shalt  }
0x61: {  	_ =	shalt  }
0x62: {  	_ =	shalt  }
0x63: {  	_ =	shalt  }
0x64: {  	_ =	shalt  }
0x65: {  	_ =	shalt  }
0x66: {  	_ =	shalt  }
0x67: {  	_ =	shalt  }
0x68: {  	_ =	shalt  }
0x69: {  	_ =	shalt  }
0x6a: {  	_ =	shalt  }
0x6b: {  	_ =	shalt  }
0x6c: {  	_ =	shalt  }
0x6d: {  	_ =	shalt  }
0x6e: {  	_ =	shalt  }
0x6f: {  	_ =	shalt  }
0x70: {  	_ =	shalt  }
0x71: {  	_ =	shalt  }
0x72: {  	_ =	shalt  }
0x73: {  	_ =	shalt  }
0x74: {  	_ =	shalt  }
0x75: {  	_ =	shalt  }
0x76: {  	_ =	shalt  }
0x77: {  	_ =	shalt  }
0x78: {  	_ =	shalt  }
0x79: {  	_ =	shalt  }
0x7a: {  	_ =	shalt  }
0x7b: {  	_ =	shalt  }
0x7c: {  	_ =	shalt  }
0x7d: {  	_ =	shalt  }
0x7e: {  	_ =	shalt  }
0x7f: {  	_ =	shalt  }
0x80: {  	_ =	shalt  }
0x81: {  	_ =	shalt  }
0x82: {  	_ =	shalt  }
0x83: {  	_ =	shalt  }
0x84: {  	_ =	shalt  }
0x85: {  	_ =	shalt  }
0x86: {  	_ =	shalt  }
0x87: {  	_ =	shalt  }
.Lfunc_end0:
.L_simem_size_0:
called_computation_lowered:
.L_overlay_start_0:
0x88: {  	s2 =	sld [smem:$0x3FD9]  }
0x89: {  	s3 =	sld [smem:$0x3FFE];
	_ =	sdelay $0x1  }
0x8a: {  	s1 =	srdreg.scid  }
0x8b: {  	s0 =	sand.u32 $0x1, s1  }
0x8c: {  	s17 =	sshll.u32 s0, $0xA;
	s2 =	sadd.s32 s3, s2  }
0x8d: {  	s2 =	sadd.s32 s2, s17  }
0x8e: {  	[smem:$0x3FC4] =	sst s2  }
0x8f: {  	_ = 	snop  }
0x90: {  	s2 =	sld [smem:$0x3FC7]  }
0x91: {  	s18 =	sld [smem:$0x3FC6];
	(tm) =	ssettm $0x1  }
0x92: {  	s4 =	sld [smem:$0x3FFB];
	_ =	sdelay $0x3  }
0x93: {  	_ =	strace s4  }
0x94: {  	s4 =	sld [smem:$0x3FFC];
	_ =	sdelay $0x3  }
0x95: {  	_ =	strace s4  }
0x96: {  	s4 =	sld [smem:$0x3FFD];
	_ =	sdelay $0x3  }
0x97: {  	_ =	strace s4  }
0x98: {  	_ =	strace $0x8FFFFFFF  }
0x99: {  	s19 =	sld [smem:$0x3FDB];
	_ =	sdelay $0x1  }
0x9a: {  	s5 =	simm.s32 $_scs_section_size  }
0x9b: {  	s6 =	simm.s32 $_size__tile_overlayer_lowered;
	s7 =	simm.s32 $_tile_overlayer_lowered  }
0x9c: {  	s22 =	simm.s32 $0x1BFF;
	s21 =	sshll.u32 s7, $0x1;
	s4 =	sadd.s32 s5, s19  }
0x9d: {  	s8 =	simm.s32 $0x0;
	s20 =	sshll.u32 s6, $0x1;
	s6 =	sadd.s32 s21, s4  }
0x9e: {  	[timem:s8], [sflag:s22] =	dma.local [hbm:s6], s20  }
0x9f: {  	_ =	swait.ge [sflag:s22], s20  }
0xa0: {  	s5 =	ssub.s32 $0x0, s20;
	[sflag:s22] =	ssyncset.done $0x0  }
0xa1: {  	[sflag:s22] =	ssyncadd.s32 s5;
	_ =	sdelay $0x1  }
0xa2: {  	s23 =	simm.s32 $0x1B8B  }
0xa3: {  	_ =	swait.ge [sflag:s23], $0x1  }
0xa4: {  	[sflag:s23] =	ssyncset.done $0x0  }
0xa5: {  	s25 =	simm.s32 $0x1B8E;
	s24 =	sld [smem:$0x3FFE];
	[sflag:s23] =	ssyncadd.s32 $0xFFFFFFFF  }
0xa6: {  	s26 =	simm.s32 $execute0_lowered;
	[smem:$0x3FD2] =	sst s25  }
0xa7: {  	s6 =	sshll.u32 s26, $0x1;
	_ =	strace $0x80000046;
	[dreg:$0x1] =	wrdreg $0xFFFFFFFF  }
0xa8: {  	s28 =	simm.s32 $_size_execute0_lowered;
	s4 =	sadd.s32 s4, s6;
	[dreg:$0x0] =	wrdreg $0x0  }
0xa9: {  	s6 =	sshll.u32 s28, $0x1;
	[dreg:$0x2] =	wrdreg s4  }
0xaa: {  	[dreg:$0x3] =	wrdreg s6  }
0xab: {  	[dreg:$0x4] =	wrdreg $0xC0  }
0xac: {  	_ =	task [dreg:s8], $0x5FFFF  }
0xad: {  	[dreg:$0x1] =	wrdreg $0xFFFFFFFF  }
0xae: {  	[dreg:$0x0] =	wrdreg $0x60  }
0xaf: {  	[dreg:$0x2] =	wrdreg s2  }
0xb0: {  	[dreg:$0x3] =	wrdreg s18  }
0xb1: {  	[dreg:$0x4] =	wrdreg s24  }
0xb2: {  	[dreg:$0x5] =	wrdreg $0x9  }
0xb3: {  	_ =	task.clear_ibuf [dreg:s8], $0x6FFFF;
	_ =	strace $0x90000046  }
0xb4: {  	s29 =	simm.s32 $0x9;
	_ =	strace $0x80000048  }
0xb5: {  	_ =	swait.ge [sflag:s29], $0x1  }
0xb6: {  	[sflag:s29] =	ssyncadd.s32 $0xFFFFFFFF  }
0xb7: {  	_ =	strace $0x90000048  }
0xb8: {  	_ =	sfence  }
0xb9: {  	s30 =	sld [smem:$0x0];
	_ =	sdelay $0x2  }
0xba: {  	s31 =	sshll.u32 s1, $0xD;
	s1 =	sshrl.u32 s1, $0x2  }
0xbb: {  	s3 =	sand.u32 $0x4000, s31;
	s1 =	sadd.s32 s1, s30  }
0xbc: {  	s0 =	sor.u32 s3, s0;
	s1 =	sshll.u32 s1, $0x11  }
0xbd: {  	s0 =	sor.u32 s1, s0  }
0xbe: {  	s0 =	sadd.s32 $0x8F2B, s0  }
0xbf: {  	[sflag:s0] =	ssyncadd.remote.s32 $0x1  }
0xc0: {  	_ =	sfence.sel $0xFFFF  }
0xc1: {  	[dreg:$0x0] =	wrdreg $0xFFFFFFFF;
	(pc) =	sbr.abs _section_cstart, $3  }
0xc2: {  	[dreg:$0x1] =	wrdreg $0xFFFFFFFF  }
0xc3: {  	_ =	task.clear_ibuf [dreg:s8], $0x2FFFF;
	_ =	strace $0x9FFFFFFF  }
0xc4: {  	(tm) =	ssettm $0x7FFFFFFF  }
0xc5: {  	_ =	shalt  }
tec
execute0_lowered:
.L_overlay_start_1:
0x0: {  	(tag) =	ssettag $0x1  }
0x1: {  	s1 =	rddreg [dreg:$0x0]  }
0x2: {  	s0 =	srdreg.scid;
	s3 =	rddreg [dreg:$0x1]  }
0x3: {  	s2 =	stileid.u32;
	s5 =	rddreg [dreg:$0x2]  }
0x4: {  	s4 =	simm.s32 $0x0;
	s23 =	simm.s32 $0x6880;
	s24 =	simm.s32 $0x7080  }
0x5: {  	s25 =	simm.s32 $0x8080;
	s26 =	simm.s32 $0x8880;
	s28 =	simm.s32 $0x3  }
0x6: {  	s29 =	simm.s32 $0x7;
	s30 =	simm.s32 $0x4;
	[smem:$0x7FF] =	sst s4  }
0x7: {  	s31 =	simm.s32 $0x8;
	_ =	strace $0x80000047;
	[dreg:$0xf] =	wrdreg s23  }
0x8: {  	s0 =	sand.u32 $0x1, s0;
	s2 =	sshll.u32 s2, $0x1;
	[dreg:$0x10] =	wrdreg s24  }
0x9: {  	s8 =	sadd.s32 $0x2000, s5;
	s10 =	sadd.s32 $0x20000, s5;
	[dreg:$0x11] =	wrdreg s25  }
0xa: {  	s2 =	sor.u32 s0, s2;
	s0 =	ssub.s32 $0x2, s0;
	[dreg:$0x12] =	wrdreg s26  }
0xb: {  	s25 =	simm.s32 $0x2;
	s2 =	smul.u32 $0x28, s2;
	s17 =	sshrl.u32 s0, $0x1  }
0xc: {  	s24 =	simm.s32 $0x2080;
	s26 =	simm.s32 $0x2880;
	s0 =	ssub.s32 s0, s17  }
0xd: {  	s17 =	simm.s32 $0x1880;
	s6 =	sshrl.u32 s2, $0x3;
	s9 =	sadd.s32 $0x8, s2  }
0xe: {  	s2 =	sadd.s32 $0x18, s2;
	s7 =	sadd.s32 s6, s5;
	s6 =	smul.u32 $0x300, s6  }
0xf: {  	s9 =	sshrl.u32 s9, $0x3;
	s2 =	sshrl.u32 s2, $0x3;
	s7 =	sadd.s32 $0x1E00, s7  }
0x10: {  	s5 =	sadd.s32 $0x100, s1;
	s2 =	smul.u32 $0x300, s2;
	[dreg:$0x4] =	wrdreg s7  }
0x11: {  	s11 =	sadd.s32 s8, s6;
	s7 =	smul.u32 $0x300, s9;
	s12 =	sadd.s32 s10, s6  }
0x12: {  	s15 =	sadd.s32 $0x600, s6;
	s20 =	sadd.s32 $0xC00, s6;
	s6 =	sadd.s32 $0x200, s1  }
0x13: {  	s9 =	smax.u32 s0, $0x1;
	s0 =	simm.s32 $0x9;
	[dreg:$0x5] =	wrdreg s11  }
0x14: {  	[dreg:$0x6] =	wrdreg s12;
	s16 =	sadd.s32 s8, s15;
	s18 =	sadd.s32 s10, s15  }
0x15: {  	s19 =	sadd.s32 s8, s2;
	s2 =	sadd.s32 s10, s2;
	[dreg:$0x9] =	wrdreg s16  }
0x16: {  	s21 =	sadd.s32 s8, s20;
	s22 =	sadd.s32 s10, s20;
	[dreg:$0xa] =	wrdreg s18  }
0x17: {  	s12 =	simm.s32 $0x1;
	s20 =	simm.s32 $0x3080;
	[dreg:$0xb] =	wrdreg s19  }
0x18: {  	s15 =	simm.s32 $0x5880;
	s13 =	sadd.s32 s8, s7;
	[dreg:$0xc] =	wrdreg s2  }
0x19: {  	s14 =	sadd.s32 s10, s7;
	[dreg:$0xd] =	wrdreg s21;
	s7 =	sadd.s32 $0x100, s3  }
0x1a: {  	v0 =	vlaneseq.u32;
	s8 =	sadd.s32 $0x200, s3;
	[dreg:$0xe] =	wrdreg s22;
	s21 =	simm.s32 $0x880  }
0x1b: {  	v1 =	vshrl.u32 v0, $0x3;
	s22 =	simm.s32 $0x1080;
	s16 =	simm.s32 $0x6080;
	[dreg:$0x7] =	wrdreg s13  }
0x1c: {  	vm0 =	vmmov $0xffff;
	v0 =	vand.u32 $0x7, v0;
	v1 =	vmul.u32 $0x8, v1;
	[dreg:$0x8] =	wrdreg s14;
	s13 =	simm.s32 $0xA;
	s14 =	simm.s32 $0x80  }
.LBB2_1:
0x1d: {  	s18 =	rddreg [dreg:$0x4];
	s10 =	simm.s32 $0xD  }
0x1e: {  	[tilespmem:s4], [sflag:$0xD] =	stream.linear.gather [hbm4b:s18+s4], $0x28, $0x38;
	[tilespmem:$0x9080] =	vst v63  }
0x1f: {  	_ =	swait.ge [sflag:s10], $0x28  }
0x20: {  	[sflag:s10] =	ssyncset.done $0x0  }
0x21: {  	[sflag:s10] =	ssyncadd.s32 $0xFFFFFFD8  }
0x22: {  	v2 =	vld.msk [tilespmem:$0x0], $0xff;
	_ =	sdelay $0x4  }
0x23: {  	v3 =	vshrl.u32 v2, $0x3  }
0x24: {  	v3 =	vmul.u32 $0x30, v3  }
0x25: {  	v2 =	vand.u32 $0x7, v2  }
0x26: {  	v2 =	vor.u32 v2, v3  }
0x27: {  	v2 =	vperm.xlane v2, v0;
	_ =	sdelay $0x1  }
0x28: {  	v2 =	vadd.s32 v1, v2;
	_ =	sdelay $0x3  }
0x29: {  	s3 =	rddreg [dreg:$0x0]  }
0x2a: {  	[tilespmem:s14], [sflag:$0x1] =	stream.indirect_vreg.gather [hbm4b:s3+s4], $0x80, v2, vm0, $0xb8;
	[tilespmem:$0x9080] =	vst v63  }
0x2b: {  	_ = 	snop  }
0x2c: {  	[tilespmem:s21], [sflag:$0x1] =	stream.indirect_vreg.gather [hbm4b:s5+s4], $0x80, v2, vm0, $0xb8;
	[tilespmem:$0x9080] =	vst v63  }
0x2d: {  	_ = 	snop  }
0x2e: {  	[tilespmem:s22], [sflag:$0x1] =	stream.indirect_vreg.gather [hbm4b:s6+s4], $0x80, v2, vm0, $0xb8;
	[tilespmem:$0x9080] =	vst v63  }
0x2f: {  	v2 =	vld.msk [tilespmem:$0x0], $0xff;
	_ =	sdelay $0x4  }
0x30: {  	v3 =	vshrl.u32 v2, $0x3  }
0x31: {  	v3 =	vmul.u32 $0x30, v3  }
0x32: {  	v2 =	vand.u32 $0x7, v2  }
0x33: {  	v2 =	vor.u32 v2, v3  }
0x34: {  	v2 =	vperm.xlane v2, v0;
	_ =	sdelay $0x1  }
0x35: {  	v2 =	vadd.s32 v1, v2;
	_ =	sdelay $0x3  }
0x36: {  	s23 =	rddreg [dreg:$0x1]  }
0x37: {  	[tilespmem:s17], [sflag:$0x2] =	stream.indirect_vreg.gather [hbm4b:s23+s4], $0x80, v2, vm0, $0xb8;
	[tilespmem:$0x9080] =	vst v63  }
0x38: {  	_ = 	snop  }
0x39: {  	[tilespmem:s24], [sflag:$0x2] =	stream.indirect_vreg.gather [hbm4b:s7+s4], $0x80, v2, vm0, $0xb8;
	[tilespmem:$0x9080] =	vst v63  }
0x3a: {  	_ = 	snop  }
0x3b: {  	[tilespmem:s26], [sflag:$0x2] =	stream.indirect_vreg.gather [hbm4b:s8+s4], $0x80, v2, vm0, $0xb8;
	[tilespmem:$0x9080] =	vst v63  }
0x3c: {  	v2 =	vld.msk [tilespmem:$0x8], $0xff;
	_ =	sdelay $0x4  }
0x3d: {  	v3 =	vshrl.u32 v2, $0x3  }
0x3e: {  	v3 =	vmul.u32 $0x30, v3  }
0x3f: {  	v2 =	vand.u32 $0x7, v2  }
0x40: {  	v2 =	vor.u32 v2, v3  }
0x41: {  	v2 =	vperm.xlane v2, v0;
	_ =	sdelay $0x1  }
0x42: {  	v2 =	vadd.s32 v1, v2;
	_ =	sdelay $0x4  }
0x43: {  	[tilespmem:s20], [sflag:$0x3] =	stream.indirect_vreg.gather [hbm4b:s3+s4], $0x80, v2, vm0, $0xb8;
	[tilespmem:$0x9080] =	vst v63  }
0x44: {  	s10 =	simm.s32 $0x3880  }
0x45: {  	[tilespmem:s10], [sflag:$0x3] =	stream.indirect_vreg.gather [hbm4b:s5+s4], $0x80, v2, vm0, $0xb8;
	[tilespmem:$0x9080] =	vst v63  }
0x46: {  	s2 =	simm.s32 $0x4080  }
0x47: {  	[tilespmem:s2], [sflag:$0x3] =	stream.indirect_vreg.gather [hbm4b:s6+s4], $0x80, v2, vm0, $0xb8;
	[tilespmem:$0x9080] =	vst v63  }
0x48: {  	v2 =	vld.msk [tilespmem:$0x8], $0xff;
	_ =	sdelay $0x4  }
0x49: {  	v3 =	vshrl.u32 v2, $0x3  }
0x4a: {  	v3 =	vmul.u32 $0x30, v3  }
0x4b: {  	v2 =	vand.u32 $0x7, v2  }
0x4c: {  	v2 =	vor.u32 v2, v3  }
0x4d: {  	v2 =	vperm.xlane v2, v0;
	_ =	sdelay $0x1  }
0x4e: {  	v2 =	vadd.s32 v1, v2;
	_ =	sdelay $0x3  }
0x4f: {  	s1 =	simm.s32 $0x4880  }
0x50: {  	[tilespmem:s1], [sflag:$0x4] =	stream.indirect_vreg.gather [hbm4b:s23+s4], $0x80, v2, vm0, $0xb8;
	[tilespmem:$0x9080] =	vst v63  }
0x51: {  	s11 =	simm.s32 $0x5080  }
0x52: {  	[tilespmem:s11], [sflag:$0x4] =	stream.indirect_vreg.gather [hbm4b:s7+s4], $0x80, v2, vm0, $0xb8;
	[tilespmem:$0x9080] =	vst v63  }
0x53: {  	_ = 	snop  }
0x54: {  	[tilespmem:s15], [sflag:$0x4] =	stream.indirect_vreg.gather [hbm4b:s8+s4], $0x80, v2, vm0, $0xb8;
	[tilespmem:$0x9080] =	vst v63  }
0x55: {  	_ =	swait.ge [sflag:s12], $0x1800  }
0x56: {  	[sflag:s12] =	ssyncset.done $0x0  }
0x57: {  	s19 =	rddreg [dreg:$0x5];
	[sflag:s12] =	ssyncadd.s32 $0xFFFFE800  }
0x58: {  	[hbm4b:s19+s4] =	stream.linear.scatter [tilespmem:s14], [sflag:$0x7], $0x1800, $0x38;
	[tilespmem:$0x9080] =	vst v63  }
0x59: {  	v2 =	vld.msk [tilespmem:$0x10], $0xff;
	_ =	sdelay $0x4  }
0x5a: {  	v3 =	vshrl.u32 v2, $0x3  }
0x5b: {  	v3 =	vmul.u32 $0x30, v3  }
0x5c: {  	v2 =	vand.u32 $0x7, v2  }
0x5d: {  	v2 =	vor.u32 v2, v3  }
0x5e: {  	v2 =	vperm.xlane v2, v0;
	_ =	sdelay $0x1  }
0x5f: {  	v2 =	vadd.s32 v1, v2;
	_ =	sdelay $0x4  }
0x60: {  	[tilespmem:s16], [sflag:$0x5] =	stream.indirect_vreg.gather [hbm4b:s3+s4], $0x80, v2, vm0, $0xb8;
	[tilespmem:$0x9080] =	vst v63  }
0x61: {  	s11 =	rddreg [dreg:$0xf]  }
0x62: {  	[tilespmem:s11], [sflag:$0x5] =	stream.indirect_vreg.gather [hbm4b:s5+s4], $0x80, v2, vm0, $0xb8;
	[tilespmem:$0x9080] =	vst v63  }
0x63: {  	s19 =	rddreg [dreg:$0x10]  }
0x64: {  	[tilespmem:s19], [sflag:$0x5] =	stream.indirect_vreg.gather [hbm4b:s6+s4], $0x80, v2, vm0, $0xb8;
	[tilespmem:$0x9080] =	vst v63  }
0x65: {  	_ =	swait.ge [sflag:s25], $0x1800  }
0x66: {  	[sflag:s25] =	ssyncset.done $0x0  }
0x67: {  	s11 =	rddreg [dreg:$0x6];
	[sflag:s25] =	ssyncadd.s32 $0xFFFFE800  }
0x68: {  	[hbm4b:s11+s4] =	stream.linear.scatter [tilespmem:s17], [sflag:$0x8], $0x1800, $0x38;
	[tilespmem:$0x9080] =	vst v63  }
0x69: {  	v2 =	vld.msk [tilespmem:$0x10], $0xff;
	_ =	sdelay $0x4  }
0x6a: {  	v3 =	vshrl.u32 v2, $0x3  }
0x6b: {  	v3 =	vmul.u32 $0x30, v3  }
0x6c: {  	v2 =	vand.u32 $0x7, v2  }
0x6d: {  	v2 =	vor.u32 v2, v3  }
0x6e: {  	v2 =	vperm.xlane v2, v0;
	_ =	sdelay $0x1  }
0x6f: {  	v2 =	vadd.s32 v1, v2;
	_ =	sdelay $0x3  }
0x70: {  	s11 =	simm.s32 $0x7880  }
0x71: {  	[tilespmem:s11], [sflag:$0x6] =	stream.indirect_vreg.gather [hbm4b:s23+s4], $0x80, v2, vm0, $0xb8;
	[tilespmem:$0x9080] =	vst v63  }
0x72: {  	s18 =	rddreg [dreg:$0x11]  }
0x73: {  	[tilespmem:s18], [sflag:$0x6] =	stream.indirect_vreg.gather [hbm4b:s7+s4], $0x80, v2, vm0, $0xb8;
	[tilespmem:$0x9080] =	vst v63  }
0x74: {  	s19 =	rddreg [dreg:$0x12]  }
0x75: {  	[tilespmem:s19], [sflag:$0x6] =	stream.indirect_vreg.gather [hbm4b:s8+s4], $0x80, v2, vm0, $0xb8;
	[tilespmem:$0x9080] =	vst v63  }
0x76: {  	_ =	swait.ge [sflag:s28], $0x1800  }
0x77: {  	[sflag:s28] =	ssyncset.done $0x0  }
0x78: {  	s19 =	rddreg [dreg:$0x7];
	[sflag:s28] =	ssyncadd.s32 $0xFFFFE800  }
0x79: {  	[hbm4b:s19+s4] =	stream.linear.scatter [tilespmem:s20], [sflag:$0x9], $0x1800, $0x38;
	[tilespmem:$0x9080] =	vst v63  }
0x7a: {  	_ =	swait.ge [sflag:s29], $0x1800  }
0x7b: {  	[sflag:s29] =	ssyncset.done $0x0  }
0x7c: {  	[sflag:s29] =	ssyncadd.s32 $0xFFFFE800  }
0x7d: {  	v2 =	vld.msk [tilespmem:$0x18], $0xff;
	_ =	sdelay $0x4  }
0x7e: {  	v3 =	vshrl.u32 v2, $0x3  }
0x7f: {  	v3 =	vmul.u32 $0x30, v3  }
0x80: {  	v2 =	vand.u32 $0x7, v2  }
0x81: {  	v2 =	vor.u32 v2, v3  }
0x82: {  	v2 =	vperm.xlane v2, v0;
	_ =	sdelay $0x1  }
0x83: {  	v2 =	vadd.s32 v1, v2;
	_ =	sdelay $0x4  }
0x84: {  	[tilespmem:s14], [sflag:$0x1] =	stream.indirect_vreg.gather [hbm4b:s3+s4], $0x80, v2, vm0, $0xb8;
	[tilespmem:$0x9080] =	vst v63  }
0x85: {  	_ = 	snop  }
0x86: {  	[tilespmem:s21], [sflag:$0x1] =	stream.indirect_vreg.gather [hbm4b:s5+s4], $0x80, v2, vm0, $0xb8;
	[tilespmem:$0x9080] =	vst v63  }
0x87: {  	_ = 	snop  }
0x88: {  	[tilespmem:s22], [sflag:$0x1] =	stream.indirect_vreg.gather [hbm4b:s6+s4], $0x80, v2, vm0, $0xb8;
	[tilespmem:$0x9080] =	vst v63  }
0x89: {  	_ =	swait.ge [sflag:s30], $0x1800  }
0x8a: {  	[sflag:s30] =	ssyncset.done $0x0  }
0x8b: {  	s19 =	rddreg [dreg:$0x8];
	[sflag:s30] =	ssyncadd.s32 $0xFFFFE800  }
0x8c: {  	[hbm4b:s19+s4] =	stream.linear.scatter [tilespmem:s1], [sflag:$0xA], $0x1800, $0x38;
	[tilespmem:$0x9080] =	vst v63  }
0x8d: {  	_ =	swait.ge [sflag:s31], $0x1800  }
0x8e: {  	[sflag:s31] =	ssyncset.done $0x0  }
0x8f: {  	[sflag:s31] =	ssyncadd.s32 $0xFFFFE800  }
0x90: {  	v2 =	vld.msk [tilespmem:$0x18], $0xff;
	_ =	sdelay $0x4  }
0x91: {  	v3 =	vshrl.u32 v2, $0x3  }
0x92: {  	v3 =	vmul.u32 $0x30, v3  }
0x93: {  	v2 =	vand.u32 $0x7, v2  }
0x94: {  	v2 =	vor.u32 v2, v3  }
0x95: {  	v2 =	vperm.xlane v2, v0;
	_ =	sdelay $0x1  }
0x96: {  	v2 =	vadd.s32 v1, v2;
	_ =	sdelay $0x4  }
0x97: {  	[tilespmem:s17], [sflag:$0x2] =	stream.indirect_vreg.gather [hbm4b:s23+s4], $0x80, v2, vm0, $0xb8;
	[tilespmem:$0x9080] =	vst v63  }
0x98: {  	_ = 	snop  }
0x99: {  	[tilespmem:s24], [sflag:$0x2] =	stream.indirect_vreg.gather [hbm4b:s7+s4], $0x80, v2, vm0, $0xb8;
	[tilespmem:$0x9080] =	vst v63  }
0x9a: {  	s19 =	simm.s32 $0x5  }
0x9b: {  	[tilespmem:s26], [sflag:$0x2] =	stream.indirect_vreg.gather [hbm4b:s8+s4], $0x80, v2, vm0, $0xb8;
	[tilespmem:$0x9080] =	vst v63  }
0x9c: {  	_ =	swait.ge [sflag:s19], $0x1800  }
0x9d: {  	[sflag:s19] =	ssyncset.done $0x0  }
0x9e: {  	s18 =	rddreg [dreg:$0x9];
	[sflag:s19] =	ssyncadd.s32 $0xFFFFE800  }
0x9f: {  	[hbm4b:s18+s4] =	stream.linear.scatter [tilespmem:s16], [sflag:$0xB], $0x1800, $0x38;
	[tilespmem:$0x9080] =	vst v63  }
0xa0: {  	_ =	swait.ge [sflag:s0], $0x1800  }
0xa1: {  	[sflag:s0] =	ssyncset.done $0x0  }
0xa2: {  	[sflag:s0] =	ssyncadd.s32 $0xFFFFE800  }
0xa3: {  	v2 =	vld.msk [tilespmem:$0x20], $0xff;
	_ =	sdelay $0x4  }
0xa4: {  	v3 =	vshrl.u32 v2, $0x3  }
0xa5: {  	v3 =	vmul.u32 $0x30, v3  }
0xa6: {  	v2 =	vand.u32 $0x7, v2  }
0xa7: {  	v2 =	vor.u32 v2, v3  }
0xa8: {  	v2 =	vperm.xlane v2, v0;
	_ =	sdelay $0x1  }
0xa9: {  	v2 =	vadd.s32 v1, v2;
	_ =	sdelay $0x4  }
0xaa: {  	[tilespmem:s20], [sflag:$0x3] =	stream.indirect_vreg.gather [hbm4b:s3+s4], $0x80, v2, vm0, $0xb8;
	[tilespmem:$0x9080] =	vst v63  }
0xab: {  	_ = 	snop  }
0xac: {  	[tilespmem:s10], [sflag:$0x3] =	stream.indirect_vreg.gather [hbm4b:s5+s4], $0x80, v2, vm0, $0xb8;
	[tilespmem:$0x9080] =	vst v63  }
0xad: {  	s18 =	simm.s32 $0x6  }
0xae: {  	[tilespmem:s2], [sflag:$0x3] =	stream.indirect_vreg.gather [hbm4b:s6+s4], $0x80, v2, vm0, $0xb8;
	[tilespmem:$0x9080] =	vst v63  }
0xaf: {  	_ =	swait.ge [sflag:s18], $0x1800  }
0xb0: {  	[sflag:s18] =	ssyncset.done $0x0  }
0xb1: {  	s19 =	rddreg [dreg:$0xa];
	[sflag:s18] =	ssyncadd.s32 $0xFFFFE800  }
0xb2: {  	[hbm4b:s19+s4] =	stream.linear.scatter [tilespmem:s11], [sflag:$0xC], $0x1800, $0x38;
	[tilespmem:$0x9080] =	vst v63  }
0xb3: {  	_ =	swait.ge [sflag:s13], $0x1800  }
0xb4: {  	[sflag:s13] =	ssyncset.done $0x0  }
0xb5: {  	[sflag:s13] =	ssyncadd.s32 $0xFFFFE800  }
0xb6: {  	v2 =	vld.msk [tilespmem:$0x20], $0xff;
	_ =	sdelay $0x4  }
0xb7: {  	v3 =	vshrl.u32 v2, $0x3  }
0xb8: {  	v3 =	vmul.u32 $0x30, v3  }
0xb9: {  	v2 =	vand.u32 $0x7, v2  }
0xba: {  	v2 =	vor.u32 v2, v3  }
0xbb: {  	v2 =	vperm.xlane v2, v0;
	_ =	sdelay $0x1  }
0xbc: {  	v2 =	vadd.s32 v1, v2;
	_ =	sdelay $0x4  }
0xbd: {  	[tilespmem:s1], [sflag:$0x4] =	stream.indirect_vreg.gather [hbm4b:s23+s4], $0x80, v2, vm0, $0xb8;
	[tilespmem:$0x9080] =	vst v63  }
0xbe: {  	s23 =	simm.s32 $0x5080  }
0xbf: {  	[tilespmem:s23], [sflag:$0x4] =	stream.indirect_vreg.gather [hbm4b:s7+s4], $0x80, v2, vm0, $0xb8;
	[tilespmem:$0x9080] =	vst v63  }
0xc0: {  	_ = 	snop  }
0xc1: {  	[tilespmem:s15], [sflag:$0x4] =	stream.indirect_vreg.gather [hbm4b:s8+s4], $0x80, v2, vm0, $0xb8;
	[tilespmem:$0x9080] =	vst v63  }
0xc2: {  	_ =	swait.ge [sflag:s12], $0x1800  }
0xc3: {  	[sflag:s12] =	ssyncset.done $0x0  }
0xc4: {  	s2 =	rddreg [dreg:$0xb];
	[sflag:s12] =	ssyncadd.s32 $0xFFFFE800  }
0xc5: {  	[hbm4b:s2+s4] =	stream.linear.scatter [tilespmem:s14], [sflag:$0x7], $0x1800, $0x38;
	[tilespmem:$0x9080] =	vst v63  }
0xc6: {  	_ =	swait.ge [sflag:s25], $0x1800  }
0xc7: {  	[sflag:s25] =	ssyncset.done $0x0  }
0xc8: {  	s3 =	rddreg [dreg:$0xc];
	[sflag:s25] =	ssyncadd.s32 $0xFFFFE800  }
0xc9: {  	[hbm4b:s3+s4] =	stream.linear.scatter [tilespmem:s17], [sflag:$0x8], $0x1800, $0x38;
	[tilespmem:$0x9080] =	vst v63  }
0xca: {  	_ =	swait.ge [sflag:s28], $0x1800  }
0xcb: {  	[sflag:s28] =	ssyncset.done $0x0  }
0xcc: {  	s10 =	rddreg [dreg:$0xd];
	[sflag:s28] =	ssyncadd.s32 $0xFFFFE800  }
0xcd: {  	[hbm4b:s10+s4] =	stream.linear.scatter [tilespmem:s20], [sflag:$0x9], $0x1800, $0x38;
	[tilespmem:$0x9080] =	vst v63  }
0xce: {  	_ =	swait.ge [sflag:s30], $0x1800  }
0xcf: {  	[sflag:s30] =	ssyncset.done $0x0  }
0xd0: {  	s19 =	simm.s32 $0xB;
	s11 =	rddreg [dreg:$0xe];
	[sflag:s30] =	ssyncadd.s32 $0xFFFFE800  }
0xd1: {  	[hbm4b:s11+s4] =	stream.linear.scatter [tilespmem:s1], [sflag:$0xA], $0x1800, $0x38;
	[tilespmem:$0x9080] =	vst v63  }
0xd2: {  	_ =	swait.ge [sflag:s19], $0x1800  }
0xd3: {  	[sflag:s19] =	ssyncset.done $0x0  }
0xd4: {  	s23 =	simm.s32 $0xC;
	[sflag:s19] =	ssyncadd.s32 $0xFFFFE800  }
0xd5: {  	_ =	swait.ge [sflag:s23], $0x1800  }
0xd6: {  	[sflag:s23] =	ssyncset.done $0x0  }
0xd7: {  	[sflag:s23] =	ssyncadd.s32 $0xFFFFE800  }
0xd8: {  	_ =	swait.ge [sflag:s29], $0x1800  }
0xd9: {  	[sflag:s29] =	ssyncset.done $0x0  }
0xda: {  	[sflag:s29] =	ssyncadd.s32 $0xFFFFE800  }
0xdb: {  	_ =	swait.ge [sflag:s31], $0x1800  }
0xdc: {  	[sflag:s31] =	ssyncset.done $0x0  }
0xdd: {  	[sflag:s31] =	ssyncadd.s32 $0xFFFFE800  }
0xde: {  	p0 =	sne.s32 s9, $0x1;
	_ =	swait.ge [sflag:s0], $0x1800  }
.Ltmp0:
0xdf: {  	[sflag:s0] =	ssyncset.done $0x0;
	(pc) =	sbr.rel @p0 .LBB2_1-.Ltmp0, $4  }
0xe0: {  	[sflag:s0] =	ssyncadd.s32 $0xFFFFE800  }
0xe1: {  	_ =	swait.ge [sflag:s13], $0x1800  }
0xe2: {  	[sflag:s13] =	ssyncset.done $0x0  }
0xe3: {  	s9 =	sadd.s32 $0xFFFFFFFF, s9;
	[sflag:s13] =	ssyncadd.s32 $0xFFFFE800  }
0xe4: {  	_ =	sfence.sel $0x180000  }
0xe5: {  	[bflag:$0x0] =	sbarrier.arrive $0xFFFF  }
0xe6: {  	_ =	strace $0x90000047  }
0xe7: {  	s0 =	stileid.u32;
	[bflag:$0x2] =	sbarrier.arrive $0xFFFF  }
0xe8: {  	p0 =	sne.s32 s0, $0x0;
	s0 =	rddreg [dreg:$0x3]  }
0xe9: {  	s0 =	sadd.s32 @!p0 $0x100000, s0  }
0xea: {  	[sflag:s0] =	ssyncadd.tile.s32 @!p0 $0x1;
	_ =	shalt  }
.Lfunc_end2:
_tile_overlayer_lowered:
.L_overlay_start_2:
0xeb: {  	(tag) =	ssettag $0x2  }
0xec: {  	s0 =	rddreg [dreg:$0x0];
	s2 =	stileid.u32  }
0xed: {  	s1 =	rddreg [dreg:$0x1];
	p0 =	sne.s32 s2, $0x0  }
0xee: {  	s3 =	rddreg [dreg:$0x2];
	[bflag:$0x3] =	sbarrier.arrive $0xFFFF;
	s2 =	simm.s32 @!p0 $0x1C0D  }
0xef: {  	[timem:s3], [sflag:s2] =	dma.local @!p0 [hbm:s0], s1  }
0xf0: {  	s0 =	simm.s32 @!p0 $0xD  }
0xf1: {  	_ =	swait.ge @!p0 [sflag:s0], s1  }
0xf2: {  	s1 =	ssub.s32 @!p0 $0x0, s1;
	[sflag:s0] =	ssyncset.done @!p0 $0x0  }
0xf3: {  	[sflag:s0] =	ssyncadd.s32 @!p0 s1  }
0xf4: {  	[bflag:$0x3] =	sbarrier.arrive $0xFFFF  }
0xf5: {  	_ =	shalt  }

// kernel: kernel.9.cloned.1.call-start
scs
__scs_entry_jumppad:
0x0: {  	(pc) =	sbr.rel $0x88, $3  }
0x1: {  	(tag) =	ssettag $0x0;
	lr =	simm.s32 $0x1  }
0x2: {  	[smem:$0x3F9D] =	sst lr;
	_ =	strace $0xD0000000  }
0x3: {  	_ = 	snop  }
0x4: {  	_ = 	snop  }
0x5: {  	_ = 	snop  }
0x6: {  	_ = 	snop  }
0x7: {  	_ = 	snop  }
__scs_overlays_trampoline_lowered:
0x8: {  	[smem:$0x3FAC] =	sst s0  }
0x9: {  	[smem:$0x3FAD] =	sst s1  }
0xa: {  	[smem:$0x3FAE] =	sst s2  }
0xb: {  	[smem:$0x3FAF] =	sst s3  }
0xc: {  	[smem:$0x3FB0] =	sst s4  }
0xd: {  	[smem:$0x3FB1] =	sst s5  }
0xe: {  	[smem:$0x3FB2] =	sst s6  }
0xf: {  	[smem:$0x3FB3] =	sst s7  }
0x10: {  	[smem:$0x3FB4] =	sst s8  }
0x11: {  	[smem:$0x3FB5] =	sst s9;
	s0 =	simm.s32 @!p0 $0x0  }
0x12: {  	s1 =	sld [smem:$0x3F9B];
	s0 =	simm.s32 @p0 $0x1  }
0x13: {  	[smem:$0x3FB6] =	sst s0;
	s0 =	simm.s32 @!p1 $0x0  }
0x14: {  	s2 =	sld [smem:$0x3F9A];
	s0 =	simm.s32 @p1 $0x1  }
0x15: {  	[smem:$0x3FB7] =	sst s0;
	s0 =	simm.s32 @!p2 $0x0  }
0x16: {  	s3 =	sld [smem:$0x3FDB];
	s0 =	simm.s32 @p2 $0x1  }
0x17: {  	s4 =	simm.s32 $0x1BF5;
	[smem:$0x3FB9] =	sst s0  }
0x18: {  	s0 =	sld [smem:$0x3F9C];
	_ =	swait.ge [sflag:s4], $0x0  }
0x19: {  	s7 =	sld [smem:$0x3F9D]  }
0x1a: {  	s8 =	sadd.s32 $0xFFFFE003, lr  }
0x1b: {  	s9 =	sadd.s32 $0xFFFFFEF7, lr;
	s5 =	simm.s32 $0xFFFFFFFF;
	p2 =	slt.u32 s8, $0xFFFFF086  }
0x1c: {  	p1 =	slt.u32 s9, $0xF7A;
	s5 =	simm.s32 @!p2 $0x0  }
0x1d: {  	s5 =	simm.s32 @p1 $0x1;
	p0 =	seq.s32 s7, s2  }
0x1e: {  	s7 =	smul.u32 @!p0 $0xF7A, s2;
	p2 =	seq.s32 @!p0 s5, $0x0  }
0x1f: {  	s9 =	smul.u32 $0xF7A, s1;
	s8 =	simm.s32 @!p0 $0x1BF5;
	p2 =	por !p2, p0  }
0x20: {  	[sflag:s8] =	ssyncset.s32 @!p0 $0xFFFFF086;
	s6 =	sadd.s32 @!p0 s3, s7;
	s7 =	simm.s32 @!p0 $0x108  }
0x21: {  	s3 =	sadd.s32 s3, s9;
	s6 =	sadd.s32 @!p0 $0x88, s6;
	s7 =	simm.s32 @p2 $0x1082  }
0x22: {  	[simem:s7], [sflag:s8] =	dma.local @!p0 [hbm:s6], $0xF7A  }
0x23: {  	s9 =	sor.u32 $0xD0000000, s2;
	s6 =	simm.s32 $0x108;
	_ =	swait.ge @!p0 [sflag:s8], $0x0  }
0x24: {  	s3 =	sadd.s32 $0x88, s3;
	s6 =	simm.s32 @!p1 $0x1082;
	[sflag:s4] =	ssyncset.s32 $0xFFFFF086  }
0x25: {  	[simem:s6], [sflag:s4] =	dma.local [hbm:s3], $0xF7A  }
0x26: {  	[smem:$0x3F9D] =	sst s1;
	(tag) =	ssettag s2;
	_ =	strace s9  }
0x27: {  	s1 =	sld [smem:$0x3FAD]  }
0x28: {  	s2 =	sld [smem:$0x3FAE]  }
0x29: {  	s4 =	sld [smem:$0x3FB0]  }
0x2a: {  	p0 =	seq.s32 s5, $0x0;
	s5 =	sld [smem:$0x3FB1]  }
0x2b: {  	s6 =	sld [smem:$0x3FB2]  }
0x2c: {  	s7 =	sld [smem:$0x3FB3]  }
0x2d: {  	s3 =	simm.s32 $0x108;
	s8 =	sld [smem:$0x3FB4]  }
0x2e: {  	s3 =	simm.s32 @!p0 $0x1082;
	s9 =	sld [smem:$0x3FB5]  }
0x2f: {  	lr =	sadd.s32 s0, s3;
	s0 =	sld [smem:$0x3FAC]  }
0x30: {  	s3 =	sld [smem:$0x3FAF]  }
0x31: {  	[smem:$0x3FB8] =	sst s10  }
0x32: {  	s10 =	sld [smem:$0x3FB6];
	_ =	sdelay $0x3  }
0x33: {  	p0 =	seq.s32 s10, $0x1;
	s10 =	sld [smem:$0x3FB8];
	_ =	sdelay $0x3  }
0x34: {  	[smem:$0x3FB8] =	sst s10  }
0x35: {  	s10 =	sld [smem:$0x3FB7];
	_ =	sdelay $0x3  }
0x36: {  	p1 =	seq.s32 s10, $0x1;
	s10 =	sld [smem:$0x3FB8];
	_ =	sdelay $0x3  }
0x37: {  	[smem:$0x3FB8] =	sst s10  }
0x38: {  	s10 =	sld [smem:$0x3FB9]  }
0x39: {  	_ = 	snop;
	(pc) =	sbr.ind lr, $3  }
0x3a: {  	_ = 	snop  }
0x3b: {  	_ = 	snop  }
0x3c: {  	p2 =	seq.s32 s10, $0x1;
	s10 =	sld [smem:$0x3FB8]  }
0x3d: {  	_ =	shalt  }
0x3e: {  	_ =	shalt  }
0x3f: {  	_ =	shalt  }
0x40: {  	_ =	shalt  }
0x41: {  	_ =	shalt  }
0x42: {  	_ =	shalt  }
0x43: {  	_ =	shalt  }
0x44: {  	_ =	shalt  }
0x45: {  	_ =	shalt  }
0x46: {  	_ =	shalt  }
0x47: {  	_ =	shalt  }
0x48: {  	_ =	shalt  }
0x49: {  	_ =	shalt  }
0x4a: {  	_ =	shalt  }
0x4b: {  	_ =	shalt  }
0x4c: {  	_ =	shalt  }
0x4d: {  	_ =	shalt  }
0x4e: {  	_ =	shalt  }
0x4f: {  	_ =	shalt  }
0x50: {  	_ =	shalt  }
0x51: {  	_ =	shalt  }
0x52: {  	_ =	shalt  }
0x53: {  	_ =	shalt  }
0x54: {  	_ =	shalt  }
0x55: {  	_ =	shalt  }
0x56: {  	_ =	shalt  }
0x57: {  	_ =	shalt  }
0x58: {  	_ =	shalt  }
0x59: {  	_ =	shalt  }
0x5a: {  	_ =	shalt  }
0x5b: {  	_ =	shalt  }
0x5c: {  	_ =	shalt  }
0x5d: {  	_ =	shalt  }
0x5e: {  	_ =	shalt  }
0x5f: {  	_ =	shalt  }
0x60: {  	_ =	shalt  }
0x61: {  	_ =	shalt  }
0x62: {  	_ =	shalt  }
0x63: {  	_ =	shalt  }
0x64: {  	_ =	shalt  }
0x65: {  	_ =	shalt  }
0x66: {  	_ =	shalt  }
0x67: {  	_ =	shalt  }
0x68: {  	_ =	shalt  }
0x69: {  	_ =	shalt  }
0x6a: {  	_ =	shalt  }
0x6b: {  	_ =	shalt  }
0x6c: {  	_ =	shalt  }
0x6d: {  	_ =	shalt  }
0x6e: {  	_ =	shalt  }
0x6f: {  	_ =	shalt  }
0x70: {  	_ =	shalt  }
0x71: {  	_ =	shalt  }
0x72: {  	_ =	shalt  }
0x73: {  	_ =	shalt  }
0x74: {  	_ =	shalt  }
0x75: {  	_ =	shalt  }
0x76: {  	_ =	shalt  }
0x77: {  	_ =	shalt  }
0x78: {  	_ =	shalt  }
0x79: {  	_ =	shalt  }
0x7a: {  	_ =	shalt  }
0x7b: {  	_ =	shalt  }
0x7c: {  	_ =	shalt  }
0x7d: {  	_ =	shalt  }
0x7e: {  	_ =	shalt  }
0x7f: {  	_ =	shalt  }
0x80: {  	_ =	shalt  }
0x81: {  	_ =	shalt  }
0x82: {  	_ =	shalt  }
0x83: {  	_ =	shalt  }
0x84: {  	_ =	shalt  }
0x85: {  	_ =	shalt  }
0x86: {  	_ =	shalt  }
0x87: {  	_ =	shalt  }
.Lfunc_end0:
.L_simem_size_0:
called_computation.1_lowered:
.L_overlay_start_0:
0x88: {  	s2 =	sld [smem:$0x3FD9]  }
0x89: {  	s3 =	sld [smem:$0x3FFE];
	_ =	sdelay $0x1  }
0x8a: {  	s1 =	srdreg.scid  }
0x8b: {  	s0 =	sand.u32 $0x1, s1  }
0x8c: {  	s17 =	sshll.u32 s0, $0xA;
	s2 =	sadd.s32 s3, s2  }
0x8d: {  	s2 =	sadd.s32 s2, s17  }
0x8e: {  	[smem:$0x3FC4] =	sst s2  }
0x8f: {  	_ = 	snop  }
0x90: {  	s18 =	sld [smem:$0x3FC7]  }
0x91: {  	s4 =	sld [smem:$0x3FC6];
	(tm) =	ssettm $0x1  }
0x92: {  	s19 =	sld [smem:$0x3FFB];
	_ =	sdelay $0x3  }
0x93: {  	_ =	strace s19  }
0x94: {  	s2 =	sld [smem:$0x3FFC];
	_ =	sdelay $0x3  }
0x95: {  	_ =	strace s2  }
0x96: {  	s2 =	sld [smem:$0x3FFD];
	_ =	sdelay $0x3  }
0x97: {  	_ =	strace s2  }
0x98: {  	_ =	strace $0x8FFFFFFF  }
0x99: {  	s20 =	sld [smem:$0x3FDB];
	_ =	sdelay $0x1  }
0x9a: {  	s5 =	simm.s32 $_scs_section_size  }
0x9b: {  	s6 =	simm.s32 $_size__tile_overlayer_lowered;
	s7 =	simm.s32 $_tile_overlayer_lowered  }
0x9c: {  	s8 =	simm.s32 $0x1BFF;
	s21 =	sshll.u32 s7, $0x1;
	s5 =	sadd.s32 s5, s20  }
0x9d: {  	s22 =	simm.s32 $0x0;
	s6 =	sshll.u32 s6, $0x1;
	s7 =	sadd.s32 s21, s5  }
0x9e: {  	[timem:s22], [sflag:s8] =	dma.local [hbm:s7], s6  }
0x9f: {  	_ =	swait.ge [sflag:s8], s6  }
0xa0: {  	s6 =	ssub.s32 $0x0, s6;
	[sflag:s8] =	ssyncset.done $0x0  }
0xa1: {  	[sflag:s8] =	ssyncadd.s32 s6;
	_ =	sdelay $0x1  }
0xa2: {  	s23 =	simm.s32 $0x1B8B  }
0xa3: {  	_ =	swait.ge [sflag:s23], $0x1  }
0xa4: {  	[sflag:s23] =	ssyncset.done $0x0  }
0xa5: {  	[sflag:s23] =	ssyncadd.s32 $0xFFFFFFFF  }
0xa6: {  	s6 =	sld [smem:$0x0]  }
0xa7: {  	s7 =	sand.u32 $0xFFFFFFFE, s1  }
0xa8: {  	p0 =	sne.s32 s1, s7  }
0xa9: {  	s7 =	sshll.u32 @p0 s7, $0xE  }
0xaa: {  	s7 =	sadd.s32 @p0 $0x11B8D, s7;
	s8 =	sshll.u32 @p0 s6, $0x11  }
0xab: {  	s7 =	sor.u32 @p0 s8, s7  }
0xac: {  	[sflag:s7] =	ssyncadd.remote.s32 @p0 $0x1;
	_ =	sdelay $0x1  }
0xad: {  	s7 =	simm.s32 @p0 $0x1B8D  }
0xae: {  	_ =	swait.eq @p0 [sflag:s7], $0x1  }
0xaf: {  	[sflag:s7] =	ssyncadd.s32 @p0 $0xFFFFFFFF  }
0xb0: {  	s8 =	sshll.u32 @!p0 s1, $0xE  }
0xb1: {  	s8 =	sor.u32 @!p0 $0x4000, s8;
	s7 =	simm.s32 @!p0 $0x1B8D  }
0xb2: {  	s6 =	sshll.u32 @!p0 s6, $0x11;
	s8 =	sadd.s32 @!p0 $0x11B8D, s8;
	_ =	swait.eq @!p0 [sflag:s7], $0x1  }
0xb3: {  	s6 =	sor.u32 @!p0 s6, s8;
	[sflag:s7] =	ssyncadd.s32 @!p0 $0xFFFFFFFF  }
0xb4: {  	s25 =	simm.s32 $0x1B8E;
	s24 =	sld [smem:$0x3FFE];
	[sflag:s6] =	ssyncadd.remote.s32 @!p0 $0x1  }
0xb5: {  	s26 =	simm.s32 $execute0_lowered;
	[smem:$0x3FD2] =	sst s25  }
0xb6: {  	s7 =	sshll.u32 s26, $0x1;
	_ =	strace $0x80000049;
	[dreg:$0x1] =	wrdreg $0xFFFFFFFF  }
0xb7: {  	s28 =	simm.s32 $_size_execute0_lowered;
	s5 =	sadd.s32 s5, s7;
	[dreg:$0x0] =	wrdreg $0x0  }
0xb8: {  	s7 =	sshll.u32 s28, $0x1;
	[dreg:$0x2] =	wrdreg s5  }
0xb9: {  	[dreg:$0x3] =	wrdreg s7  }
0xba: {  	[dreg:$0x4] =	wrdreg $0xC0  }
0xbb: {  	_ =	task [dreg:s22], $0x5FFFF  }
0xbc: {  	[dreg:$0x1] =	wrdreg $0xFFFFFFFF  }
0xbd: {  	[dreg:$0x0] =	wrdreg $0x60  }
0xbe: {  	[dreg:$0x2] =	wrdreg s18  }
0xbf: {  	[dreg:$0x3] =	wrdreg s4  }
0xc0: {  	[dreg:$0x4] =	wrdreg s24  }
0xc1: {  	[dreg:$0x5] =	wrdreg $0xA  }
0xc2: {  	_ =	task.clear_ibuf [dreg:s22], $0x6FFFF;
	_ =	strace $0x90000049  }
0xc3: {  	s29 =	simm.s32 $0xA;
	_ =	strace $0x8000004B  }
0xc4: {  	_ =	swait.ge [sflag:s29], $0x1  }
0xc5: {  	[sflag:s29] =	ssyncadd.s32 $0xFFFFFFFF  }
0xc6: {  	_ =	strace $0x9000004B  }
0xc7: {  	_ =	sfence  }
0xc8: {  	s30 =	sld [smem:$0x0];
	_ =	sdelay $0x2  }
0xc9: {  	s31 =	sshll.u32 s1, $0xD;
	s1 =	sshrl.u32 s1, $0x2  }
0xca: {  	s4 =	sand.u32 $0x4000, s31;
	s1 =	sadd.s32 s1, s30  }
0xcb: {  	s0 =	sor.u32 s4, s0;
	s1 =	sshll.u32 s1, $0x11  }
0xcc: {  	s0 =	sor.u32 s1, s0  }
0xcd: {  	s0 =	sadd.s32 $0x8F2B, s0  }
0xce: {  	[sflag:s0] =	ssyncadd.remote.s32 $0x1  }
0xcf: {  	_ =	sfence.sel $0xFFFF  }
0xd0: {  	[dreg:$0x0] =	wrdreg $0xFFFFFFFF;
	(pc) =	sbr.abs _section_cstart, $3  }
0xd1: {  	[dreg:$0x1] =	wrdreg $0xFFFFFFFF  }
0xd2: {  	_ =	task.clear_ibuf [dreg:s22], $0x2FFFF;
	_ =	strace $0x9FFFFFFF  }
0xd3: {  	(tm) =	ssettm $0x7FFFFFFF  }
tec
execute0_lowered:
.L_overlay_start_1:
0x0: {  	(tag) =	ssettag $0x1  }
0x1: {  	s1 =	rddreg [dreg:$0x0]  }
0x2: {  	s0 =	srdreg.scid;
	s3 =	rddreg [dreg:$0x1]  }
0x3: {  	s2 =	stileid.u32;
	s5 =	rddreg [dreg:$0x2]  }
0x4: {  	s4 =	simm.s32 $0x0;
	s23 =	simm.s32 $0x6880;
	s24 =	simm.s32 $0x7080  }
0x5: {  	s25 =	simm.s32 $0x8080;
	s26 =	simm.s32 $0x8880;
	s28 =	simm.s32 $0x3  }
0x6: {  	s29 =	simm.s32 $0x7;
	s30 =	simm.s32 $0x4;
	[smem:$0x7FF] =	sst s4  }
0x7: {  	s31 =	simm.s32 $0x8;
	_ =	strace $0x8000004A;
	[dreg:$0xf] =	wrdreg s23  }
0x8: {  	s0 =	sand.u32 $0x1, s0;
	s2 =	sshll.u32 s2, $0x1;
	[dreg:$0x10] =	wrdreg s24  }
0x9: {  	s6 =	sadd.s32 $0x3E000, s5;
	s10 =	sadd.s32 $0x5C000, s5;
	[dreg:$0x11] =	wrdreg s25  }
0xa: {  	s2 =	sor.u32 s0, s2;
	s0 =	ssub.s32 $0x2, s0;
	[dreg:$0x12] =	wrdreg s26  }
0xb: {  	s25 =	simm.s32 $0x2;
	s2 =	smul.u32 $0x28, s2;
	s18 =	sshrl.u32 s0, $0x1  }
0xc: {  	s24 =	simm.s32 $0x2080;
	s26 =	simm.s32 $0x2880;
	s0 =	ssub.s32 s0, s18  }
0xd: {  	s7 =	sshrl.u32 s2, $0x3;
	s9 =	sadd.s32 $0x8, s2;
	s2 =	sadd.s32 $0x18, s2  }
0xe: {  	s8 =	sadd.s32 s5, s7;
	s7 =	smul.u32 $0x300, s7;
	s11 =	sshrl.u32 s9, $0x3  }
0xf: {  	s2 =	sshrl.u32 s2, $0x3;
	s5 =	sadd.s32 $0x100, s1;
	s9 =	smax.u32 s0, $0x1  }
0x10: {  	s0 =	simm.s32 $0x9;
	s8 =	sadd.s32 $0x1E80, s8;
	s2 =	smul.u32 $0x300, s2  }
0x11: {  	[dreg:$0x4] =	wrdreg s8;
	s12 =	sadd.s32 s6, s7;
	s8 =	smul.u32 $0x300, s11  }
0x12: {  	s13 =	sadd.s32 s10, s7;
	s16 =	sadd.s32 $0x600, s7;
	[dreg:$0x5] =	wrdreg s12  }
0x13: {  	s7 =	sadd.s32 $0xC00, s7;
	[dreg:$0x6] =	wrdreg s13;
	s17 =	sadd.s32 s6, s16  }
0x14: {  	s19 =	sadd.s32 s10, s16;
	s20 =	sadd.s32 s6, s2;
	s2 =	sadd.s32 s10, s2  }
0x15: {  	s21 =	sadd.s32 s6, s7;
	s22 =	sadd.s32 s10, s7;
	[dreg:$0x9] =	wrdreg s17  }
0x16: {  	s7 =	sadd.s32 $0x100, s3;
	s12 =	simm.s32 $0x1;
	[dreg:$0xa] =	wrdreg s19  }
0x17: {  	s13 =	simm.s32 $0xA;
	s16 =	simm.s32 $0x6080;
	[dreg:$0xb] =	wrdreg s20  }
0x18: {  	s14 =	sadd.s32 s6, s8;
	s15 =	sadd.s32 s10, s8;
	[dreg:$0xc] =	wrdreg s2  }
0x19: {  	s6 =	sadd.s32 $0x200, s1;
	[dreg:$0xd] =	wrdreg s21;
	s8 =	sadd.s32 $0x200, s3  }
0x1a: {  	v0 =	vlaneseq.u32;
	[dreg:$0xe] =	wrdreg s22;
	s21 =	simm.s32 $0x880;
	s22 =	simm.s32 $0x1080  }
0x1b: {  	v1 =	vshrl.u32 v0, $0x3;
	s17 =	simm.s32 $0x1880;
	s3 =	simm.s32 $0x4880;
	[dreg:$0x7] =	wrdreg s14  }
0x1c: {  	vm0 =	vmmov $0xffff;
	v0 =	vand.u32 $0x7, v0;
	v1 =	vmul.u32 $0x8, v1;
	[dreg:$0x8] =	wrdreg s15;
	s14 =	simm.s32 $0x80;
	s15 =	simm.s32 $0x5880  }
.LBB2_1:
0x1d: {  	s18 =	rddreg [dreg:$0x4];
	s10 =	simm.s32 $0xD  }
0x1e: {  	[tilespmem:s4], [sflag:$0xD] =	stream.linear.gather [hbm4b:s18+s4], $0x28, $0x38;
	[tilespmem:$0x9080] =	vst v63  }
0x1f: {  	_ =	swait.ge [sflag:s10], $0x28  }
0x20: {  	[sflag:s10] =	ssyncset.done $0x0  }
0x21: {  	[sflag:s10] =	ssyncadd.s32 $0xFFFFFFD8  }
0x22: {  	v2 =	vld.msk [tilespmem:$0x0], $0xff;
	_ =	sdelay $0x4  }
0x23: {  	v3 =	vshrl.u32 v2, $0x3  }
0x24: {  	v3 =	vmul.u32 $0x30, v3  }
0x25: {  	v2 =	vand.u32 $0x7, v2  }
0x26: {  	v2 =	vor.u32 v2, v3  }
0x27: {  	v2 =	vperm.xlane v2, v0;
	_ =	sdelay $0x1  }
0x28: {  	v2 =	vadd.s32 v1, v2;
	_ =	sdelay $0x3  }
0x29: {  	s20 =	rddreg [dreg:$0x0]  }
0x2a: {  	[tilespmem:s14], [sflag:$0x1] =	stream.indirect_vreg.gather [hbm4b:s20+s4], $0x80, v2, vm0, $0xb8;
	[tilespmem:$0x9080] =	vst v63  }
0x2b: {  	_ = 	snop  }
0x2c: {  	[tilespmem:s21], [sflag:$0x1] =	stream.indirect_vreg.gather [hbm4b:s5+s4], $0x80, v2, vm0, $0xb8;
	[tilespmem:$0x9080] =	vst v63  }
0x2d: {  	_ = 	snop  }
0x2e: {  	[tilespmem:s22], [sflag:$0x1] =	stream.indirect_vreg.gather [hbm4b:s6+s4], $0x80, v2, vm0, $0xb8;
	[tilespmem:$0x9080] =	vst v63  }
0x2f: {  	v2 =	vld.msk [tilespmem:$0x0], $0xff;
	_ =	sdelay $0x4  }
0x30: {  	v3 =	vshrl.u32 v2, $0x3  }
0x31: {  	v3 =	vmul.u32 $0x30, v3  }
0x32: {  	v2 =	vand.u32 $0x7, v2  }
0x33: {  	v2 =	vor.u32 v2, v3  }
0x34: {  	v2 =	vperm.xlane v2, v0;
	_ =	sdelay $0x1  }
0x35: {  	v2 =	vadd.s32 v1, v2;
	_ =	sdelay $0x3  }
0x36: {  	s23 =	rddreg [dreg:$0x1]  }
0x37: {  	[tilespmem:s17], [sflag:$0x2] =	stream.indirect_vreg.gather [hbm4b:s23+s4], $0x80, v2, vm0, $0xb8;
	[tilespmem:$0x9080] =	vst v63  }
0x38: {  	_ = 	snop  }
0x39: {  	[tilespmem:s24], [sflag:$0x2] =	stream.indirect_vreg.gather [hbm4b:s7+s4], $0x80, v2, vm0, $0xb8;
	[tilespmem:$0x9080] =	vst v63  }
0x3a: {  	_ = 	snop  }
0x3b: {  	[tilespmem:s26], [sflag:$0x2] =	stream.indirect_vreg.gather [hbm4b:s8+s4], $0x80, v2, vm0, $0xb8;
	[tilespmem:$0x9080] =	vst v63  }
0x3c: {  	v2 =	vld.msk [tilespmem:$0x8], $0xff;
	_ =	sdelay $0x4  }
0x3d: {  	v3 =	vshrl.u32 v2, $0x3  }
0x3e: {  	v3 =	vmul.u32 $0x30, v3  }
0x3f: {  	v2 =	vand.u32 $0x7, v2  }
0x40: {  	v2 =	vor.u32 v2, v3  }
0x41: {  	v2 =	vperm.xlane v2, v0;
	_ =	sdelay $0x1  }
0x42: {  	v2 =	vadd.s32 v1, v2;
	_ =	sdelay $0x3  }
0x43: {  	s1 =	simm.s32 $0x3080  }
0x44: {  	[tilespmem:s1], [sflag:$0x3] =	stream.indirect_vreg.gather [hbm4b:s20+s4], $0x80, v2, vm0, $0xb8;
	[tilespmem:$0x9080] =	vst v63  }
0x45: {  	s10 =	simm.s32 $0x3880  }
0x46: {  	[tilespmem:s10], [sflag:$0x3] =	stream.indirect_vreg.gather [hbm4b:s5+s4], $0x80, v2, vm0, $0xb8;
	[tilespmem:$0x9080] =	vst v63  }
0x47: {  	s2 =	simm.s32 $0x4080  }
0x48: {  	[tilespmem:s2], [sflag:$0x3] =	stream.indirect_vreg.gather [hbm4b:s6+s4], $0x80, v2, vm0, $0xb8;
	[tilespmem:$0x9080] =	vst v63  }
0x49: {  	v2 =	vld.msk [tilespmem:$0x8], $0xff;
	_ =	sdelay $0x4  }
0x4a: {  	v3 =	vshrl.u32 v2, $0x3  }
0x4b: {  	v3 =	vmul.u32 $0x30, v3  }
0x4c: {  	v2 =	vand.u32 $0x7, v2  }
0x4d: {  	v2 =	vor.u32 v2, v3  }
0x4e: {  	v2 =	vperm.xlane v2, v0;
	_ =	sdelay $0x1  }
0x4f: {  	v2 =	vadd.s32 v1, v2;
	_ =	sdelay $0x4  }
0x50: {  	[tilespmem:s3], [sflag:$0x4] =	stream.indirect_vreg.gather [hbm4b:s23+s4], $0x80, v2, vm0, $0xb8;
	[tilespmem:$0x9080] =	vst v63  }
0x51: {  	s11 =	simm.s32 $0x5080  }
0x52: {  	[tilespmem:s11], [sflag:$0x4] =	stream.indirect_vreg.gather [hbm4b:s7+s4], $0x80, v2, vm0, $0xb8;
	[tilespmem:$0x9080] =	vst v63  }
0x53: {  	_ = 	snop  }
0x54: {  	[tilespmem:s15], [sflag:$0x4] =	stream.indirect_vreg.gather [hbm4b:s8+s4], $0x80, v2, vm0, $0xb8;
	[tilespmem:$0x9080] =	vst v63  }
0x55: {  	_ =	swait.ge [sflag:s12], $0x1800  }
0x56: {  	[sflag:s12] =	ssyncset.done $0x0  }
0x57: {  	s19 =	rddreg [dreg:$0x5];
	[sflag:s12] =	ssyncadd.s32 $0xFFFFE800  }
0x58: {  	[hbm4b:s19+s4] =	stream.linear.scatter [tilespmem:s14], [sflag:$0x7], $0x1800, $0x38;
	[tilespmem:$0x9080] =	vst v63  }
0x59: {  	v2 =	vld.msk [tilespmem:$0x10], $0xff;
	_ =	sdelay $0x4  }
0x5a: {  	v3 =	vshrl.u32 v2, $0x3  }
0x5b: {  	v3 =	vmul.u32 $0x30, v3  }
0x5c: {  	v2 =	vand.u32 $0x7, v2  }
0x5d: {  	v2 =	vor.u32 v2, v3  }
0x5e: {  	v2 =	vperm.xlane v2, v0;
	_ =	sdelay $0x1  }
0x5f: {  	v2 =	vadd.s32 v1, v2;
	_ =	sdelay $0x4  }
0x60: {  	[tilespmem:s16], [sflag:$0x5] =	stream.indirect_vreg.gather [hbm4b:s20+s4], $0x80, v2, vm0, $0xb8;
	[tilespmem:$0x9080] =	vst v63  }
0x61: {  	s11 =	rddreg [dreg:$0xf]  }
0x62: {  	[tilespmem:s11], [sflag:$0x5] =	stream.indirect_vreg.gather [hbm4b:s5+s4], $0x80, v2, vm0, $0xb8;
	[tilespmem:$0x9080] =	vst v63  }
0x63: {  	s19 =	rddreg [dreg:$0x10]  }
0x64: {  	[tilespmem:s19], [sflag:$0x5] =	stream.indirect_vreg.gather [hbm4b:s6+s4], $0x80, v2, vm0, $0xb8;
	[tilespmem:$0x9080] =	vst v63  }
0x65: {  	_ =	swait.ge [sflag:s25], $0x1800  }
0x66: {  	[sflag:s25] =	ssyncset.done $0x0  }
0x67: {  	s11 =	rddreg [dreg:$0x6];
	[sflag:s25] =	ssyncadd.s32 $0xFFFFE800  }
0x68: {  	[hbm4b:s11+s4] =	stream.linear.scatter [tilespmem:s17], [sflag:$0x8], $0x1800, $0x38;
	[tilespmem:$0x9080] =	vst v63  }
0x69: {  	v2 =	vld.msk [tilespmem:$0x10], $0xff;
	_ =	sdelay $0x4  }
0x6a: {  	v3 =	vshrl.u32 v2, $0x3  }
0x6b: {  	v3 =	vmul.u32 $0x30, v3  }
0x6c: {  	v2 =	vand.u32 $0x7, v2  }
0x6d: {  	v2 =	vor.u32 v2, v3  }
0x6e: {  	v2 =	vperm.xlane v2, v0;
	_ =	sdelay $0x1  }
0x6f: {  	v2 =	vadd.s32 v1, v2;
	_ =	sdelay $0x3  }
0x70: {  	s11 =	simm.s32 $0x7880  }
0x71: {  	[tilespmem:s11], [sflag:$0x6] =	stream.indirect_vreg.gather [hbm4b:s23+s4], $0x80, v2, vm0, $0xb8;
	[tilespmem:$0x9080] =	vst v63  }
0x72: {  	s18 =	rddreg [dreg:$0x11]  }
0x73: {  	[tilespmem:s18], [sflag:$0x6] =	stream.indirect_vreg.gather [hbm4b:s7+s4], $0x80, v2, vm0, $0xb8;
	[tilespmem:$0x9080] =	vst v63  }
0x74: {  	s19 =	rddreg [dreg:$0x12]  }
0x75: {  	[tilespmem:s19], [sflag:$0x6] =	stream.indirect_vreg.gather [hbm4b:s8+s4], $0x80, v2, vm0, $0xb8;
	[tilespmem:$0x9080] =	vst v63  }
0x76: {  	_ =	swait.ge [sflag:s28], $0x1800  }
0x77: {  	[sflag:s28] =	ssyncset.done $0x0  }
0x78: {  	s19 =	rddreg [dreg:$0x7];
	[sflag:s28] =	ssyncadd.s32 $0xFFFFE800  }
0x79: {  	[hbm4b:s19+s4] =	stream.linear.scatter [tilespmem:s1], [sflag:$0x9], $0x1800, $0x38;
	[tilespmem:$0x9080] =	vst v63  }
0x7a: {  	_ =	swait.ge [sflag:s29], $0x1800  }
0x7b: {  	[sflag:s29] =	ssyncset.done $0x0  }
0x7c: {  	[sflag:s29] =	ssyncadd.s32 $0xFFFFE800  }
0x7d: {  	v2 =	vld.msk [tilespmem:$0x18], $0xff;
	_ =	sdelay $0x4  }
0x7e: {  	v3 =	vshrl.u32 v2, $0x3  }
0x7f: {  	v3 =	vmul.u32 $0x30, v3  }
0x80: {  	v2 =	vand.u32 $0x7, v2  }
0x81: {  	v2 =	vor.u32 v2, v3  }
0x82: {  	v2 =	vperm.xlane v2, v0;
	_ =	sdelay $0x1  }
0x83: {  	v2 =	vadd.s32 v1, v2;
	_ =	sdelay $0x4  }
0x84: {  	[tilespmem:s14], [sflag:$0x1] =	stream.indirect_vreg.gather [hbm4b:s20+s4], $0x80, v2, vm0, $0xb8;
	[tilespmem:$0x9080] =	vst v63  }
0x85: {  	_ = 	snop  }
0x86: {  	[tilespmem:s21], [sflag:$0x1] =	stream.indirect_vreg.gather [hbm4b:s5+s4], $0x80, v2, vm0, $0xb8;
	[tilespmem:$0x9080] =	vst v63  }
0x87: {  	_ = 	snop  }
0x88: {  	[tilespmem:s22], [sflag:$0x1] =	stream.indirect_vreg.gather [hbm4b:s6+s4], $0x80, v2, vm0, $0xb8;
	[tilespmem:$0x9080] =	vst v63  }
0x89: {  	_ =	swait.ge [sflag:s30], $0x1800  }
0x8a: {  	[sflag:s30] =	ssyncset.done $0x0  }
0x8b: {  	s19 =	rddreg [dreg:$0x8];
	[sflag:s30] =	ssyncadd.s32 $0xFFFFE800  }
0x8c: {  	[hbm4b:s19+s4] =	stream.linear.scatter [tilespmem:s3], [sflag:$0xA], $0x1800, $0x38;
	[tilespmem:$0x9080] =	vst v63  }
0x8d: {  	_ =	swait.ge [sflag:s31], $0x1800  }
0x8e: {  	[sflag:s31] =	ssyncset.done $0x0  }
0x8f: {  	[sflag:s31] =	ssyncadd.s32 $0xFFFFE800  }
0x90: {  	v2 =	vld.msk [tilespmem:$0x18], $0xff;
	_ =	sdelay $0x4  }
0x91: {  	v3 =	vshrl.u32 v2, $0x3  }
0x92: {  	v3 =	vmul.u32 $0x30, v3  }
0x93: {  	v2 =	vand.u32 $0x7, v2  }
0x94: {  	v2 =	vor.u32 v2, v3  }
0x95: {  	v2 =	vperm.xlane v2, v0;
	_ =	sdelay $0x1  }
0x96: {  	v2 =	vadd.s32 v1, v2;
	_ =	sdelay $0x4  }
0x97: {  	[tilespmem:s17], [sflag:$0x2] =	stream.indirect_vreg.gather [hbm4b:s23+s4], $0x80, v2, vm0, $0xb8;
	[tilespmem:$0x9080] =	vst v63  }
0x98: {  	_ = 	snop  }
0x99: {  	[tilespmem:s24], [sflag:$0x2] =	stream.indirect_vreg.gather [hbm4b:s7+s4], $0x80, v2, vm0, $0xb8;
	[tilespmem:$0x9080] =	vst v63  }
0x9a: {  	s19 =	simm.s32 $0x5  }
0x9b: {  	[tilespmem:s26], [sflag:$0x2] =	stream.indirect_vreg.gather [hbm4b:s8+s4], $0x80, v2, vm0, $0xb8;
	[tilespmem:$0x9080] =	vst v63  }
0x9c: {  	_ =	swait.ge [sflag:s19], $0x1800  }
0x9d: {  	[sflag:s19] =	ssyncset.done $0x0  }
0x9e: {  	s18 =	rddreg [dreg:$0x9];
	[sflag:s19] =	ssyncadd.s32 $0xFFFFE800  }
0x9f: {  	[hbm4b:s18+s4] =	stream.linear.scatter [tilespmem:s16], [sflag:$0xB], $0x1800, $0x38;
	[tilespmem:$0x9080] =	vst v63  }
0xa0: {  	_ =	swait.ge [sflag:s0], $0x1800  }
0xa1: {  	[sflag:s0] =	ssyncset.done $0x0  }
0xa2: {  	[sflag:s0] =	ssyncadd.s32 $0xFFFFE800  }
0xa3: {  	v2 =	vld.msk [tilespmem:$0x20], $0xff;
	_ =	sdelay $0x4  }
0xa4: {  	v3 =	vshrl.u32 v2, $0x3  }
0xa5: {  	v3 =	vmul.u32 $0x30, v3  }
0xa6: {  	v2 =	vand.u32 $0x7, v2  }
0xa7: {  	v2 =	vor.u32 v2, v3  }
0xa8: {  	v2 =	vperm.xlane v2, v0;
	_ =	sdelay $0x1  }
0xa9: {  	v2 =	vadd.s32 v1, v2;
	_ =	sdelay $0x4  }
0xaa: {  	[tilespmem:s1], [sflag:$0x3] =	stream.indirect_vreg.gather [hbm4b:s20+s4], $0x80, v2, vm0, $0xb8;
	[tilespmem:$0x9080] =	vst v63  }
0xab: {  	_ = 	snop  }
0xac: {  	[tilespmem:s10], [sflag:$0x3] =	stream.indirect_vreg.gather [hbm4b:s5+s4], $0x80, v2, vm0, $0xb8;
	[tilespmem:$0x9080] =	vst v63  }
0xad: {  	s19 =	simm.s32 $0x6  }
0xae: {  	[tilespmem:s2], [sflag:$0x3] =	stream.indirect_vreg.gather [hbm4b:s6+s4], $0x80, v2, vm0, $0xb8;
	[tilespmem:$0x9080] =	vst v63  }
0xaf: {  	_ =	swait.ge [sflag:s19], $0x1800  }
0xb0: {  	[sflag:s19] =	ssyncset.done $0x0  }
0xb1: {  	s20 =	rddreg [dreg:$0xa];
	[sflag:s19] =	ssyncadd.s32 $0xFFFFE800  }
0xb2: {  	[hbm4b:s20+s4] =	stream.linear.scatter [tilespmem:s11], [sflag:$0xC], $0x1800, $0x38;
	[tilespmem:$0x9080] =	vst v63  }
0xb3: {  	_ =	swait.ge [sflag:s13], $0x1800  }
0xb4: {  	[sflag:s13] =	ssyncset.done $0x0  }
0xb5: {  	[sflag:s13] =	ssyncadd.s32 $0xFFFFE800  }
0xb6: {  	v2 =	vld.msk [tilespmem:$0x20], $0xff;
	_ =	sdelay $0x4  }
0xb7: {  	v3 =	vshrl.u32 v2, $0x3  }
0xb8: {  	v3 =	vmul.u32 $0x30, v3  }
0xb9: {  	v2 =	vand.u32 $0x7, v2  }
0xba: {  	v2 =	vor.u32 v2, v3  }
0xbb: {  	v2 =	vperm.xlane v2, v0;
	_ =	sdelay $0x1  }
0xbc: {  	v2 =	vadd.s32 v1, v2;
	_ =	sdelay $0x4  }
0xbd: {  	[tilespmem:s3], [sflag:$0x4] =	stream.indirect_vreg.gather [hbm4b:s23+s4], $0x80, v2, vm0, $0xb8;
	[tilespmem:$0x9080] =	vst v63  }
0xbe: {  	s23 =	simm.s32 $0x5080  }
0xbf: {  	[tilespmem:s23], [sflag:$0x4] =	stream.indirect_vreg.gather [hbm4b:s7+s4], $0x80, v2, vm0, $0xb8;
	[tilespmem:$0x9080] =	vst v63  }
0xc0: {  	_ = 	snop  }
0xc1: {  	[tilespmem:s15], [sflag:$0x4] =	stream.indirect_vreg.gather [hbm4b:s8+s4], $0x80, v2, vm0, $0xb8;
	[tilespmem:$0x9080] =	vst v63  }
0xc2: {  	_ =	swait.ge [sflag:s12], $0x1800  }
0xc3: {  	[sflag:s12] =	ssyncset.done $0x0  }
0xc4: {  	s2 =	rddreg [dreg:$0xb];
	[sflag:s12] =	ssyncadd.s32 $0xFFFFE800  }
0xc5: {  	[hbm4b:s2+s4] =	stream.linear.scatter [tilespmem:s14], [sflag:$0x7], $0x1800, $0x38;
	[tilespmem:$0x9080] =	vst v63  }
0xc6: {  	_ =	swait.ge [sflag:s25], $0x1800  }
0xc7: {  	[sflag:s25] =	ssyncset.done $0x0  }
0xc8: {  	s10 =	rddreg [dreg:$0xc];
	[sflag:s25] =	ssyncadd.s32 $0xFFFFE800  }
0xc9: {  	[hbm4b:s10+s4] =	stream.linear.scatter [tilespmem:s17], [sflag:$0x8], $0x1800, $0x38;
	[tilespmem:$0x9080] =	vst v63  }
0xca: {  	_ =	swait.ge [sflag:s28], $0x1800  }
0xcb: {  	[sflag:s28] =	ssyncset.done $0x0  }
0xcc: {  	s11 =	rddreg [dreg:$0xd];
	[sflag:s28] =	ssyncadd.s32 $0xFFFFE800  }
0xcd: {  	[hbm4b:s11+s4] =	stream.linear.scatter [tilespmem:s1], [sflag:$0x9], $0x1800, $0x38;
	[tilespmem:$0x9080] =	vst v63  }
0xce: {  	_ =	swait.ge [sflag:s30], $0x1800  }
0xcf: {  	[sflag:s30] =	ssyncset.done $0x0  }
0xd0: {  	s20 =	simm.s32 $0xB;
	s19 =	rddreg [dreg:$0xe];
	[sflag:s30] =	ssyncadd.s32 $0xFFFFE800  }
0xd1: {  	[hbm4b:s19+s4] =	stream.linear.scatter [tilespmem:s3], [sflag:$0xA], $0x1800, $0x38;
	[tilespmem:$0x9080] =	vst v63  }
0xd2: {  	_ =	swait.ge [sflag:s20], $0x1800  }
0xd3: {  	[sflag:s20] =	ssyncset.done $0x0  }
0xd4: {  	s23 =	simm.s32 $0xC;
	[sflag:s20] =	ssyncadd.s32 $0xFFFFE800  }
0xd5: {  	_ =	swait.ge [sflag:s23], $0x1800  }
0xd6: {  	[sflag:s23] =	ssyncset.done $0x0  }
0xd7: {  	[sflag:s23] =	ssyncadd.s32 $0xFFFFE800  }
0xd8: {  	_ =	swait.ge [sflag:s29], $0x1800  }
0xd9: {  	[sflag:s29] =	ssyncset.done $0x0  }
0xda: {  	[sflag:s29] =	ssyncadd.s32 $0xFFFFE800  }
0xdb: {  	_ =	swait.ge [sflag:s31], $0x1800  }
0xdc: {  	[sflag:s31] =	ssyncset.done $0x0  }
0xdd: {  	[sflag:s31] =	ssyncadd.s32 $0xFFFFE800  }
0xde: {  	p0 =	sne.s32 s9, $0x1;
	_ =	swait.ge [sflag:s0], $0x1800  }
.Ltmp0:
0xdf: {  	[sflag:s0] =	ssyncset.done $0x0;
	(pc) =	sbr.rel @p0 .LBB2_1-.Ltmp0, $4  }
0xe0: {  	[sflag:s0] =	ssyncadd.s32 $0xFFFFE800  }
0xe1: {  	_ =	swait.ge [sflag:s13], $0x1800  }
0xe2: {  	[sflag:s13] =	ssyncset.done $0x0  }
0xe3: {  	s9 =	sadd.s32 $0xFFFFFFFF, s9;
	[sflag:s13] =	ssyncadd.s32 $0xFFFFE800  }
0xe4: {  	_ =	sfence.sel $0x180000  }
0xe5: {  	[bflag:$0x0] =	sbarrier.arrive $0xFFFF  }
0xe6: {  	_ =	strace $0x9000004A  }
0xe7: {  	s0 =	stileid.u32;
	[bflag:$0x2] =	sbarrier.arrive $0xFFFF  }
0xe8: {  	p0 =	sne.s32 s0, $0x0;
	s0 =	rddreg [dreg:$0x3]  }
0xe9: {  	s0 =	sadd.s32 @!p0 $0x100000, s0  }
0xea: {  	[sflag:s0] =	ssyncadd.tile.s32 @!p0 $0x1;
	_ =	shalt  }
.Lfunc_end2:
_tile_overlayer_lowered:
.L_overlay_start_2:
0xeb: {  	(tag) =	ssettag $0x2  }
0xec: {  	s0 =	rddreg [dreg:$0x0];
	s2 =	stileid.u32  }
0xed: {  	s1 =	rddreg [dreg:$0x1];
	p0 =	sne.s32 s2, $0x0  }
0xee: {  	s3 =	rddreg [dreg:$0x2];
	[bflag:$0x3] =	sbarrier.arrive $0xFFFF;
	s2 =	simm.s32 @!p0 $0x1C0D  }
0xef: {  	[timem:s3], [sflag:s2] =	dma.local @!p0 [hbm:s0], s1  }
0xf0: {  	s0 =	simm.s32 @!p0 $0xD  }
0xf1: {  	_ =	swait.ge @!p0 [sflag:s0], s1  }
0xf2: {  	s1 =	ssub.s32 @!p0 $0x0, s1;
	[sflag:s0] =	ssyncset.done @!p0 $0x0  }
0xf3: {  	[sflag:s0] =	ssyncadd.s32 @!p0 s1  }
0xf4: {  	[bflag:$0x3] =	sbarrier.arrive $0xFFFF  }
0xf5: {  	_ =	shalt  }

</sc_bundles>
